<compile_context>
chip_gen: v7x
topology: tpu7x:2x2x1
jax: 0.10.2.dev20260603
libtpu: 0.0.44.dev20260713+nightly
codegen_flags: <defaults>
</compile_context>

<pallas_src>
import jax
import jax.numpy as jnp
from jax import lax
from jax.experimental import pallas as pl
from jax.experimental.pallas import tpu as pltpu
from jax.experimental.pallas import tpu_sc as plsc

N = 10000
E = 320000
D = 128

NC = 2
NS = 16
NW = NC * NS
C = 128
CPW = 80
NCHUNKP = NW * CPW
EPAD = NCHUNKP * C - E
NACC = N + C
NCNT = 10240
RPT = 624
HCH = CPW // 2

_f32 = jnp.float32


def _zeros16():
    return jnp.zeros((16,), _f32)


def _make_sc_segsum(with_count):
    out_type = [jax.ShapeDtypeStruct((NC, N, D), _f32)]
    if with_count:
        out_type.append(jax.ShapeDtypeStruct((NCNT,), _f32))
        out_type.append(jax.ShapeDtypeStruct((NCNT,), _f32))

    scratch_types = [
        pltpu.VMEM_SHARED((NACC, D), _f32),
        pltpu.VMEM_SHARED((NCNT,), _f32),
        pltpu.VMEM((HCH, C), jnp.int32),
        pltpu.VMEM((HCH, C), jnp.int32),
        pltpu.VMEM((C, D), _f32),
        pltpu.VMEM((C, D), _f32),
        pltpu.VMEM((C,), _f32),
        pltpu.VMEM((512,), _f32),
        pltpu.SemaphoreType.DMA,
        pltpu.SemaphoreType.DMA,
    ]
    mesh = plsc.VectorSubcoreMesh(core_axis_name="c", subcore_axis_name="s",
                                  num_cores=NC, num_subcores=NS)

    def body(y, esrc2d, edst2d, *rest):
        if with_count:
            out, cnt_out0, cnt_out1 = rest[0], rest[1], rest[2]
            rest = rest[3:]
        else:
            out = rest[0]
            rest = rest[1:]
        (acc, cntacc, sidx2d, didx2d, rows0, rows1, ones, z1,
         sem0, sem1) = rest
        c = lax.axis_index("c")
        s = lax.axis_index("s")
        w = c * NS + s

        def zrow(r, _):
            for j in range(8):
                rows0[r, pl.ds(j * 16, 16)] = _zeros16()
            return 0
        lax.fori_loop(0, C, zrow, 0)
        for k in range(4):
            pltpu.sync_copy(rows0, acc.at[pl.ds(s * RPT + k * C, C)])
        pltpu.sync_copy(rows0.at[pl.ds(0, 112)],
                        acc.at[pl.ds(s * RPT + 4 * C, 112)])

        @pl.when(s == 0)
        def _():
            pltpu.sync_copy(rows0.at[pl.ds(0, 24)],
                            acc.at[pl.ds(NS * RPT, 24)])

        if with_count:
            @pl.when(s == 0)
            def _():
                def z1row(i, _):
                    z1[pl.ds(i * 16, 16)] = _zeros16()
                    return 0
                lax.fori_loop(0, 32, z1row, 0)
                for k in range(20):
                    pltpu.sync_copy(z1, cntacc.at[pl.ds(k * 512, 512)])

            for j in range(8):
                ones[pl.ds(j * 16, 16)] = jnp.ones((16,), _f32)

        crow = w * CPW
        plsc.subcore_barrier()

        def do_chunk(j, rows, sem):
            pltpu.make_async_copy(y.at[sidx2d.at[j]], rows, sem).wait()
            pltpu.sync_copy(rows, acc.at[didx2d.at[j]], add=True)
            if with_count:
                pltpu.sync_copy(ones, cntacc.at[didx2d.at[j]], add=True)

            @pl.when(j + 2 < HCH)
            def _():
                pltpu.async_copy(y.at[sidx2d.at[j + 2]], rows, sem)

        def pbody(p, _):
            do_chunk(2 * p, rows0, sem0)
            do_chunk(2 * p + 1, rows1, sem1)
            return 0

        for h in range(CPW // HCH):
            pltpu.sync_copy(esrc2d.at[pl.ds(crow + h * HCH, HCH)], sidx2d)
            pltpu.sync_copy(edst2d.at[pl.ds(crow + h * HCH, HCH)], didx2d)
            pltpu.async_copy(y.at[sidx2d.at[0]], rows0, sem0)
            pltpu.async_copy(y.at[sidx2d.at[1]], rows1, sem1)
            lax.fori_loop(0, HCH // 2, pbody, 0)

        plsc.subcore_barrier()

        pltpu.sync_copy(acc.at[pl.ds(s * RPT, RPT)],
                        out.at[c, pl.ds(s * RPT, RPT)])

        @pl.when(s == 0)
        def _():
            pltpu.sync_copy(acc.at[pl.ds(NS * RPT, 16)],
                            out.at[c, pl.ds(NS * RPT, 16)])
        if with_count:
            @pl.when(jnp.logical_and(s == 0, c == 0))
            def _():
                pltpu.sync_copy(cntacc, cnt_out0)

            @pl.when(jnp.logical_and(s == 0, c == 1))
            def _():
                pltpu.sync_copy(cntacc, cnt_out1)

    return pl.kernel(body, out_type=out_type, mesh=mesh,
                     scratch_types=scratch_types,
                     name="sc_segsum_cnt" if with_count else "sc_segsum")


_sc_cache = {}


def _sc_segsum_for(with_count):
    if with_count not in _sc_cache:
        _sc_cache[with_count] = _make_sc_segsum(with_count)
    return _sc_cache[with_count]


BLK = 2000
GRID = N // BLK

_full = lambda shape: pl.BlockSpec(shape, lambda i: tuple(0 for _ in shape))
_rows = lambda: pl.BlockSpec((BLK, D), lambda i: (i, 0))


def _tcy_body(x_ref, w2_ref, y_ref):
    y_ref[...] = jnp.dot(x_ref[...], w2_ref[...], preferred_element_type=_f32)


_tc_y = pl.pallas_call(
    _tcy_body,
    grid=(GRID,),
    in_specs=[_rows(), _full((D, D))],
    out_specs=_rows(),
    out_shape=jax.ShapeDtypeStruct((N, D), _f32),
    compiler_params=pltpu.CompilerParams(dimension_semantics=("parallel",)),
)


def _tch_body(x_ref, w1_ref, b1_ref, h_ref):
    h_ref[...] = jnp.dot(x_ref[...], w1_ref[...],
                         preferred_element_type=_f32) + b1_ref[...]


_tc_h = pl.pallas_call(
    _tch_body,
    grid=(GRID,),
    in_specs=[_rows(), _full((D, D)), _full((1, D))],
    out_specs=_rows(),
    out_shape=jax.ShapeDtypeStruct((N, D), _f32),
    compiler_params=pltpu.CompilerParams(dimension_semantics=("parallel",)),
)


def _combine(sp, cnt, b2):
    s = sp[0] + sp[1]
    return (s + cnt * b2) / jnp.maximum(cnt, 1.0)


def _tc2y_body(h1_ref, sp_ref, cnt_ref, b2a_ref, w2_ref, x2_ref, y_ref):
    mean = _combine(sp_ref[...], cnt_ref[...], b2a_ref[...])
    x2 = jnp.maximum(h1_ref[...] + mean, 0.0)
    x2_ref[...] = x2
    y_ref[...] = jnp.dot(x2, w2_ref[...], preferred_element_type=_f32)


_tc2y = pl.pallas_call(
    _tc2y_body,
    grid=(GRID,),
    in_specs=[_rows(),
              pl.BlockSpec((2, BLK, D), lambda i: (0, i, 0)),
              pl.BlockSpec((BLK, 1), lambda i: (i, 0)),
              _full((1, D)), _full((D, D))],
    out_specs=[_rows(), _rows()],
    out_shape=[jax.ShapeDtypeStruct((N, D), _f32)] * 2,
    compiler_params=pltpu.CompilerParams(dimension_semantics=("parallel",)),
)


def _tc3_body(h2_ref, sp_ref, cnt_ref, b2b_ref, o_ref):
    mean = _combine(sp_ref[...], cnt_ref[...], b2b_ref[...])
    o_ref[...] = h2_ref[...] + mean


_tc3 = pl.pallas_call(
    _tc3_body,
    grid=(GRID,),
    in_specs=[_rows(),
              pl.BlockSpec((2, BLK, D), lambda i: (0, i, 0)),
              pl.BlockSpec((BLK, 1), lambda i: (i, 0)),
              _full((1, D))],
    out_specs=_rows(),
    out_shape=jax.ShapeDtypeStruct((N, D), _f32),
    compiler_params=pltpu.CompilerParams(dimension_semantics=("parallel",)),
)


def kernel(inp, edge_index, W1a, b1a, W2a, b2a, W1b, b1b, W2b, b2b):
    ei = edge_index.astype(jnp.int32)
    esrc2d = jnp.concatenate(
        [ei[0], jnp.arange(EPAD, dtype=jnp.int32) % C]
    ).reshape(NCHUNKP, C)
    edst2d = jnp.concatenate(
        [ei[1], N + (jnp.arange(EPAD, dtype=jnp.int32) % C)]
    ).reshape(NCHUNKP, C)
    y1 = _tc_y(inp, W2a)
    sp1, cnt0, cnt1 = _sc_segsum_for(True)(y1, esrc2d, edst2d)
    h1 = _tc_h(inp, W1a, b1a.reshape(1, D))
    cnt = (cnt0 + cnt1)[:N].reshape(N, 1)
    x2, y2 = _tc2y(h1, sp1, cnt, b2a.reshape(1, D), W2b)
    (sp2,) = _sc_segsum_for(False)(y2, esrc2d, edst2d)
    h2 = _tc_h(x2, W1b, b1b.reshape(1, D))
    return _tc3(h2, sp2, cnt, b2b.reshape(1, D))

# --- scband reference (transcript-rebuilt; emitter-appended) ---
"""Pipeline reference for scband-graph-sage-14929306321143 (READ-ONLY COPY).

The authoritative reference and input builder live on the scoring server;
editing this copy changes nothing except your own understanding.
"""

import jax, jax.numpy as jnp
import numpy as np

N = 10000
E = 320000
D_IN = 128
D_HID = 128
D_OUT = 128


def glorot(key, shape):
    fan_in, fan_out = shape[0], shape[1]
    limit = jnp.sqrt(6.0 / (fan_in + fan_out))
    return jax.random.uniform(key, shape, minval=-limit, maxval=limit, dtype=jnp.float32)


def setup_inputs(seed: int = 0) -> dict:
    key = jax.random.key(seed)
    ks = jax.random.split(key, 10)
    inp = jax.random.normal(ks[0], (N, D_IN), dtype=jnp.float32)
    edge_index = jax.random.randint(ks[1], (2, E), 0, N, dtype=jnp.int64)
    # conv1 params: w1 (self), w2 (neighbor)
    W1a = glorot(ks[2], (D_IN, D_HID))
    b1a = jnp.zeros((D_HID,), dtype=jnp.float32)
    W2a = glorot(ks[3], (D_IN, D_HID))
    b2a = jnp.zeros((D_HID,), dtype=jnp.float32)
    # conv2 params
    W1b = glorot(ks[4], (D_HID, D_OUT))
    b1b = jnp.zeros((D_OUT,), dtype=jnp.float32)
    W2b = glorot(ks[5], (D_HID, D_OUT))
    b2b = jnp.zeros((D_OUT,), dtype=jnp.float32)
    return {"inp": inp, "edge_index": edge_index,
            "W1a": W1a, "b1a": b1a, "W2a": W2a, "b2a": b2a,
            "W1b": W1b, "b1b": b1b, "W2b": W2b, "b2b": b2b}


def sage_conv(x, edge_index, W1, b1, W2, b2):
    # wh_1 = Linear(x)
    wh_1 = x @ W1 + b1
    # gather source-node features
    x_j = x[edge_index[0]]
    wh_2 = x_j @ W2 + b2
    # scatter-mean onto destination nodes
    num_nodes = x.shape[0]
    s = jax.ops.segment_sum(wh_2, edge_index[1], num_segments=num_nodes)
    cnt = jax.ops.segment_sum(jnp.ones((edge_index.shape[1],), dtype=jnp.float32),
                              edge_index[1], num_segments=num_nodes)
    mean = s / jnp.clip(cnt, 1.0, None)[:, None]
    return wh_1 + mean


def reference(inp, edge_index, W1a, b1a, W2a, b2a, W1b, b1b, W2b, b2b):
    x = sage_conv(inp, edge_index, W1a, b1a, W2a, b2a)
    x = jax.nn.relu(x)
    # dropout is identity in eval mode
    x = sage_conv(x, edge_index, W1b, b1b, W2b, b2b)
    # is_class=False, residual=False -> return x
    return x

if __name__ == "__main__":
    import jax
    _d = setup_inputs()
    print(jax.jit(kernel)(*tuple(_d.values())))

</pallas_src>

<mosaic_0001>
#map = affine_map<(d0, d1) -> (0, 0)>
#map1 = affine_map<(d0, d1) -> (0, 0, 0)>
#map2 = affine_map<(d0, d1) -> (0)>
module attributes {stable_mosaic.version = 14 : i64} {
  func.func @sc_segsum_cnt(%arg0: i32, %arg1: i32, %arg2: memref<10000x128xf32, #tpu.memory_space<hbm>>, %arg3: memref<2560x128xi32, #tpu.memory_space<hbm>>, %arg4: memref<2560x128xi32, #tpu.memory_space<hbm>>, %arg5: memref<2x10000x128xf32, #tpu.memory_space<hbm>>, %arg6: memref<10240xf32, #tpu.memory_space<hbm>>, %arg7: memref<10240xf32, #tpu.memory_space<hbm>>, %arg8: memref<10128x128xf32, #tpu.memory_space<vmem_shared>>, %arg9: memref<10240xf32, #tpu.memory_space<vmem_shared>>, %arg10: memref<40x128xi32, #tpu.memory_space<vmem>>, %arg11: memref<40x128xi32, #tpu.memory_space<vmem>>, %arg12: memref<128x128xf32, #tpu.memory_space<vmem>>, %arg13: memref<128x128xf32, #tpu.memory_space<vmem>>, %arg14: memref<128xf32, #tpu.memory_space<vmem>>, %arg15: memref<512xf32, #tpu.memory_space<vmem>>, %arg16: memref<!tpu.dma_semaphore, #tpu.memory_space<semaphore_mem>>, %arg17: memref<!tpu.dma_semaphore, #tpu.memory_space<semaphore_mem>>) attributes {dimension_semantics = [#tpu.dimension_semantics<core_parallel>, #tpu.dimension_semantics<subcore_parallel>], iteration_bounds = array<i64: 2, 16>, scalar_prefetch = 0 : i64, scratch_operands = 10 : i64, tpu.core_type = #tpu.core_type<sc_vector_subcore>, window_params = [{transform_indices = #map}, {transform_indices = #map}, {transform_indices = #map}, {transform_indices = #map1}, {transform_indices = #map2}, {transform_indices = #map2}]} {
    %mul3A = arith.constant 16 : i32
    %mul3A_0 = arith.muli %arg0, %mul3A : i32
    %add3A = arith.addi %mul3A_0, %arg1 : i32
    %scan3A = arith.constant 0 : i32
    %scan3A_1 = arith.constant 0 : i32
    %scan3A_2 = arith.constant 128 : i32
    %scan3A_3 = arith.addi %scan3A_1, %scan3A_2 : i32
    %scan3A_4 = arith.constant 1 : i32
    %scan3A_5 = scf.for %scan3A_156 = %scan3A_1 to %scan3A_3 step %scan3A_4 iter_args(%scan3A_157 = %scan3A) -> (i32)  : i32 {
      %broadcast_in_dim3A_158 = arith.constant 0.000000e+00 : f32
      %broadcast_in_dim3A_159 = vector.broadcast %broadcast_in_dim3A_158 : f32 to vector<16xf32>
      %swap3A_160 = arith.index_cast %scan3A_156 : i32 to index
      %swap3A_161 = arith.constant 0 : index
      %swap3A_162 = tpu.vector_load %arg12[%swap3A_160, %swap3A_161] {strides = array<i32>} : memref<128x128xf32, #tpu.memory_space<vmem>>, vector<1x16xf32>,
      %swap3A_163 = vector.shape_cast %swap3A_162 : vector<1x16xf32> to vector<16xf32>
      %swap3A_164 = vector.shape_cast %broadcast_in_dim3A_159 : vector<16xf32> to vector<1x16xf32>
      tpu.vector_store %arg12[%swap3A_160, %swap3A_161], %swap3A_164 {strides = array<i32>} : memref<128x128xf32, #tpu.memory_space<vmem>>, vector<1x16xf32>,
      %broadcast_in_dim3A_165 = arith.constant 0.000000e+00 : f32
      %broadcast_in_dim3A_166 = vector.broadcast %broadcast_in_dim3A_165 : f32 to vector<16xf32>
      %swap3A_167 = arith.index_cast %scan3A_156 : i32 to index
      %swap3A_168 = arith.constant 16 : index
      %swap3A_169 = tpu.vector_load %arg12[%swap3A_167, %swap3A_168] {strides = array<i32>} : memref<128x128xf32, #tpu.memory_space<vmem>>, vector<1x16xf32>,
      %swap3A_170 = vector.shape_cast %swap3A_169 : vector<1x16xf32> to vector<16xf32>
      %swap3A_171 = vector.shape_cast %broadcast_in_dim3A_166 : vector<16xf32> to vector<1x16xf32>
      tpu.vector_store %arg12[%swap3A_167, %swap3A_168], %swap3A_171 {strides = array<i32>} : memref<128x128xf32, #tpu.memory_space<vmem>>, vector<1x16xf32>,
      %broadcast_in_dim3A_172 = arith.constant 0.000000e+00 : f32
      %broadcast_in_dim3A_173 = vector.broadcast %broadcast_in_dim3A_172 : f32 to vector<16xf32>
      %swap3A_174 = arith.index_cast %scan3A_156 : i32 to index
      %swap3A_175 = arith.constant 32 : index
      %swap3A_176 = tpu.vector_load %arg12[%swap3A_174, %swap3A_175] {strides = array<i32>} : memref<128x128xf32, #tpu.memory_space<vmem>>, vector<1x16xf32>,
      %swap3A_177 = vector.shape_cast %swap3A_176 : vector<1x16xf32> to vector<16xf32>
      %swap3A_178 = vector.shape_cast %broadcast_in_dim3A_173 : vector<16xf32> to vector<1x16xf32>
      tpu.vector_store %arg12[%swap3A_174, %swap3A_175], %swap3A_178 {strides = array<i32>} : memref<128x128xf32, #tpu.memory_space<vmem>>, vector<1x16xf32>,
      %broadcast_in_dim3A_179 = arith.constant 0.000000e+00 : f32
      %broadcast_in_dim3A_180 = vector.broadcast %broadcast_in_dim3A_179 : f32 to vector<16xf32>
      %swap3A_181 = arith.index_cast %scan3A_156 : i32 to index
      %swap3A_182 = arith.constant 48 : index
      %swap3A_183 = tpu.vector_load %arg12[%swap3A_181, %swap3A_182] {strides = array<i32>} : memref<128x128xf32, #tpu.memory_space<vmem>>, vector<1x16xf32>,
      %swap3A_184 = vector.shape_cast %swap3A_183 : vector<1x16xf32> to vector<16xf32>
      %swap3A_185 = vector.shape_cast %broadcast_in_dim3A_180 : vector<16xf32> to vector<1x16xf32>
      tpu.vector_store %arg12[%swap3A_181, %swap3A_182], %swap3A_185 {strides = array<i32>} : memref<128x128xf32, #tpu.memory_space<vmem>>, vector<1x16xf32>,
      %broadcast_in_dim3A_186 = arith.constant 0.000000e+00 : f32
      %broadcast_in_dim3A_187 = vector.broadcast %broadcast_in_dim3A_186 : f32 to vector<16xf32>
      %swap3A_188 = arith.index_cast %scan3A_156 : i32 to index
      %swap3A_189 = arith.constant 64 : index
      %swap3A_190 = tpu.vector_load %arg12[%swap3A_188, %swap3A_189] {strides = array<i32>} : memref<128x128xf32, #tpu.memory_space<vmem>>, vector<1x16xf32>,
      %swap3A_191 = vector.shape_cast %swap3A_190 : vector<1x16xf32> to vector<16xf32>
      %swap3A_192 = vector.shape_cast %broadcast_in_dim3A_187 : vector<16xf32> to vector<1x16xf32>
      tpu.vector_store %arg12[%swap3A_188, %swap3A_189], %swap3A_192 {strides = array<i32>} : memref<128x128xf32, #tpu.memory_space<vmem>>, vector<1x16xf32>,
      %broadcast_in_dim3A_193 = arith.constant 0.000000e+00 : f32
      %broadcast_in_dim3A_194 = vector.broadcast %broadcast_in_dim3A_193 : f32 to vector<16xf32>
      %swap3A_195 = arith.index_cast %scan3A_156 : i32 to index
      %swap3A_196 = arith.constant 80 : index
      %swap3A_197 = tpu.vector_load %arg12[%swap3A_195, %swap3A_196] {strides = array<i32>} : memref<128x128xf32, #tpu.memory_space<vmem>>, vector<1x16xf32>,
      %swap3A_198 = vector.shape_cast %swap3A_197 : vector<1x16xf32> to vector<16xf32>
      %swap3A_199 = vector.shape_cast %broadcast_in_dim3A_194 : vector<16xf32> to vector<1x16xf32>
      tpu.vector_store %arg12[%swap3A_195, %swap3A_196], %swap3A_199 {strides = array<i32>} : memref<128x128xf32, #tpu.memory_space<vmem>>, vector<1x16xf32>,
      %broadcast_in_dim3A_200 = arith.constant 0.000000e+00 : f32
      %broadcast_in_dim3A_201 = vector.broadcast %broadcast_in_dim3A_200 : f32 to vector<16xf32>
      %swap3A_202 = arith.index_cast %scan3A_156 : i32 to index
      %swap3A_203 = arith.constant 96 : index
      %swap3A_204 = tpu.vector_load %arg12[%swap3A_202, %swap3A_203] {strides = array<i32>} : memref<128x128xf32, #tpu.memory_space<vmem>>, vector<1x16xf32>,
      %swap3A_205 = vector.shape_cast %swap3A_204 : vector<1x16xf32> to vector<16xf32>
      %swap3A_206 = vector.shape_cast %broadcast_in_dim3A_201 : vector<16xf32> to vector<1x16xf32>
      tpu.vector_store %arg12[%swap3A_202, %swap3A_203], %swap3A_206 {strides = array<i32>} : memref<128x128xf32, #tpu.memory_space<vmem>>, vector<1x16xf32>,
      %broadcast_in_dim3A_207 = arith.constant 0.000000e+00 : f32
      %broadcast_in_dim3A_208 = vector.broadcast %broadcast_in_dim3A_207 : f32 to vector<16xf32>
      %swap3A_209 = arith.index_cast %scan3A_156 : i32 to index
      %swap3A_210 = arith.constant 112 : index
      %swap3A_211 = tpu.vector_load %arg12[%swap3A_209, %swap3A_210] {strides = array<i32>} : memref<128x128xf32, #tpu.memory_space<vmem>>, vector<1x16xf32>,
      %swap3A_212 = vector.shape_cast %swap3A_211 : vector<1x16xf32> to vector<16xf32>
      %swap3A_213 = vector.shape_cast %broadcast_in_dim3A_208 : vector<16xf32> to vector<1x16xf32>
      tpu.vector_store %arg12[%swap3A_209, %swap3A_210], %swap3A_213 {strides = array<i32>} : memref<128x128xf32, #tpu.memory_space<vmem>>, vector<1x16xf32>,
      %scan3A_214 = arith.constant 0 : i32
      scf.yield %scan3A_214 : i32
    }
    %scan3A_6 = arith.constant 128 : i32
    %mul3A_7 = arith.constant 624 : i32
    %mul3A_8 = arith.muli %arg1, %mul3A_7 : i32
    %add3A_9 = arith.constant 0 : i32
    %add3A_10 = arith.addi %mul3A_8, %add3A_9 : i32
    "tpu.region"() ({
      %run_scoped3A = tpu.sem_alloc : memref<!tpu.dma_semaphore, #tpu.memory_space<semaphore_mem>>
      %dma_start3A_156 = arith.constant 0 : i32
      %dma_start3A_157 = tpu.memref_slice %arg8[%add3A_10, %dma_start3A_156] : memref<10128x128xf32, #tpu.memory_space<vmem_shared>> -> memref<128x128xf32, #tpu.memory_space<vmem_shared>>
      %dma_start3A_158 = arith.constant 0 : i32
      %dma_start3A_159 = tpu.memref_slice %arg8[%add3A_10, %dma_start3A_158] : memref<10128x128xf32, #tpu.memory_space<vmem_shared>> -> memref<128x128xf32, #tpu.memory_space<vmem_shared>>
      tpu.enqueue_dma source(%arg12 : memref<128x128xf32, #tpu.memory_space<vmem>>) target(%dma_start3A_159 : memref<128x128xf32, #tpu.memory_space<vmem_shared>>) target_semaphore(%run_scoped3A : memref<!tpu.dma_semaphore, #tpu.memory_space<semaphore_mem>>)
      %dma_wait3A = arith.constant 0 : i32
      %dma_wait3A_160 = tpu.memref_slice %arg8[%add3A_10, %dma_wait3A] : memref<10128x128xf32, #tpu.memory_space<vmem_shared>> -> memref<128x128xf32, #tpu.memory_space<vmem_shared>>
      %dma_wait3A_161 = arith.constant 0 : i32
      %dma_wait3A_162 = tpu.memref_slice %arg8[%add3A_10, %dma_wait3A_161] : memref<10128x128xf32, #tpu.memory_space<vmem_shared>> -> memref<128x128xf32, #tpu.memory_space<vmem_shared>>
      tpu.wait_dma2 semaphore(%run_scoped3A : memref<!tpu.dma_semaphore, #tpu.memory_space<semaphore_mem>>) src(%arg12 : memref<128x128xf32, #tpu.memory_space<vmem>>) dst(%dma_wait3A_162 : memref<128x128xf32, #tpu.memory_space<vmem_shared>>)
      tpu.yield
    }) : () -> ()
    %mul3A_11 = arith.constant 624 : i32
    %mul3A_12 = arith.muli %arg1, %mul3A_11 : i32
    %add3A_13 = arith.constant 128 : i32
    %add3A_14 = arith.addi %mul3A_12, %add3A_13 : i32
    "tpu.region"() ({
      %run_scoped3A = tpu.sem_alloc : memref<!tpu.dma_semaphore, #tpu.memory_space<semaphore_mem>>
      %dma_start3A_156 = arith.constant 0 : i32
      %dma_start3A_157 = tpu.memref_slice %arg8[%add3A_14, %dma_start3A_156] : memref<10128x128xf32, #tpu.memory_space<vmem_shared>> -> memref<128x128xf32, #tpu.memory_space<vmem_shared>>
      %dma_start3A_158 = arith.constant 0 : i32
      %dma_start3A_159 = tpu.memref_slice %arg8[%add3A_14, %dma_start3A_158] : memref<10128x128xf32, #tpu.memory_space<vmem_shared>> -> memref<128x128xf32, #tpu.memory_space<vmem_shared>>
      tpu.enqueue_dma source(%arg12 : memref<128x128xf32, #tpu.memory_space<vmem>>) target(%dma_start3A_159 : memref<128x128xf32, #tpu.memory_space<vmem_shared>>) target_semaphore(%run_scoped3A : memref<!tpu.dma_semaphore, #tpu.memory_space<semaphore_mem>>)
      %dma_wait3A = arith.constant 0 : i32
      %dma_wait3A_160 = tpu.memref_slice %arg8[%add3A_14, %dma_wait3A] : memref<10128x128xf32, #tpu.memory_space<vmem_shared>> -> memref<128x128xf32, #tpu.memory_space<vmem_shared>>
      %dma_wait3A_161 = arith.constant 0 : i32
      %dma_wait3A_162 = tpu.memref_slice %arg8[%add3A_14, %dma_wait3A_161] : memref<10128x128xf32, #tpu.memory_space<vmem_shared>> -> memref<128x128xf32, #tpu.memory_space<vmem_shared>>
      tpu.wait_dma2 semaphore(%run_scoped3A : memref<!tpu.dma_semaphore, #tpu.memory_space<semaphore_mem>>) src(%arg12 : memref<128x128xf32, #tpu.memory_space<vmem>>) dst(%dma_wait3A_162 : memref<128x128xf32, #tpu.memory_space<vmem_shared>>)
      tpu.yield
    }) : () -> ()
    %mul3A_15 = arith.constant 624 : i32
    %mul3A_16 = arith.muli %arg1, %mul3A_15 : i32
    %add3A_17 = arith.constant 256 : i32
    %add3A_18 = arith.addi %mul3A_16, %add3A_17 : i32
    "tpu.region"() ({
      %run_scoped3A = tpu.sem_alloc : memref<!tpu.dma_semaphore, #tpu.memory_space<semaphore_mem>>
      %dma_start3A_156 = arith.constant 0 : i32
      %dma_start3A_157 = tpu.memref_slice %arg8[%add3A_18, %dma_start3A_156] : memref<10128x128xf32, #tpu.memory_space<vmem_shared>> -> memref<128x128xf32, #tpu.memory_space<vmem_shared>>
      %dma_start3A_158 = arith.constant 0 : i32
      %dma_start3A_159 = tpu.memref_slice %arg8[%add3A_18, %dma_start3A_158] : memref<10128x128xf32, #tpu.memory_space<vmem_shared>> -> memref<128x128xf32, #tpu.memory_space<vmem_shared>>
      tpu.enqueue_dma source(%arg12 : memref<128x128xf32, #tpu.memory_space<vmem>>) target(%dma_start3A_159 : memref<128x128xf32, #tpu.memory_space<vmem_shared>>) target_semaphore(%run_scoped3A : memref<!tpu.dma_semaphore, #tpu.memory_space<semaphore_mem>>)
      %dma_wait3A = arith.constant 0 : i32
      %dma_wait3A_160 = tpu.memref_slice %arg8[%add3A_18, %dma_wait3A] : memref<10128x128xf32, #tpu.memory_space<vmem_shared>> -> memref<128x128xf32, #tpu.memory_space<vmem_shared>>
      %dma_wait3A_161 = arith.constant 0 : i32
      %dma_wait3A_162 = tpu.memref_slice %arg8[%add3A_18, %dma_wait3A_161] : memref<10128x128xf32, #tpu.memory_space<vmem_shared>> -> memref<128x128xf32, #tpu.memory_space<vmem_shared>>
      tpu.wait_dma2 semaphore(%run_scoped3A : memref<!tpu.dma_semaphore, #tpu.memory_space<semaphore_mem>>) src(%arg12 : memref<128x128xf32, #tpu.memory_space<vmem>>) dst(%dma_wait3A_162 : memref<128x128xf32, #tpu.memory_space<vmem_shared>>)
      tpu.yield
    }) : () -> ()
    %mul3A_19 = arith.constant 624 : i32
    %mul3A_20 = arith.muli %arg1, %mul3A_19 : i32
    %add3A_21 = arith.constant 384 : i32
    %add3A_22 = arith.addi %mul3A_20, %add3A_21 : i32
    "tpu.region"() ({
      %run_scoped3A = tpu.sem_alloc : memref<!tpu.dma_semaphore, #tpu.memory_space<semaphore_mem>>
      %dma_start3A_156 = arith.constant 0 : i32
      %dma_start3A_157 = tpu.memref_slice %arg8[%add3A_22, %dma_start3A_156] : memref<10128x128xf32, #tpu.memory_space<vmem_shared>> -> memref<128x128xf32, #tpu.memory_space<vmem_shared>>
      %dma_start3A_158 = arith.constant 0 : i32
      %dma_start3A_159 = tpu.memref_slice %arg8[%add3A_22, %dma_start3A_158] : memref<10128x128xf32, #tpu.memory_space<vmem_shared>> -> memref<128x128xf32, #tpu.memory_space<vmem_shared>>
      tpu.enqueue_dma source(%arg12 : memref<128x128xf32, #tpu.memory_space<vmem>>) target(%dma_start3A_159 : memref<128x128xf32, #tpu.memory_space<vmem_shared>>) target_semaphore(%run_scoped3A : memref<!tpu.dma_semaphore, #tpu.memory_space<semaphore_mem>>)
      %dma_wait3A = arith.constant 0 : i32
      %dma_wait3A_160 = tpu.memref_slice %arg8[%add3A_22, %dma_wait3A] : memref<10128x128xf32, #tpu.memory_space<vmem_shared>> -> memref<128x128xf32, #tpu.memory_space<vmem_shared>>
      %dma_wait3A_161 = arith.constant 0 : i32
      %dma_wait3A_162 = tpu.memref_slice %arg8[%add3A_22, %dma_wait3A_161] : memref<10128x128xf32, #tpu.memory_space<vmem_shared>> -> memref<128x128xf32, #tpu.memory_space<vmem_shared>>
      tpu.wait_dma2 semaphore(%run_scoped3A : memref<!tpu.dma_semaphore, #tpu.memory_space<semaphore_mem>>) src(%arg12 : memref<128x128xf32, #tpu.memory_space<vmem>>) dst(%dma_wait3A_162 : memref<128x128xf32, #tpu.memory_space<vmem_shared>>)
      tpu.yield
    }) : () -> ()
    %mul3A_23 = arith.constant 624 : i32
    %mul3A_24 = arith.muli %arg1, %mul3A_23 : i32
    %add3A_25 = arith.constant 512 : i32
    %add3A_26 = arith.addi %mul3A_24, %add3A_25 : i32
    "tpu.region"() ({
      %run_scoped3A = tpu.sem_alloc : memref<!tpu.dma_semaphore, #tpu.memory_space<semaphore_mem>>
      %dma_start3A_156 = arith.constant 0 : i32
      %dma_start3A_157 = arith.constant 0 : i32
      %dma_start3A_158 = tpu.memref_slice %arg12[%dma_start3A_156, %dma_start3A_157] : memref<128x128xf32, #tpu.memory_space<vmem>> -> memref<112x128xf32, #tpu.memory_space<vmem>>
      %dma_start3A_159 = arith.constant 0 : i32
      %dma_start3A_160 = tpu.memref_slice %arg8[%add3A_26, %dma_start3A_159] : memref<10128x128xf32, #tpu.memory_space<vmem_shared>> -> memref<112x128xf32, #tpu.memory_space<vmem_shared>>
      %dma_start3A_161 = arith.constant 0 : i32
      %dma_start3A_162 = tpu.memref_slice %arg8[%add3A_26, %dma_start3A_161] : memref<10128x128xf32, #tpu.memory_space<vmem_shared>> -> memref<112x128xf32, #tpu.memory_space<vmem_shared>>
      %dma_start3A_163 = arith.constant 0 : i32
      %dma_start3A_164 = arith.constant 0 : i32
      %dma_start3A_165 = tpu.memref_slice %arg12[%dma_start3A_163, %dma_start3A_164] : memref<128x128xf32, #tpu.memory_space<vmem>> -> memref<112x128xf32, #tpu.memory_space<vmem>>
      tpu.enqueue_dma source(%dma_start3A_165 : memref<112x128xf32, #tpu.memory_space<vmem>>) target(%dma_start3A_162 : memref<112x128xf32, #tpu.memory_space<vmem_shared>>) target_semaphore(%run_scoped3A : memref<!tpu.dma_semaphore, #tpu.memory_space<semaphore_mem>>)
      %dma_wait3A = arith.constant 0 : i32
      %dma_wait3A_166 = arith.constant 0 : i32
      %dma_wait3A_167 = tpu.memref_slice %arg12[%dma_wait3A, %dma_wait3A_166] : memref<128x128xf32, #tpu.memory_space<vmem>> -> memref<112x128xf32, #tpu.memory_space<vmem>>
      %dma_wait3A_168 = arith.constant 0 : i32
      %dma_wait3A_169 = tpu.memref_slice %arg8[%add3A_26, %dma_wait3A_168] : memref<10128x128xf32, #tpu.memory_space<vmem_shared>> -> memref<112x128xf32, #tpu.memory_space<vmem_shared>>
      %dma_wait3A_170 = arith.constant 0 : i32
      %dma_wait3A_171 = tpu.memref_slice %arg8[%add3A_26, %dma_wait3A_170] : memref<10128x128xf32, #tpu.memory_space<vmem_shared>> -> memref<112x128xf32, #tpu.memory_space<vmem_shared>>
      %dma_wait3A_172 = arith.constant 0 : i32
      %dma_wait3A_173 = arith.constant 0 : i32
      %dma_wait3A_174 = tpu.memref_slice %arg12[%dma_wait3A_172, %dma_wait3A_173] : memref<128x128xf32, #tpu.memory_space<vmem>> -> memref<112x128xf32, #tpu.memory_space<vmem>>
      tpu.wait_dma2 semaphore(%run_scoped3A : memref<!tpu.dma_semaphore, #tpu.memory_space<semaphore_mem>>) src(%dma_wait3A_174 : memref<112x128xf32, #tpu.memory_space<vmem>>) dst(%dma_wait3A_171 : memref<112x128xf32, #tpu.memory_space<vmem_shared>>)
      tpu.yield
    }) : () -> ()
    %eq3A = arith.constant 0 : i32
    %eq3A_27 = arith.cmpi eq, %arg1, %eq3A : i32
    %convert_element_type3A = arith.extui %eq3A_27 : i1 to i32
    %cond3A = arith.constant 0 : i32
    %cond3A_28 = arith.cmpi ne, %convert_element_type3A, %cond3A : i32
    scf.if %cond3A_28 {
      "tpu.region"() ({
        %run_scoped3A = tpu.sem_alloc : memref<!tpu.dma_semaphore, #tpu.memory_space<semaphore_mem>>
        %dma_start3A_156 = arith.constant 0 : i32
        %dma_start3A_157 = arith.constant 0 : i32
        %dma_start3A_158 = tpu.memref_slice %arg12[%dma_start3A_156, %dma_start3A_157] : memref<128x128xf32, #tpu.memory_space<vmem>> -> memref<24x128xf32, #tpu.memory_space<vmem>>
        %dma_start3A_159 = arith.constant 9984 : i32
        %dma_start3A_160 = arith.constant 0 : i32
        %dma_start3A_161 = tpu.memref_slice %arg8[%dma_start3A_159, %dma_start3A_160] : memref<10128x128xf32, #tpu.memory_space<vmem_shared>> -> memref<24x128xf32, #tpu.memory_space<vmem_shared>>
        %dma_start3A_162 = arith.constant 9984 : i32
        %dma_start3A_163 = arith.constant 0 : i32
        %dma_start3A_164 = tpu.memref_slice %arg8[%dma_start3A_162, %dma_start3A_163] : memref<10128x128xf32, #tpu.memory_space<vmem_shared>> -> memref<24x128xf32, #tpu.memory_space<vmem_shared>>
        %dma_start3A_165 = arith.constant 0 : i32
        %dma_start3A_166 = arith.constant 0 : i32
        %dma_start3A_167 = tpu.memref_slice %arg12[%dma_start3A_165, %dma_start3A_166] : memref<128x128xf32, #tpu.memory_space<vmem>> -> memref<24x128xf32, #tpu.memory_space<vmem>>
        tpu.enqueue_dma source(%dma_start3A_167 : memref<24x128xf32, #tpu.memory_space<vmem>>) target(%dma_start3A_164 : memref<24x128xf32, #tpu.memory_space<vmem_shared>>) target_semaphore(%run_scoped3A : memref<!tpu.dma_semaphore, #tpu.memory_space<semaphore_mem>>)
        %dma_wait3A = arith.constant 0 : i32
        %dma_wait3A_168 = arith.constant 0 : i32
        %dma_wait3A_169 = tpu.memref_slice %arg12[%dma_wait3A, %dma_wait3A_168] : memref<128x128xf32, #tpu.memory_space<vmem>> -> memref<24x128xf32, #tpu.memory_space<vmem>>
        %dma_wait3A_170 = arith.constant 9984 : i32
        %dma_wait3A_171 = arith.constant 0 : i32
        %dma_wait3A_172 = tpu.memref_slice %arg8[%dma_wait3A_170, %dma_wait3A_171] : memref<10128x128xf32, #tpu.memory_space<vmem_shared>> -> memref<24x128xf32, #tpu.memory_space<vmem_shared>>
        %dma_wait3A_173 = arith.constant 9984 : i32
        %dma_wait3A_174 = arith.constant 0 : i32
        %dma_wait3A_175 = tpu.memref_slice %arg8[%dma_wait3A_173, %dma_wait3A_174] : memref<10128x128xf32, #tpu.memory_space<vmem_shared>> -> memref<24x128xf32, #tpu.memory_space<vmem_shared>>
        %dma_wait3A_176 = arith.constant 0 : i32
        %dma_wait3A_177 = arith.constant 0 : i32
        %dma_wait3A_178 = tpu.memref_slice %arg12[%dma_wait3A_176, %dma_wait3A_177] : memref<128x128xf32, #tpu.memory_space<vmem>> -> memref<24x128xf32, #tpu.memory_space<vmem>>
        tpu.wait_dma2 semaphore(%run_scoped3A : memref<!tpu.dma_semaphore, #tpu.memory_space<semaphore_mem>>) src(%dma_wait3A_178 : memref<24x128xf32, #tpu.memory_space<vmem>>) dst(%dma_wait3A_175 : memref<24x128xf32, #tpu.memory_space<vmem_shared>>)
        tpu.yield
      }) : () -> ()
    } else {
    }
    %eq3A_29 = arith.constant 0 : i32
    %eq3A_30 = arith.cmpi eq, %arg1, %eq3A_29 : i32
    %convert_element_type3A_31 = arith.extui %eq3A_30 : i1 to i32
    %cond3A_32 = arith.constant 0 : i32
    %cond3A_33 = arith.cmpi ne, %convert_element_type3A_31, %cond3A_32 : i32
    scf.if %cond3A_33 {
      %scan3A_156 = arith.constant 0 : i32
      %scan3A_157 = arith.constant 0 : i32
      %scan3A_158 = arith.constant 32 : i32
      %scan3A_159 = arith.addi %scan3A_157, %scan3A_158 : i32
      %scan3A_160 = arith.constant 1 : i32
      %scan3A_161 = scf.for %scan3A_163 = %scan3A_157 to %scan3A_159 step %scan3A_160 iter_args(%scan3A_164 = %scan3A_156) -> (i32)  : i32 {
        %broadcast_in_dim3A_165 = arith.constant 0.000000e+00 : f32
        %broadcast_in_dim3A_166 = vector.broadcast %broadcast_in_dim3A_165 : f32 to vector<16xf32>
        %mul3A_167 = arith.constant 16 : i32
        %mul3A_168 = arith.muli %scan3A_163, %mul3A_167 : i32
        %swap3A_169 = arith.index_cast %mul3A_168 : i32 to index
        %swap3A_170 = tpu.vector_load %arg15[%swap3A_169] {strides = array<i32>} : memref<512xf32, #tpu.memory_space<vmem>>, vector<16xf32>,
        %swap3A_171 = vector.shape_cast %swap3A_170 : vector<16xf32> to vector<16xf32>
        %swap3A_172 = vector.shape_cast %broadcast_in_dim3A_166 : vector<16xf32> to vector<16xf32>
        tpu.vector_store %arg15[%swap3A_169], %swap3A_172 {strides = array<i32>} : memref<512xf32, #tpu.memory_space<vmem>>, vector<16xf32>,
        %scan3A_173 = arith.constant 0 : i32
        scf.yield %scan3A_173 : i32
      }
      %scan3A_162 = arith.constant 32 : i32
      "tpu.region"() ({
        %run_scoped3A = tpu.sem_alloc : memref<!tpu.dma_semaphore, #tpu.memory_space<semaphore_mem>>
        %dma_start3A_163 = arith.constant 0 : i32
        %dma_start3A_164 = tpu.memref_slice %arg9[%dma_start3A_163] : memref<10240xf32, #tpu.memory_space<vmem_shared>> -> memref<512xf32, #tpu.memory_space<vmem_shared>>
        %dma_start3A_165 = arith.constant 0 : i32
        %dma_start3A_166 = tpu.memref_slice %arg9[%dma_start3A_165] : memref<10240xf32, #tpu.memory_space<vmem_shared>> -> memref<512xf32, #tpu.memory_space<vmem_shared>>
        tpu.enqueue_dma source(%arg15 : memref<512xf32, #tpu.memory_space<vmem>>) target(%dma_start3A_166 : memref<512xf32, #tpu.memory_space<vmem_shared>>) target_semaphore(%run_scoped3A : memref<!tpu.dma_semaphore, #tpu.memory_space<semaphore_mem>>)
        %dma_wait3A = arith.constant 0 : i32
        %dma_wait3A_167 = tpu.memref_slice %arg9[%dma_wait3A] : memref<10240xf32, #tpu.memory_space<vmem_shared>> -> memref<512xf32, #tpu.memory_space<vmem_shared>>
        %dma_wait3A_168 = arith.constant 0 : i32
        %dma_wait3A_169 = tpu.memref_slice %arg9[%dma_wait3A_168] : memref<10240xf32, #tpu.memory_space<vmem_shared>> -> memref<512xf32, #tpu.memory_space<vmem_shared>>
        tpu.wait_dma2 semaphore(%run_scoped3A : memref<!tpu.dma_semaphore, #tpu.memory_space<semaphore_mem>>) src(%arg15 : memref<512xf32, #tpu.memory_space<vmem>>) dst(%dma_wait3A_169 : memref<512xf32, #tpu.memory_space<vmem_shared>>)
        tpu.yield
      }) : () -> ()
      "tpu.region"() ({
        %run_scoped3A = tpu.sem_alloc : memref<!tpu.dma_semaphore, #tpu.memory_space<semaphore_mem>>
        %dma_start3A_163 = arith.constant 512 : i32
        %dma_start3A_164 = tpu.memref_slice %arg9[%dma_start3A_163] : memref<10240xf32, #tpu.memory_space<vmem_shared>> -> memref<512xf32, #tpu.memory_space<vmem_shared>>
        %dma_start3A_165 = arith.constant 512 : i32
        %dma_start3A_166 = tpu.memref_slice %arg9[%dma_start3A_165] : memref<10240xf32, #tpu.memory_space<vmem_shared>> -> memref<512xf32, #tpu.memory_space<vmem_shared>>
        tpu.enqueue_dma source(%arg15 : memref<512xf32, #tpu.memory_space<vmem>>) target(%dma_start3A_166 : memref<512xf32, #tpu.memory_space<vmem_shared>>) target_semaphore(%run_scoped3A : memref<!tpu.dma_semaphore, #tpu.memory_space<semaphore_mem>>)
        %dma_wait3A = arith.constant 512 : i32
        %dma_wait3A_167 = tpu.memref_slice %arg9[%dma_wait3A] : memref<10240xf32, #tpu.memory_space<vmem_shared>> -> memref<512xf32, #tpu.memory_space<vmem_shared>>
        %dma_wait3A_168 = arith.constant 512 : i32
        %dma_wait3A_169 = tpu.memref_slice %arg9[%dma_wait3A_168] : memref<10240xf32, #tpu.memory_space<vmem_shared>> -> memref<512xf32, #tpu.memory_space<vmem_shared>>
        tpu.wait_dma2 semaphore(%run_scoped3A : memref<!tpu.dma_semaphore, #tpu.memory_space<semaphore_mem>>) src(%arg15 : memref<512xf32, #tpu.memory_space<vmem>>) dst(%dma_wait3A_169 : memref<512xf32, #tpu.memory_space<vmem_shared>>)
        tpu.yield
      }) : () -> ()
      "tpu.region"() ({
        %run_scoped3A = tpu.sem_alloc : memref<!tpu.dma_semaphore, #tpu.memory_space<semaphore_mem>>
        %dma_start3A_163 = arith.constant 1024 : i32
        %dma_start3A_164 = tpu.memref_slice %arg9[%dma_start3A_163] : memref<10240xf32, #tpu.memory_space<vmem_shared>> -> memref<512xf32, #tpu.memory_space<vmem_shared>>
        %dma_start3A_165 = arith.constant 1024 : i32
        %dma_start3A_166 = tpu.memref_slice %arg9[%dma_start3A_165] : memref<10240xf32, #tpu.memory_space<vmem_shared>> -> memref<512xf32, #tpu.memory_space<vmem_shared>>
        tpu.enqueue_dma source(%arg15 : memref<512xf32, #tpu.memory_space<vmem>>) target(%dma_start3A_166 : memref<512xf32, #tpu.memory_space<vmem_shared>>) target_semaphore(%run_scoped3A : memref<!tpu.dma_semaphore, #tpu.memory_space<semaphore_mem>>)
        %dma_wait3A = arith.constant 1024 : i32
        %dma_wait3A_167 = tpu.memref_slice %arg9[%dma_wait3A] : memref<10240xf32, #tpu.memory_space<vmem_shared>> -> memref<512xf32, #tpu.memory_space<vmem_shared>>
        %dma_wait3A_168 = arith.constant 1024 : i32
        %dma_wait3A_169 = tpu.memref_slice %arg9[%dma_wait3A_168] : memref<10240xf32, #tpu.memory_space<vmem_shared>> -> memref<512xf32, #tpu.memory_space<vmem_shared>>
        tpu.wait_dma2 semaphore(%run_scoped3A : memref<!tpu.dma_semaphore, #tpu.memory_space<semaphore_mem>>) src(%arg15 : memref<512xf32, #tpu.memory_space<vmem>>) dst(%dma_wait3A_169 : memref<512xf32, #tpu.memory_space<vmem_shared>>)
        tpu.yield
      }) : () -> ()
      "tpu.region"() ({
        %run_scoped3A = tpu.sem_alloc : memref<!tpu.dma_semaphore, #tpu.memory_space<semaphore_mem>>
        %dma_start3A_163 = arith.constant 1536 : i32
        %dma_start3A_164 = tpu.memref_slice %arg9[%dma_start3A_163] : memref<10240xf32, #tpu.memory_space<vmem_shared>> -> memref<512xf32, #tpu.memory_space<vmem_shared>>
        %dma_start3A_165 = arith.constant 1536 : i32
        %dma_start3A_166 = tpu.memref_slice %arg9[%dma_start3A_165] : memref<10240xf32, #tpu.memory_space<vmem_shared>> -> memref<512xf32, #tpu.memory_space<vmem_shared>>
        tpu.enqueue_dma source(%arg15 : memref<512xf32, #tpu.memory_space<vmem>>) target(%dma_start3A_166 : memref<512xf32, #tpu.memory_space<vmem_shared>>) target_semaphore(%run_scoped3A : memref<!tpu.dma_semaphore, #tpu.memory_space<semaphore_mem>>)
        %dma_wait3A = arith.constant 1536 : i32
        %dma_wait3A_167 = tpu.memref_slice %arg9[%dma_wait3A] : memref<10240xf32, #tpu.memory_space<vmem_shared>> -> memref<512xf32, #tpu.memory_space<vmem_shared>>
        %dma_wait3A_168 = arith.constant 1536 : i32
        %dma_wait3A_169 = tpu.memref_slice %arg9[%dma_wait3A_168] : memref<10240xf32, #tpu.memory_space<vmem_shared>> -> memref<512xf32, #tpu.memory_space<vmem_shared>>
        tpu.wait_dma2 semaphore(%run_scoped3A : memref<!tpu.dma_semaphore, #tpu.memory_space<semaphore_mem>>) src(%arg15 : memref<512xf32, #tpu.memory_space<vmem>>) dst(%dma_wait3A_169 : memref<512xf32, #tpu.memory_space<vmem_shared>>)
        tpu.yield
      }) : () -> ()
      "tpu.region"() ({
        %run_scoped3A = tpu.sem_alloc : memref<!tpu.dma_semaphore, #tpu.memory_space<semaphore_mem>>
        %dma_start3A_163 = arith.constant 2048 : i32
        %dma_start3A_164 = tpu.memref_slice %arg9[%dma_start3A_163] : memref<10240xf32, #tpu.memory_space<vmem_shared>> -> memref<512xf32, #tpu.memory_space<vmem_shared>>
        %dma_start3A_165 = arith.constant 2048 : i32
        %dma_start3A_166 = tpu.memref_slice %arg9[%dma_start3A_165] : memref<10240xf32, #tpu.memory_space<vmem_shared>> -> memref<512xf32, #tpu.memory_space<vmem_shared>>
        tpu.enqueue_dma source(%arg15 : memref<512xf32, #tpu.memory_space<vmem>>) target(%dma_start3A_166 : memref<512xf32, #tpu.memory_space<vmem_shared>>) target_semaphore(%run_scoped3A : memref<!tpu.dma_semaphore, #tpu.memory_space<semaphore_mem>>)
        %dma_wait3A = arith.constant 2048 : i32
        %dma_wait3A_167 = tpu.memref_slice %arg9[%dma_wait3A] : memref<10240xf32, #tpu.memory_space<vmem_shared>> -> memref<512xf32, #tpu.memory_space<vmem_shared>>
        %dma_wait3A_168 = arith.constant 2048 : i32
        %dma_wait3A_169 = tpu.memref_slice %arg9[%dma_wait3A_168] : memref<10240xf32, #tpu.memory_space<vmem_shared>> -> memref<512xf32, #tpu.memory_space<vmem_shared>>
        tpu.wait_dma2 semaphore(%run_scoped3A : memref<!tpu.dma_semaphore, #tpu.memory_space<semaphore_mem>>) src(%arg15 : memref<512xf32, #tpu.memory_space<vmem>>) dst(%dma_wait3A_169 : memref<512xf32, #tpu.memory_space<vmem_shared>>)
        tpu.yield
      }) : () -> ()
      "tpu.region"() ({
        %run_scoped3A = tpu.sem_alloc : memref<!tpu.dma_semaphore, #tpu.memory_space<semaphore_mem>>
        %dma_start3A_163 = arith.constant 2560 : i32
        %dma_start3A_164 = tpu.memref_slice %arg9[%dma_start3A_163] : memref<10240xf32, #tpu.memory_space<vmem_shared>> -> memref<512xf32, #tpu.memory_space<vmem_shared>>
        %dma_start3A_165 = arith.constant 2560 : i32
        %dma_start3A_166 = tpu.memref_slice %arg9[%dma_start3A_165] : memref<10240xf32, #tpu.memory_space<vmem_shared>> -> memref<512xf32, #tpu.memory_space<vmem_shared>>
        tpu.enqueue_dma source(%arg15 : memref<512xf32, #tpu.memory_space<vmem>>) target(%dma_start3A_166 : memref<512xf32, #tpu.memory_space<vmem_shared>>) target_semaphore(%run_scoped3A : memref<!tpu.dma_semaphore, #tpu.memory_space<semaphore_mem>>)
        %dma_wait3A = arith.constant 2560 : i32
        %dma_wait3A_167 = tpu.memref_slice %arg9[%dma_wait3A] : memref<10240xf32, #tpu.memory_space<vmem_shared>> -> memref<512xf32, #tpu.memory_space<vmem_shared>>
        %dma_wait3A_168 = arith.constant 2560 : i32
        %dma_wait3A_169 = tpu.memref_slice %arg9[%dma_wait3A_168] : memref<10240xf32, #tpu.memory_space<vmem_shared>> -> memref<512xf32, #tpu.memory_space<vmem_shared>>
        tpu.wait_dma2 semaphore(%run_scoped3A : memref<!tpu.dma_semaphore, #tpu.memory_space<semaphore_mem>>) src(%arg15 : memref<512xf32, #tpu.memory_space<vmem>>) dst(%dma_wait3A_169 : memref<512xf32, #tpu.memory_space<vmem_shared>>)
        tpu.yield
      }) : () -> ()
      "tpu.region"() ({
        %run_scoped3A = tpu.sem_alloc : memref<!tpu.dma_semaphore, #tpu.memory_space<semaphore_mem>>
        %dma_start3A_163 = arith.constant 3072 : i32
        %dma_start3A_164 = tpu.memref_slice %arg9[%dma_start3A_163] : memref<10240xf32, #tpu.memory_space<vmem_shared>> -> memref<512xf32, #tpu.memory_space<vmem_shared>>
        %dma_start3A_165 = arith.constant 3072 : i32
        %dma_start3A_166 = tpu.memref_slice %arg9[%dma_start3A_165] : memref<10240xf32, #tpu.memory_space<vmem_shared>> -> memref<512xf32, #tpu.memory_space<vmem_shared>>
        tpu.enqueue_dma source(%arg15 : memref<512xf32, #tpu.memory_space<vmem>>) target(%dma_start3A_166 : memref<512xf32, #tpu.memory_space<vmem_shared>>) target_semaphore(%run_scoped3A : memref<!tpu.dma_semaphore, #tpu.memory_space<semaphore_mem>>)
        %dma_wait3A = arith.constant 3072 : i32
        %dma_wait3A_167 = tpu.memref_slice %arg9[%dma_wait3A] : memref<10240xf32, #tpu.memory_space<vmem_shared>> -> memref<512xf32, #tpu.memory_space<vmem_shared>>
        %dma_wait3A_168 = arith.constant 3072 : i32
        %dma_wait3A_169 = tpu.memref_slice %arg9[%dma_wait3A_168] : memref<10240xf32, #tpu.memory_space<vmem_shared>> -> memref<512xf32, #tpu.memory_space<vmem_shared>>
        tpu.wait_dma2 semaphore(%run_scoped3A : memref<!tpu.dma_semaphore, #tpu.memory_space<semaphore_mem>>) src(%arg15 : memref<512xf32, #tpu.memory_space<vmem>>) dst(%dma_wait3A_169 : memref<512xf32, #tpu.memory_space<vmem_shared>>)
        tpu.yield
      }) : () -> ()
      "tpu.region"() ({
        %run_scoped3A = tpu.sem_alloc : memref<!tpu.dma_semaphore, #tpu.memory_space<semaphore_mem>>
        %dma_start3A_163 = arith.constant 3584 : i32
        %dma_start3A_164 = tpu.memref_slice %arg9[%dma_start3A_163] : memref<10240xf32, #tpu.memory_space<vmem_shared>> -> memref<512xf32, #tpu.memory_space<vmem_shared>>
        %dma_start3A_165 = arith.constant 3584 : i32
        %dma_start3A_166 = tpu.memref_slice %arg9[%dma_start3A_165] : memref<10240xf32, #tpu.memory_space<vmem_shared>> -> memref<512xf32, #tpu.memory_space<vmem_shared>>
        tpu.enqueue_dma source(%arg15 : memref<512xf32, #tpu.memory_space<vmem>>) target(%dma_start3A_166 : memref<512xf32, #tpu.memory_space<vmem_shared>>) target_semaphore(%run_scoped3A : memref<!tpu.dma_semaphore, #tpu.memory_space<semaphore_mem>>)
        %dma_wait3A = arith.constant 3584 : i32
        %dma_wait3A_167 = tpu.memref_slice %arg9[%dma_wait3A] : memref<10240xf32, #tpu.memory_space<vmem_shared>> -> memref<512xf32, #tpu.memory_space<vmem_shared>>
        %dma_wait3A_168 = arith.constant 3584 : i32
        %dma_wait3A_169 = tpu.memref_slice %arg9[%dma_wait3A_168] : memref<10240xf32, #tpu.memory_space<vmem_shared>> -> memref<512xf32, #tpu.memory_space<vmem_shared>>
        tpu.wait_dma2 semaphore(%run_scoped3A : memref<!tpu.dma_semaphore, #tpu.memory_space<semaphore_mem>>) src(%arg15 : memref<512xf32, #tpu.memory_space<vmem>>) dst(%dma_wait3A_169 : memref<512xf32, #tpu.memory_space<vmem_shared>>)
        tpu.yield
      }) : () -> ()
      "tpu.region"() ({
        %run_scoped3A = tpu.sem_alloc : memref<!tpu.dma_semaphore, #tpu.memory_space<semaphore_mem>>
        %dma_start3A_163 = arith.constant 4096 : i32
        %dma_start3A_164 = tpu.memref_slice %arg9[%dma_start3A_163] : memref<10240xf32, #tpu.memory_space<vmem_shared>> -> memref<512xf32, #tpu.memory_space<vmem_shared>>
        %dma_start3A_165 = arith.constant 4096 : i32
        %dma_start3A_166 = tpu.memref_slice %arg9[%dma_start3A_165] : memref<10240xf32, #tpu.memory_space<vmem_shared>> -> memref<512xf32, #tpu.memory_space<vmem_shared>>
        tpu.enqueue_dma source(%arg15 : memref<512xf32, #tpu.memory_space<vmem>>) target(%dma_start3A_166 : memref<512xf32, #tpu.memory_space<vmem_shared>>) target_semaphore(%run_scoped3A : memref<!tpu.dma_semaphore, #tpu.memory_space<semaphore_mem>>)
        %dma_wait3A = arith.constant 4096 : i32
        %dma_wait3A_167 = tpu.memref_slice %arg9[%dma_wait3A] : memref<10240xf32, #tpu.memory_space<vmem_shared>> -> memref<512xf32, #tpu.memory_space<vmem_shared>>
        %dma_wait3A_168 = arith.constant 4096 : i32
        %dma_wait3A_169 = tpu.memref_slice %arg9[%dma_wait3A_168] : memref<10240xf32, #tpu.memory_space<vmem_shared>> -> memref<512xf32, #tpu.memory_space<vmem_shared>>
        tpu.wait_dma2 semaphore(%run_scoped3A : memref<!tpu.dma_semaphore, #tpu.memory_space<semaphore_mem>>) src(%arg15 : memref<512xf32, #tpu.memory_space<vmem>>) dst(%dma_wait3A_169 : memref<512xf32, #tpu.memory_space<vmem_shared>>)
        tpu.yield
      }) : () -> ()
      "tpu.region"() ({
        %run_scoped3A = tpu.sem_alloc : memref<!tpu.dma_semaphore, #tpu.memory_space<semaphore_mem>>
        %dma_start3A_163 = arith.constant 4608 : i32
        %dma_start3A_164 = tpu.memref_slice %arg9[%dma_start3A_163] : memref<10240xf32, #tpu.memory_space<vmem_shared>> -> memref<512xf32, #tpu.memory_space<vmem_shared>>
        %dma_start3A_165 = arith.constant 4608 : i32
        %dma_start3A_166 = tpu.memref_slice %arg9[%dma_start3A_165] : memref<10240xf32, #tpu.memory_space<vmem_shared>> -> memref<512xf32, #tpu.memory_space<vmem_shared>>
        tpu.enqueue_dma source(%arg15 : memref<512xf32, #tpu.memory_space<vmem>>) target(%dma_start3A_166 : memref<512xf32, #tpu.memory_space<vmem_shared>>) target_semaphore(%run_scoped3A : memref<!tpu.dma_semaphore, #tpu.memory_space<semaphore_mem>>)
        %dma_wait3A = arith.constant 4608 : i32
        %dma_wait3A_167 = tpu.memref_slice %arg9[%dma_wait3A] : memref<10240xf32, #tpu.memory_space<vmem_shared>> -> memref<512xf32, #tpu.memory_space<vmem_shared>>
        %dma_wait3A_168 = arith.constant 4608 : i32
        %dma_wait3A_169 = tpu.memref_slice %arg9[%dma_wait3A_168] : memref<10240xf32, #tpu.memory_space<vmem_shared>> -> memref<512xf32, #tpu.memory_space<vmem_shared>>
        tpu.wait_dma2 semaphore(%run_scoped3A : memref<!tpu.dma_semaphore, #tpu.memory_space<semaphore_mem>>) src(%arg15 : memref<512xf32, #tpu.memory_space<vmem>>) dst(%dma_wait3A_169 : memref<512xf32, #tpu.memory_space<vmem_shared>>)
        tpu.yield
      }) : () -> ()
      "tpu.region"() ({
        %run_scoped3A = tpu.sem_alloc : memref<!tpu.dma_semaphore, #tpu.memory_space<semaphore_mem>>
        %dma_start3A_163 = arith.constant 5120 : i32
        %dma_start3A_164 = tpu.memref_slice %arg9[%dma_start3A_163] : memref<10240xf32, #tpu.memory_space<vmem_shared>> -> memref<512xf32, #tpu.memory_space<vmem_shared>>
        %dma_start3A_165 = arith.constant 5120 : i32
        %dma_start3A_166 = tpu.memref_slice %arg9[%dma_start3A_165] : memref<10240xf32, #tpu.memory_space<vmem_shared>> -> memref<512xf32, #tpu.memory_space<vmem_shared>>
        tpu.enqueue_dma source(%arg15 : memref<512xf32, #tpu.memory_space<vmem>>) target(%dma_start3A_166 : memref<512xf32, #tpu.memory_space<vmem_shared>>) target_semaphore(%run_scoped3A : memref<!tpu.dma_semaphore, #tpu.memory_space<semaphore_mem>>)
        %dma_wait3A = arith.constant 5120 : i32
        %dma_wait3A_167 = tpu.memref_slice %arg9[%dma_wait3A] : memref<10240xf32, #tpu.memory_space<vmem_shared>> -> memref<512xf32, #tpu.memory_space<vmem_shared>>
        %dma_wait3A_168 = arith.constant 5120 : i32
        %dma_wait3A_169 = tpu.memref_slice %arg9[%dma_wait3A_168] : memref<10240xf32, #tpu.memory_space<vmem_shared>> -> memref<512xf32, #tpu.memory_space<vmem_shared>>
        tpu.wait_dma2 semaphore(%run_scoped3A : memref<!tpu.dma_semaphore, #tpu.memory_space<semaphore_mem>>) src(%arg15 : memref<512xf32, #tpu.memory_space<vmem>>) dst(%dma_wait3A_169 : memref<512xf32, #tpu.memory_space<vmem_shared>>)
        tpu.yield
      }) : () -> ()
      "tpu.region"() ({
        %run_scoped3A = tpu.sem_alloc : memref<!tpu.dma_semaphore, #tpu.memory_space<semaphore_mem>>
        %dma_start3A_163 = arith.constant 5632 : i32
        %dma_start3A_164 = tpu.memref_slice %arg9[%dma_start3A_163] : memref<10240xf32, #tpu.memory_space<vmem_shared>> -> memref<512xf32, #tpu.memory_space<vmem_shared>>
        %dma_start3A_165 = arith.constant 5632 : i32
        %dma_start3A_166 = tpu.memref_slice %arg9[%dma_start3A_165] : memref<10240xf32, #tpu.memory_space<vmem_shared>> -> memref<512xf32, #tpu.memory_space<vmem_shared>>
        tpu.enqueue_dma source(%arg15 : memref<512xf32, #tpu.memory_space<vmem>>) target(%dma_start3A_166 : memref<512xf32, #tpu.memory_space<vmem_shared>>) target_semaphore(%run_scoped3A : memref<!tpu.dma_semaphore, #tpu.memory_space<semaphore_mem>>)
        %dma_wait3A = arith.constant 5632 : i32
        %dma_wait3A_167 = tpu.memref_slice %arg9[%dma_wait3A] : memref<10240xf32, #tpu.memory_space<vmem_shared>> -> memref<512xf32, #tpu.memory_space<vmem_shared>>
        %dma_wait3A_168 = arith.constant 5632 : i32
        %dma_wait3A_169 = tpu.memref_slice %arg9[%dma_wait3A_168] : memref<10240xf32, #tpu.memory_space<vmem_shared>> -> memref<512xf32, #tpu.memory_space<vmem_shared>>
        tpu.wait_dma2 semaphore(%run_scoped3A : memref<!tpu.dma_semaphore, #tpu.memory_space<semaphore_mem>>) src(%arg15 : memref<512xf32, #tpu.memory_space<vmem>>) dst(%dma_wait3A_169 : memref<512xf32, #tpu.memory_space<vmem_shared>>)
        tpu.yield
      }) : () -> ()
      "tpu.region"() ({
        %run_scoped3A = tpu.sem_alloc : memref<!tpu.dma_semaphore, #tpu.memory_space<semaphore_mem>>
        %dma_start3A_163 = arith.constant 6144 : i32
        %dma_start3A_164 = tpu.memref_slice %arg9[%dma_start3A_163] : memref<10240xf32, #tpu.memory_space<vmem_shared>> -> memref<512xf32, #tpu.memory_space<vmem_shared>>
        %dma_start3A_165 = arith.constant 6144 : i32
        %dma_start3A_166 = tpu.memref_slice %arg9[%dma_start3A_165] : memref<10240xf32, #tpu.memory_space<vmem_shared>> -> memref<512xf32, #tpu.memory_space<vmem_shared>>
        tpu.enqueue_dma source(%arg15 : memref<512xf32, #tpu.memory_space<vmem>>) target(%dma_start3A_166 : memref<512xf32, #tpu.memory_space<vmem_shared>>) target_semaphore(%run_scoped3A : memref<!tpu.dma_semaphore, #tpu.memory_space<semaphore_mem>>)
        %dma_wait3A = arith.constant 6144 : i32
        %dma_wait3A_167 = tpu.memref_slice %arg9[%dma_wait3A] : memref<10240xf32, #tpu.memory_space<vmem_shared>> -> memref<512xf32, #tpu.memory_space<vmem_shared>>
        %dma_wait3A_168 = arith.constant 6144 : i32
        %dma_wait3A_169 = tpu.memref_slice %arg9[%dma_wait3A_168] : memref<10240xf32, #tpu.memory_space<vmem_shared>> -> memref<512xf32, #tpu.memory_space<vmem_shared>>
        tpu.wait_dma2 semaphore(%run_scoped3A : memref<!tpu.dma_semaphore, #tpu.memory_space<semaphore_mem>>) src(%arg15 : memref<512xf32, #tpu.memory_space<vmem>>) dst(%dma_wait3A_169 : memref<512xf32, #tpu.memory_space<vmem_shared>>)
        tpu.yield
      }) : () -> ()
      "tpu.region"() ({
        %run_scoped3A = tpu.sem_alloc : memref<!tpu.dma_semaphore, #tpu.memory_space<semaphore_mem>>
        %dma_start3A_163 = arith.constant 6656 : i32
        %dma_start3A_164 = tpu.memref_slice %arg9[%dma_start3A_163] : memref<10240xf32, #tpu.memory_space<vmem_shared>> -> memref<512xf32, #tpu.memory_space<vmem_shared>>
        %dma_start3A_165 = arith.constant 6656 : i32
        %dma_start3A_166 = tpu.memref_slice %arg9[%dma_start3A_165] : memref<10240xf32, #tpu.memory_space<vmem_shared>> -> memref<512xf32, #tpu.memory_space<vmem_shared>>
        tpu.enqueue_dma source(%arg15 : memref<512xf32, #tpu.memory_space<vmem>>) target(%dma_start3A_166 : memref<512xf32, #tpu.memory_space<vmem_shared>>) target_semaphore(%run_scoped3A : memref<!tpu.dma_semaphore, #tpu.memory_space<semaphore_mem>>)
        %dma_wait3A = arith.constant 6656 : i32
        %dma_wait3A_167 = tpu.memref_slice %arg9[%dma_wait3A] : memref<10240xf32, #tpu.memory_space<vmem_shared>> -> memref<512xf32, #tpu.memory_space<vmem_shared>>
        %dma_wait3A_168 = arith.constant 6656 : i32
        %dma_wait3A_169 = tpu.memref_slice %arg9[%dma_wait3A_168] : memref<10240xf32, #tpu.memory_space<vmem_shared>> -> memref<512xf32, #tpu.memory_space<vmem_shared>>
        tpu.wait_dma2 semaphore(%run_scoped3A : memref<!tpu.dma_semaphore, #tpu.memory_space<semaphore_mem>>) src(%arg15 : memref<512xf32, #tpu.memory_space<vmem>>) dst(%dma_wait3A_169 : memref<512xf32, #tpu.memory_space<vmem_shared>>)
        tpu.yield
      }) : () -> ()
      "tpu.region"() ({
        %run_scoped3A = tpu.sem_alloc : memref<!tpu.dma_semaphore, #tpu.memory_space<semaphore_mem>>
        %dma_start3A_163 = arith.constant 7168 : i32
        %dma_start3A_164 = tpu.memref_slice %arg9[%dma_start3A_163] : memref<10240xf32, #tpu.memory_space<vmem_shared>> -> memref<512xf32, #tpu.memory_space<vmem_shared>>
        %dma_start3A_165 = arith.constant 7168 : i32
        %dma_start3A_166 = tpu.memref_slice %arg9[%dma_start3A_165] : memref<10240xf32, #tpu.memory_space<vmem_shared>> -> memref<512xf32, #tpu.memory_space<vmem_shared>>
        tpu.enqueue_dma source(%arg15 : memref<512xf32, #tpu.memory_space<vmem>>) target(%dma_start3A_166 : memref<512xf32, #tpu.memory_space<vmem_shared>>) target_semaphore(%run_scoped3A : memref<!tpu.dma_semaphore, #tpu.memory_space<semaphore_mem>>)
        %dma_wait3A = arith.constant 7168 : i32
        %dma_wait3A_167 = tpu.memref_slice %arg9[%dma_wait3A] : memref<10240xf32, #tpu.memory_space<vmem_shared>> -> memref<512xf32, #tpu.memory_space<vmem_shared>>
        %dma_wait3A_168 = arith.constant 7168 : i32
        %dma_wait3A_169 = tpu.memref_slice %arg9[%dma_wait3A_168] : memref<10240xf32, #tpu.memory_space<vmem_shared>> -> memref<512xf32, #tpu.memory_space<vmem_shared>>
        tpu.wait_dma2 semaphore(%run_scoped3A : memref<!tpu.dma_semaphore, #tpu.memory_space<semaphore_mem>>) src(%arg15 : memref<512xf32, #tpu.memory_space<vmem>>) dst(%dma_wait3A_169 : memref<512xf32, #tpu.memory_space<vmem_shared>>)
        tpu.yield
      }) : () -> ()
      "tpu.region"() ({
        %run_scoped3A = tpu.sem_alloc : memref<!tpu.dma_semaphore, #tpu.memory_space<semaphore_mem>>
        %dma_start3A_163 = arith.constant 7680 : i32
        %dma_start3A_164 = tpu.memref_slice %arg9[%dma_start3A_163] : memref<10240xf32, #tpu.memory_space<vmem_shared>> -> memref<512xf32, #tpu.memory_space<vmem_shared>>
        %dma_start3A_165 = arith.constant 7680 : i32
        %dma_start3A_166 = tpu.memref_slice %arg9[%dma_start3A_165] : memref<10240xf32, #tpu.memory_space<vmem_shared>> -> memref<512xf32, #tpu.memory_space<vmem_shared>>
        tpu.enqueue_dma source(%arg15 : memref<512xf32, #tpu.memory_space<vmem>>) target(%dma_start3A_166 : memref<512xf32, #tpu.memory_space<vmem_shared>>) target_semaphore(%run_scoped3A : memref<!tpu.dma_semaphore, #tpu.memory_space<semaphore_mem>>)
        %dma_wait3A = arith.constant 7680 : i32
        %dma_wait3A_167 = tpu.memref_slice %arg9[%dma_wait3A] : memref<10240xf32, #tpu.memory_space<vmem_shared>> -> memref<512xf32, #tpu.memory_space<vmem_shared>>
        %dma_wait3A_168 = arith.constant 7680 : i32
        %dma_wait3A_169 = tpu.memref_slice %arg9[%dma_wait3A_168] : memref<10240xf32, #tpu.memory_space<vmem_shared>> -> memref<512xf32, #tpu.memory_space<vmem_shared>>
        tpu.wait_dma2 semaphore(%run_scoped3A : memref<!tpu.dma_semaphore, #tpu.memory_space<semaphore_mem>>) src(%arg15 : memref<512xf32, #tpu.memory_space<vmem>>) dst(%dma_wait3A_169 : memref<512xf32, #tpu.memory_space<vmem_shared>>)
        tpu.yield
      }) : () -> ()
      "tpu.region"() ({
        %run_scoped3A = tpu.sem_alloc : memref<!tpu.dma_semaphore, #tpu.memory_space<semaphore_mem>>
        %dma_start3A_163 = arith.constant 8192 : i32
        %dma_start3A_164 = tpu.memref_slice %arg9[%dma_start3A_163] : memref<10240xf32, #tpu.memory_space<vmem_shared>> -> memref<512xf32, #tpu.memory_space<vmem_shared>>
        %dma_start3A_165 = arith.constant 8192 : i32
        %dma_start3A_166 = tpu.memref_slice %arg9[%dma_start3A_165] : memref<10240xf32, #tpu.memory_space<vmem_shared>> -> memref<512xf32, #tpu.memory_space<vmem_shared>>
        tpu.enqueue_dma source(%arg15 : memref<512xf32, #tpu.memory_space<vmem>>) target(%dma_start3A_166 : memref<512xf32, #tpu.memory_space<vmem_shared>>) target_semaphore(%run_scoped3A : memref<!tpu.dma_semaphore, #tpu.memory_space<semaphore_mem>>)
        %dma_wait3A = arith.constant 8192 : i32
        %dma_wait3A_167 = tpu.memref_slice %arg9[%dma_wait3A] : memref<10240xf32, #tpu.memory_space<vmem_shared>> -> memref<512xf32, #tpu.memory_space<vmem_shared>>
        %dma_wait3A_168 = arith.constant 8192 : i32
        %dma_wait3A_169 = tpu.memref_slice %arg9[%dma_wait3A_168] : memref<10240xf32, #tpu.memory_space<vmem_shared>> -> memref<512xf32, #tpu.memory_space<vmem_shared>>
        tpu.wait_dma2 semaphore(%run_scoped3A : memref<!tpu.dma_semaphore, #tpu.memory_space<semaphore_mem>>) src(%arg15 : memref<512xf32, #tpu.memory_space<vmem>>) dst(%dma_wait3A_169 : memref<512xf32, #tpu.memory_space<vmem_shared>>)
        tpu.yield
      }) : () -> ()
      "tpu.region"() ({
        %run_scoped3A = tpu.sem_alloc : memref<!tpu.dma_semaphore, #tpu.memory_space<semaphore_mem>>
        %dma_start3A_163 = arith.constant 8704 : i32
        %dma_start3A_164 = tpu.memref_slice %arg9[%dma_start3A_163] : memref<10240xf32, #tpu.memory_space<vmem_shared>> -> memref<512xf32, #tpu.memory_space<vmem_shared>>
        %dma_start3A_165 = arith.constant 8704 : i32
        %dma_start3A_166 = tpu.memref_slice %arg9[%dma_start3A_165] : memref<10240xf32, #tpu.memory_space<vmem_shared>> -> memref<512xf32, #tpu.memory_space<vmem_shared>>
        tpu.enqueue_dma source(%arg15 : memref<512xf32, #tpu.memory_space<vmem>>) target(%dma_start3A_166 : memref<512xf32, #tpu.memory_space<vmem_shared>>) target_semaphore(%run_scoped3A : memref<!tpu.dma_semaphore, #tpu.memory_space<semaphore_mem>>)
        %dma_wait3A = arith.constant 8704 : i32
        %dma_wait3A_167 = tpu.memref_slice %arg9[%dma_wait3A] : memref<10240xf32, #tpu.memory_space<vmem_shared>> -> memref<512xf32, #tpu.memory_space<vmem_shared>>
        %dma_wait3A_168 = arith.constant 8704 : i32
        %dma_wait3A_169 = tpu.memref_slice %arg9[%dma_wait3A_168] : memref<10240xf32, #tpu.memory_space<vmem_shared>> -> memref<512xf32, #tpu.memory_space<vmem_shared>>
        tpu.wait_dma2 semaphore(%run_scoped3A : memref<!tpu.dma_semaphore, #tpu.memory_space<semaphore_mem>>) src(%arg15 : memref<512xf32, #tpu.memory_space<vmem>>) dst(%dma_wait3A_169 : memref<512xf32, #tpu.memory_space<vmem_shared>>)
        tpu.yield
      }) : () -> ()
      "tpu.region"() ({
        %run_scoped3A = tpu.sem_alloc : memref<!tpu.dma_semaphore, #tpu.memory_space<semaphore_mem>>
        %dma_start3A_163 = arith.constant 9216 : i32
        %dma_start3A_164 = tpu.memref_slice %arg9[%dma_start3A_163] : memref<10240xf32, #tpu.memory_space<vmem_shared>> -> memref<512xf32, #tpu.memory_space<vmem_shared>>
        %dma_start3A_165 = arith.constant 9216 : i32
        %dma_start3A_166 = tpu.memref_slice %arg9[%dma_start3A_165] : memref<10240xf32, #tpu.memory_space<vmem_shared>> -> memref<512xf32, #tpu.memory_space<vmem_shared>>
        tpu.enqueue_dma source(%arg15 : memref<512xf32, #tpu.memory_space<vmem>>) target(%dma_start3A_166 : memref<512xf32, #tpu.memory_space<vmem_shared>>) target_semaphore(%run_scoped3A : memref<!tpu.dma_semaphore, #tpu.memory_space<semaphore_mem>>)
        %dma_wait3A = arith.constant 9216 : i32
        %dma_wait3A_167 = tpu.memref_slice %arg9[%dma_wait3A] : memref<10240xf32, #tpu.memory_space<vmem_shared>> -> memref<512xf32, #tpu.memory_space<vmem_shared>>
        %dma_wait3A_168 = arith.constant 9216 : i32
        %dma_wait3A_169 = tpu.memref_slice %arg9[%dma_wait3A_168] : memref<10240xf32, #tpu.memory_space<vmem_shared>> -> memref<512xf32, #tpu.memory_space<vmem_shared>>
        tpu.wait_dma2 semaphore(%run_scoped3A : memref<!tpu.dma_semaphore, #tpu.memory_space<semaphore_mem>>) src(%arg15 : memref<512xf32, #tpu.memory_space<vmem>>) dst(%dma_wait3A_169 : memref<512xf32, #tpu.memory_space<vmem_shared>>)
        tpu.yield
      }) : () -> ()
      "tpu.region"() ({
        %run_scoped3A = tpu.sem_alloc : memref<!tpu.dma_semaphore, #tpu.memory_space<semaphore_mem>>
        %dma_start3A_163 = arith.constant 9728 : i32
        %dma_start3A_164 = tpu.memref_slice %arg9[%dma_start3A_163] : memref<10240xf32, #tpu.memory_space<vmem_shared>> -> memref<512xf32, #tpu.memory_space<vmem_shared>>
        %dma_start3A_165 = arith.constant 9728 : i32
        %dma_start3A_166 = tpu.memref_slice %arg9[%dma_start3A_165] : memref<10240xf32, #tpu.memory_space<vmem_shared>> -> memref<512xf32, #tpu.memory_space<vmem_shared>>
        tpu.enqueue_dma source(%arg15 : memref<512xf32, #tpu.memory_space<vmem>>) target(%dma_start3A_166 : memref<512xf32, #tpu.memory_space<vmem_shared>>) target_semaphore(%run_scoped3A : memref<!tpu.dma_semaphore, #tpu.memory_space<semaphore_mem>>)
        %dma_wait3A = arith.constant 9728 : i32
        %dma_wait3A_167 = tpu.memref_slice %arg9[%dma_wait3A] : memref<10240xf32, #tpu.memory_space<vmem_shared>> -> memref<512xf32, #tpu.memory_space<vmem_shared>>
        %dma_wait3A_168 = arith.constant 9728 : i32
        %dma_wait3A_169 = tpu.memref_slice %arg9[%dma_wait3A_168] : memref<10240xf32, #tpu.memory_space<vmem_shared>> -> memref<512xf32, #tpu.memory_space<vmem_shared>>
        tpu.wait_dma2 semaphore(%run_scoped3A : memref<!tpu.dma_semaphore, #tpu.memory_space<semaphore_mem>>) src(%arg15 : memref<512xf32, #tpu.memory_space<vmem>>) dst(%dma_wait3A_169 : memref<512xf32, #tpu.memory_space<vmem_shared>>)
        tpu.yield
      }) : () -> ()
    } else {
    }
    %broadcast_in_dim3A = arith.constant 1.000000e+00 : f32
    %broadcast_in_dim3A_34 = vector.broadcast %broadcast_in_dim3A : f32 to vector<16xf32>
    %swap3A = arith.constant 0 : index
    %swap3A_35 = tpu.vector_load %arg14[%swap3A] {strides = array<i32>} : memref<128xf32, #tpu.memory_space<vmem>>, vector<16xf32>,
    %swap3A_36 = vector.shape_cast %swap3A_35 : vector<16xf32> to vector<16xf32>
    %swap3A_37 = vector.shape_cast %broadcast_in_dim3A_34 : vector<16xf32> to vector<16xf32>
    tpu.vector_store %arg14[%swap3A], %swap3A_37 {strides = array<i32>} : memref<128xf32, #tpu.memory_space<vmem>>, vector<16xf32>,
    %broadcast_in_dim3A_38 = arith.constant 1.000000e+00 : f32
    %broadcast_in_dim3A_39 = vector.broadcast %broadcast_in_dim3A_38 : f32 to vector<16xf32>
    %swap3A_40 = arith.constant 16 : index
    %swap3A_41 = tpu.vector_load %arg14[%swap3A_40] {strides = array<i32>} : memref<128xf32, #tpu.memory_space<vmem>>, vector<16xf32>,
    %swap3A_42 = vector.shape_cast %swap3A_41 : vector<16xf32> to vector<16xf32>
    %swap3A_43 = vector.shape_cast %broadcast_in_dim3A_39 : vector<16xf32> to vector<16xf32>
    tpu.vector_store %arg14[%swap3A_40], %swap3A_43 {strides = array<i32>} : memref<128xf32, #tpu.memory_space<vmem>>, vector<16xf32>,
    %broadcast_in_dim3A_44 = arith.constant 1.000000e+00 : f32
    %broadcast_in_dim3A_45 = vector.broadcast %broadcast_in_dim3A_44 : f32 to vector<16xf32>
    %swap3A_46 = arith.constant 32 : index
    %swap3A_47 = tpu.vector_load %arg14[%swap3A_46] {strides = array<i32>} : memref<128xf32, #tpu.memory_space<vmem>>, vector<16xf32>,
    %swap3A_48 = vector.shape_cast %swap3A_47 : vector<16xf32> to vector<16xf32>
    %swap3A_49 = vector.shape_cast %broadcast_in_dim3A_45 : vector<16xf32> to vector<16xf32>
    tpu.vector_store %arg14[%swap3A_46], %swap3A_49 {strides = array<i32>} : memref<128xf32, #tpu.memory_space<vmem>>, vector<16xf32>,
    %broadcast_in_dim3A_50 = arith.constant 1.000000e+00 : f32
    %broadcast_in_dim3A_51 = vector.broadcast %broadcast_in_dim3A_50 : f32 to vector<16xf32>
    %swap3A_52 = arith.constant 48 : index
    %swap3A_53 = tpu.vector_load %arg14[%swap3A_52] {strides = array<i32>} : memref<128xf32, #tpu.memory_space<vmem>>, vector<16xf32>,
    %swap3A_54 = vector.shape_cast %swap3A_53 : vector<16xf32> to vector<16xf32>
    %swap3A_55 = vector.shape_cast %broadcast_in_dim3A_51 : vector<16xf32> to vector<16xf32>
    tpu.vector_store %arg14[%swap3A_52], %swap3A_55 {strides = array<i32>} : memref<128xf32, #tpu.memory_space<vmem>>, vector<16xf32>,
    %broadcast_in_dim3A_56 = arith.constant 1.000000e+00 : f32
    %broadcast_in_dim3A_57 = vector.broadcast %broadcast_in_dim3A_56 : f32 to vector<16xf32>
    %swap3A_58 = arith.constant 64 : index
    %swap3A_59 = tpu.vector_load %arg14[%swap3A_58] {strides = array<i32>} : memref<128xf32, #tpu.memory_space<vmem>>, vector<16xf32>,
    %swap3A_60 = vector.shape_cast %swap3A_59 : vector<16xf32> to vector<16xf32>
    %swap3A_61 = vector.shape_cast %broadcast_in_dim3A_57 : vector<16xf32> to vector<16xf32>
    tpu.vector_store %arg14[%swap3A_58], %swap3A_61 {strides = array<i32>} : memref<128xf32, #tpu.memory_space<vmem>>, vector<16xf32>,
    %broadcast_in_dim3A_62 = arith.constant 1.000000e+00 : f32
    %broadcast_in_dim3A_63 = vector.broadcast %broadcast_in_dim3A_62 : f32 to vector<16xf32>
    %swap3A_64 = arith.constant 80 : index
    %swap3A_65 = tpu.vector_load %arg14[%swap3A_64] {strides = array<i32>} : memref<128xf32, #tpu.memory_space<vmem>>, vector<16xf32>,
    %swap3A_66 = vector.shape_cast %swap3A_65 : vector<16xf32> to vector<16xf32>
    %swap3A_67 = vector.shape_cast %broadcast_in_dim3A_63 : vector<16xf32> to vector<16xf32>
    tpu.vector_store %arg14[%swap3A_64], %swap3A_67 {strides = array<i32>} : memref<128xf32, #tpu.memory_space<vmem>>, vector<16xf32>,
    %broadcast_in_dim3A_68 = arith.constant 1.000000e+00 : f32
    %broadcast_in_dim3A_69 = vector.broadcast %broadcast_in_dim3A_68 : f32 to vector<16xf32>
    %swap3A_70 = arith.constant 96 : index
    %swap3A_71 = tpu.vector_load %arg14[%swap3A_70] {strides = array<i32>} : memref<128xf32, #tpu.memory_space<vmem>>, vector<16xf32>,
    %swap3A_72 = vector.shape_cast %swap3A_71 : vector<16xf32> to vector<16xf32>
    %swap3A_73 = vector.shape_cast %broadcast_in_dim3A_69 : vector<16xf32> to vector<16xf32>
    tpu.vector_store %arg14[%swap3A_70], %swap3A_73 {strides = array<i32>} : memref<128xf32, #tpu.memory_space<vmem>>, vector<16xf32>,
    %broadcast_in_dim3A_74 = arith.constant 1.000000e+00 : f32
    %broadcast_in_dim3A_75 = vector.broadcast %broadcast_in_dim3A_74 : f32 to vector<16xf32>
    %swap3A_76 = arith.constant 112 : index
    %swap3A_77 = tpu.vector_load %arg14[%swap3A_76] {strides = array<i32>} : memref<128xf32, #tpu.memory_space<vmem>>, vector<16xf32>,
    %swap3A_78 = vector.shape_cast %swap3A_77 : vector<16xf32> to vector<16xf32>
    %swap3A_79 = vector.shape_cast %broadcast_in_dim3A_75 : vector<16xf32> to vector<16xf32>
    tpu.vector_store %arg14[%swap3A_76], %swap3A_79 {strides = array<i32>} : memref<128xf32, #tpu.memory_space<vmem>>, vector<16xf32>,
    %mul3A_80 = arith.constant 80 : i32
    %mul3A_81 = arith.muli %add3A, %mul3A_80 : i32
    %barrier3A = arith.constant 0 : index
    tpu.barrier barrier_id(%barrier3A)
    %add3A_82 = arith.constant 0 : i32
    %add3A_83 = arith.addi %mul3A_81, %add3A_82 : i32
    "tpu.region"() ({
      %run_scoped3A = tpu.sem_alloc : memref<!tpu.dma_semaphore, #tpu.memory_space<semaphore_mem>>
      %dma_start3A_156 = arith.constant 0 : i32
      %dma_start3A_157 = tpu.memref_slice %arg3[%add3A_83, %dma_start3A_156] : memref<2560x128xi32, #tpu.memory_space<hbm>> -> memref<40x128xi32, #tpu.memory_space<hbm>>
      %dma_start3A_158 = arith.constant 0 : i32
      %dma_start3A_159 = tpu.memref_slice %arg3[%add3A_83, %dma_start3A_158] : memref<2560x128xi32, #tpu.memory_space<hbm>> -> memref<40x128xi32, #tpu.memory_space<hbm>>
      tpu.enqueue_dma source(%dma_start3A_159 : memref<40x128xi32, #tpu.memory_space<hbm>>) target(%arg10 : memref<40x128xi32, #tpu.memory_space<vmem>>) target_semaphore(%run_scoped3A : memref<!tpu.dma_semaphore, #tpu.memory_space<semaphore_mem>>)
      %dma_wait3A = arith.constant 0 : i32
      %dma_wait3A_160 = tpu.memref_slice %arg3[%add3A_83, %dma_wait3A] : memref<2560x128xi32, #tpu.memory_space<hbm>> -> memref<40x128xi32, #tpu.memory_space<hbm>>
      %dma_wait3A_161 = arith.constant 0 : i32
      %dma_wait3A_162 = tpu.memref_slice %arg3[%add3A_83, %dma_wait3A_161] : memref<2560x128xi32, #tpu.memory_space<hbm>> -> memref<40x128xi32, #tpu.memory_space<hbm>>
      tpu.wait_dma2 semaphore(%run_scoped3A : memref<!tpu.dma_semaphore, #tpu.memory_space<semaphore_mem>>) src(%dma_wait3A_162 : memref<40x128xi32, #tpu.memory_space<hbm>>) dst(%arg10 : memref<40x128xi32, #tpu.memory_space<vmem>>)
      tpu.yield
    }) : () -> ()
    %add3A_84 = arith.constant 0 : i32
    %add3A_85 = arith.addi %mul3A_81, %add3A_84 : i32
    "tpu.region"() ({
      %run_scoped3A = tpu.sem_alloc : memref<!tpu.dma_semaphore, #tpu.memory_space<semaphore_mem>>
      %dma_start3A_156 = arith.constant 0 : i32
      %dma_start3A_157 = tpu.memref_slice %arg4[%add3A_85, %dma_start3A_156] : memref<2560x128xi32, #tpu.memory_space<hbm>> -> memref<40x128xi32, #tpu.memory_space<hbm>>
      %dma_start3A_158 = arith.constant 0 : i32
      %dma_start3A_159 = tpu.memref_slice %arg4[%add3A_85, %dma_start3A_158] : memref<2560x128xi32, #tpu.memory_space<hbm>> -> memref<40x128xi32, #tpu.memory_space<hbm>>
      tpu.enqueue_dma source(%dma_start3A_159 : memref<40x128xi32, #tpu.memory_space<hbm>>) target(%arg11 : memref<40x128xi32, #tpu.memory_space<vmem>>) target_semaphore(%run_scoped3A : memref<!tpu.dma_semaphore, #tpu.memory_space<semaphore_mem>>)
      %dma_wait3A = arith.constant 0 : i32
      %dma_wait3A_160 = tpu.memref_slice %arg4[%add3A_85, %dma_wait3A] : memref<2560x128xi32, #tpu.memory_space<hbm>> -> memref<40x128xi32, #tpu.memory_space<hbm>>
      %dma_wait3A_161 = arith.constant 0 : i32
      %dma_wait3A_162 = tpu.memref_slice %arg4[%add3A_85, %dma_wait3A_161] : memref<2560x128xi32, #tpu.memory_space<hbm>> -> memref<40x128xi32, #tpu.memory_space<hbm>>
      tpu.wait_dma2 semaphore(%run_scoped3A : memref<!tpu.dma_semaphore, #tpu.memory_space<semaphore_mem>>) src(%dma_wait3A_162 : memref<40x128xi32, #tpu.memory_space<hbm>>) dst(%arg11 : memref<40x128xi32, #tpu.memory_space<vmem>>)
      tpu.yield
    }) : () -> ()
    %dma_start3A = arith.constant 0 : i32
    %dma_start3A_86 = arith.constant 0 : i32
    %dma_start3A_87 = tpu.memref_slice %arg10[%dma_start3A, %dma_start3A_86] : memref<40x128xi32, #tpu.memory_space<vmem>> -> memref<1x128xi32, #tpu.memory_space<vmem>>
    %dma_start3A_88 = tpu.memref_squeeze %dma_start3A_87 : memref<1x128xi32, #tpu.memory_space<vmem>> -> memref<128xi32, #tpu.memory_space<vmem>>
    %dma_start3A_89 = arith.constant 0 : i32
    %dma_start3A_90 = arith.constant 0 : i32
    %dma_start3A_91 = tpu.memref_slice %arg2[%dma_start3A_89, %dma_start3A_90] : memref<10000x128xf32, #tpu.memory_space<hbm>> -> memref<10000x128xf32, #tpu.memory_space<hbm>>
    tpu.enqueue_indirect_dma source(%dma_start3A_91 : memref<10000x128xf32, #tpu.memory_space<hbm>>) target(%arg12 : memref<128x128xf32, #tpu.memory_space<vmem>>) offsets(%dma_start3A_88 : memref<128xi32, #tpu.memory_space<vmem>>) semaphore(%arg16 : memref<!tpu.dma_semaphore, #tpu.memory_space<semaphore_mem>>)
    %dma_start3A_92 = arith.constant 1 : i32
    %dma_start3A_93 = arith.constant 0 : i32
    %dma_start3A_94 = tpu.memref_slice %arg10[%dma_start3A_92, %dma_start3A_93] : memref<40x128xi32, #tpu.memory_space<vmem>> -> memref<1x128xi32, #tpu.memory_space<vmem>>
    %dma_start3A_95 = tpu.memref_squeeze %dma_start3A_94 : memref<1x128xi32, #tpu.memory_space<vmem>> -> memref<128xi32, #tpu.memory_space<vmem>>
    %dma_start3A_96 = arith.constant 0 : i32
    %dma_start3A_97 = arith.constant 0 : i32
    %dma_start3A_98 = tpu.memref_slice %arg2[%dma_start3A_96, %dma_start3A_97] : memref<10000x128xf32, #tpu.memory_space<hbm>> -> memref<10000x128xf32, #tpu.memory_space<hbm>>
    tpu.enqueue_indirect_dma source(%dma_start3A_98 : memref<10000x128xf32, #tpu.memory_space<hbm>>) target(%arg13 : memref<128x128xf32, #tpu.memory_space<vmem>>) offsets(%dma_start3A_95 : memref<128xi32, #tpu.memory_space<vmem>>) semaphore(%arg17 : memref<!tpu.dma_semaphore, #tpu.memory_space<semaphore_mem>>)
    %scan3A_99 = arith.constant 0 : i32
    %scan3A_100 = arith.constant 0 : i32
    %scan3A_101 = arith.constant 20 : i32
    %scan3A_102 = arith.addi %scan3A_100, %scan3A_101 : i32
    %scan3A_103 = arith.constant 1 : i32
    %scan3A_104 = scf.for %scan3A_156 = %scan3A_100 to %scan3A_102 step %scan3A_103 iter_args(%scan3A_157 = %scan3A_99) -> (i32)  : i32 {
      %mul3A_158 = arith.constant 2 : i32
      %mul3A_159 = arith.muli %mul3A_158, %scan3A_156 : i32
      %dma_wait3A = arith.constant 0 : i32
      %dma_wait3A_160 = tpu.memref_slice %arg10[%mul3A_159, %dma_wait3A] : memref<40x128xi32, #tpu.memory_space<vmem>> -> memref<1x128xi32, #tpu.memory_space<vmem>>
      %dma_wait3A_161 = tpu.memref_squeeze %dma_wait3A_160 : memref<1x128xi32, #tpu.memory_space<vmem>> -> memref<128xi32, #tpu.memory_space<vmem>>
      %dma_wait3A_162 = arith.constant 0 : i32
      %dma_wait3A_163 = arith.constant 0 : i32
      %dma_wait3A_164 = tpu.memref_slice %arg2[%dma_wait3A_162, %dma_wait3A_163] : memref<10000x128xf32, #tpu.memory_space<hbm>> -> memref<10000x128xf32, #tpu.memory_space<hbm>>
      tpu.wait_indirect_dma semaphore(%arg16 : memref<!tpu.dma_semaphore, #tpu.memory_space<semaphore_mem>>) src(%dma_wait3A_164 : memref<10000x128xf32, #tpu.memory_space<hbm>>) dst(%arg12 : memref<128x128xf32, #tpu.memory_space<vmem>>)
      "tpu.region"() ({
        %run_scoped3A = tpu.sem_alloc : memref<!tpu.dma_semaphore, #tpu.memory_space<semaphore_mem>>
        %dma_start3A_189 = arith.constant 0 : i32
        %dma_start3A_190 = tpu.memref_slice %arg11[%mul3A_159, %dma_start3A_189] : memref<40x128xi32, #tpu.memory_space<vmem>> -> memref<1x128xi32, #tpu.memory_space<vmem>>
        %dma_start3A_191 = tpu.memref_squeeze %dma_start3A_190 : memref<1x128xi32, #tpu.memory_space<vmem>> -> memref<128xi32, #tpu.memory_space<vmem>>
        %dma_start3A_192 = arith.constant 0 : i32
        %dma_start3A_193 = arith.constant 0 : i32
        %dma_start3A_194 = tpu.memref_slice %arg8[%dma_start3A_192, %dma_start3A_193] : memref<10128x128xf32, #tpu.memory_space<vmem_shared>> -> memref<10128x128xf32, #tpu.memory_space<vmem_shared>>
        tpu.enqueue_indirect_dma source(%arg12 : memref<128x128xf32, #tpu.memory_space<vmem>>) target(%dma_start3A_194 : memref<10128x128xf32, #tpu.memory_space<vmem_shared>>) offsets(%dma_start3A_191 : memref<128xi32, #tpu.memory_space<vmem>>) semaphore(%run_scoped3A : memref<!tpu.dma_semaphore, #tpu.memory_space<semaphore_mem>>) {add = true}
        %dma_wait3A_195 = arith.constant 0 : i32
        %dma_wait3A_196 = tpu.memref_slice %arg11[%mul3A_159, %dma_wait3A_195] : memref<40x128xi32, #tpu.memory_space<vmem>> -> memref<1x128xi32, #tpu.memory_space<vmem>>
        %dma_wait3A_197 = tpu.memref_squeeze %dma_wait3A_196 : memref<1x128xi32, #tpu.memory_space<vmem>> -> memref<128xi32, #tpu.memory_space<vmem>>
        %dma_wait3A_198 = arith.constant 0 : i32
        %dma_wait3A_199 = arith.constant 0 : i32
        %dma_wait3A_200 = tpu.memref_slice %arg8[%dma_wait3A_198, %dma_wait3A_199] : memref<10128x128xf32, #tpu.memory_space<vmem_shared>> -> memref<10128x128xf32, #tpu.memory_space<vmem_shared>>
        tpu.wait_indirect_dma semaphore(%run_scoped3A : memref<!tpu.dma_semaphore, #tpu.memory_space<semaphore_mem>>) src(%arg12 : memref<128x128xf32, #tpu.memory_space<vmem>>) dst(%dma_wait3A_200 : memref<10128x128xf32, #tpu.memory_space<vmem_shared>>)
        tpu.yield
      }) : () -> ()
      "tpu.region"() ({
        %run_scoped3A = tpu.sem_alloc : memref<!tpu.dma_semaphore, #tpu.memory_space<semaphore_mem>>
        %dma_start3A_189 = arith.constant 0 : i32
        %dma_start3A_190 = tpu.memref_slice %arg11[%mul3A_159, %dma_start3A_189] : memref<40x128xi32, #tpu.memory_space<vmem>> -> memref<1x128xi32, #tpu.memory_space<vmem>>
        %dma_start3A_191 = tpu.memref_squeeze %dma_start3A_190 : memref<1x128xi32, #tpu.memory_space<vmem>> -> memref<128xi32, #tpu.memory_space<vmem>>
        %dma_start3A_192 = arith.constant 0 : i32
        %dma_start3A_193 = tpu.memref_slice %arg9[%dma_start3A_192] : memref<10240xf32, #tpu.memory_space<vmem_shared>> -> memref<10240xf32, #tpu.memory_space<vmem_shared>>
        tpu.enqueue_indirect_dma source(%arg14 : memref<128xf32, #tpu.memory_space<vmem>>) target(%dma_start3A_193 : memref<10240xf32, #tpu.memory_space<vmem_shared>>) offsets(%dma_start3A_191 : memref<128xi32, #tpu.memory_space<vmem>>) semaphore(%run_scoped3A : memref<!tpu.dma_semaphore, #tpu.memory_space<semaphore_mem>>) {add = true}
        %dma_wait3A_194 = arith.constant 0 : i32
        %dma_wait3A_195 = tpu.memref_slice %arg11[%mul3A_159, %dma_wait3A_194] : memref<40x128xi32, #tpu.memory_space<vmem>> -> memref<1x128xi32, #tpu.memory_space<vmem>>
        %dma_wait3A_196 = tpu.memref_squeeze %dma_wait3A_195 : memref<1x128xi32, #tpu.memory_space<vmem>> -> memref<128xi32, #tpu.memory_space<vmem>>
        %dma_wait3A_197 = arith.constant 0 : i32
        %dma_wait3A_198 = tpu.memref_slice %arg9[%dma_wait3A_197] : memref<10240xf32, #tpu.memory_space<vmem_shared>> -> memref<10240xf32, #tpu.memory_space<vmem_shared>>
        tpu.wait_indirect_dma semaphore(%run_scoped3A : memref<!tpu.dma_semaphore, #tpu.memory_space<semaphore_mem>>) src(%arg14 : memref<128xf32, #tpu.memory_space<vmem>>) dst(%dma_wait3A_198 : memref<10240xf32, #tpu.memory_space<vmem_shared>>)
        tpu.yield
      }) : () -> ()
      %add3A_165 = arith.constant 2 : i32
      %add3A_166 = arith.addi %mul3A_159, %add3A_165 : i32
      %lt3A = arith.constant 40 : i32
      %lt3A_167 = arith.cmpi slt, %add3A_166, %lt3A : i32
      %convert_element_type3A_168 = arith.extui %lt3A_167 : i1 to i32
      %cond3A_169 = arith.constant 0 : i32
      %cond3A_170 = arith.cmpi ne, %convert_element_type3A_168, %cond3A_169 : i32
      scf.if %cond3A_170 {
        %add3A_189 = arith.constant 2 : i32
        %add3A_190 = arith.addi %mul3A_159, %add3A_189 : i32
        %dma_start3A_191 = arith.constant 0 : i32
        %dma_start3A_192 = tpu.memref_slice %arg10[%add3A_190, %dma_start3A_191] : memref<40x128xi32, #tpu.memory_space<vmem>> -> memref<1x128xi32, #tpu.memory_space<vmem>>
        %dma_start3A_193 = tpu.memref_squeeze %dma_start3A_192 : memref<1x128xi32, #tpu.memory_space<vmem>> -> memref<128xi32, #tpu.memory_space<vmem>>
        %dma_start3A_194 = arith.constant 0 : i32
        %dma_start3A_195 = arith.constant 0 : i32
        %dma_start3A_196 = tpu.memref_slice %arg2[%dma_start3A_194, %dma_start3A_195] : memref<10000x128xf32, #tpu.memory_space<hbm>> -> memref<10000x128xf32, #tpu.memory_space<hbm>>
        tpu.enqueue_indirect_dma source(%dma_start3A_196 : memref<10000x128xf32, #tpu.memory_space<hbm>>) target(%arg12 : memref<128x128xf32, #tpu.memory_space<vmem>>) offsets(%dma_start3A_193 : memref<128xi32, #tpu.memory_space<vmem>>) semaphore(%arg16 : memref<!tpu.dma_semaphore, #tpu.memory_space<semaphore_mem>>)
      } else {
      }
      %mul3A_171 = arith.constant 2 : i32
      %mul3A_172 = arith.muli %mul3A_171, %scan3A_156 : i32
      %add3A_173 = arith.constant 1 : i32
      %add3A_174 = arith.addi %mul3A_172, %add3A_173 : i32
      %dma_wait3A_175 = arith.constant 0 : i32
      %dma_wait3A_176 = tpu.memref_slice %arg10[%add3A_174, %dma_wait3A_175] : memref<40x128xi32, #tpu.memory_space<vmem>> -> memref<1x128xi32, #tpu.memory_space<vmem>>
      %dma_wait3A_177 = tpu.memref_squeeze %dma_wait3A_176 : memref<1x128xi32, #tpu.memory_space<vmem>> -> memref<128xi32, #tpu.memory_space<vmem>>
      %dma_wait3A_178 = arith.constant 0 : i32
      %dma_wait3A_179 = arith.constant 0 : i32
      %dma_wait3A_180 = tpu.memref_slice %arg2[%dma_wait3A_178, %dma_wait3A_179] : memref<10000x128xf32, #tpu.memory_space<hbm>> -> memref<10000x128xf32, #tpu.memory_space<hbm>>
      tpu.wait_indirect_dma semaphore(%arg17 : memref<!tpu.dma_semaphore, #tpu.memory_space<semaphore_mem>>) src(%dma_wait3A_180 : memref<10000x128xf32, #tpu.memory_space<hbm>>) dst(%arg13 : memref<128x128xf32, #tpu.memory_space<vmem>>)
      "tpu.region"() ({
        %run_scoped3A = tpu.sem_alloc : memref<!tpu.dma_semaphore, #tpu.memory_space<semaphore_mem>>
        %dma_start3A_189 = arith.constant 0 : i32
        %dma_start3A_190 = tpu.memref_slice %arg11[%add3A_174, %dma_start3A_189] : memref<40x128xi32, #tpu.memory_space<vmem>> -> memref<1x128xi32, #tpu.memory_space<vmem>>
        %dma_start3A_191 = tpu.memref_squeeze %dma_start3A_190 : memref<1x128xi32, #tpu.memory_space<vmem>> -> memref<128xi32, #tpu.memory_space<vmem>>
        %dma_start3A_192 = arith.constant 0 : i32
        %dma_start3A_193 = arith.constant 0 : i32
        %dma_start3A_194 = tpu.memref_slice %arg8[%dma_start3A_192, %dma_start3A_193] : memref<10128x128xf32, #tpu.memory_space<vmem_shared>> -> memref<10128x128xf32, #tpu.memory_space<vmem_shared>>
        tpu.enqueue_indirect_dma source(%arg13 : memref<128x128xf32, #tpu.memory_space<vmem>>) target(%dma_start3A_194 : memref<10128x128xf32, #tpu.memory_space<vmem_shared>>) offsets(%dma_start3A_191 : memref<128xi32, #tpu.memory_space<vmem>>) semaphore(%run_scoped3A : memref<!tpu.dma_semaphore, #tpu.memory_space<semaphore_mem>>) {add = true}
        %dma_wait3A_195 = arith.constant 0 : i32
        %dma_wait3A_196 = tpu.memref_slice %arg11[%add3A_174, %dma_wait3A_195] : memref<40x128xi32, #tpu.memory_space<vmem>> -> memref<1x128xi32, #tpu.memory_space<vmem>>
        %dma_wait3A_197 = tpu.memref_squeeze %dma_wait3A_196 : memref<1x128xi32, #tpu.memory_space<vmem>> -> memref<128xi32, #tpu.memory_space<vmem>>
        %dma_wait3A_198 = arith.constant 0 : i32
        %dma_wait3A_199 = arith.constant 0 : i32
        %dma_wait3A_200 = tpu.memref_slice %arg8[%dma_wait3A_198, %dma_wait3A_199] : memref<10128x128xf32, #tpu.memory_space<vmem_shared>> -> memref<10128x128xf32, #tpu.memory_space<vmem_shared>>
        tpu.wait_indirect_dma semaphore(%run_scoped3A : memref<!tpu.dma_semaphore, #tpu.memory_space<semaphore_mem>>) src(%arg13 : memref<128x128xf32, #tpu.memory_space<vmem>>) dst(%dma_wait3A_200 : memref<10128x128xf32, #tpu.memory_space<vmem_shared>>)
        tpu.yield
      }) : () -> ()
      "tpu.region"() ({
        %run_scoped3A = tpu.sem_alloc : memref<!tpu.dma_semaphore, #tpu.memory_space<semaphore_mem>>
        %dma_start3A_189 = arith.constant 0 : i32
        %dma_start3A_190 = tpu.memref_slice %arg11[%add3A_174, %dma_start3A_189] : memref<40x128xi32, #tpu.memory_space<vmem>> -> memref<1x128xi32, #tpu.memory_space<vmem>>
        %dma_start3A_191 = tpu.memref_squeeze %dma_start3A_190 : memref<1x128xi32, #tpu.memory_space<vmem>> -> memref<128xi32, #tpu.memory_space<vmem>>
        %dma_start3A_192 = arith.constant 0 : i32
        %dma_start3A_193 = tpu.memref_slice %arg9[%dma_start3A_192] : memref<10240xf32, #tpu.memory_space<vmem_shared>> -> memref<10240xf32, #tpu.memory_space<vmem_shared>>
        tpu.enqueue_indirect_dma source(%arg14 : memref<128xf32, #tpu.memory_space<vmem>>) target(%dma_start3A_193 : memref<10240xf32, #tpu.memory_space<vmem_shared>>) offsets(%dma_start3A_191 : memref<128xi32, #tpu.memory_space<vmem>>) semaphore(%run_scoped3A : memref<!tpu.dma_semaphore, #tpu.memory_space<semaphore_mem>>) {add = true}
        %dma_wait3A_194 = arith.constant 0 : i32
        %dma_wait3A_195 = tpu.memref_slice %arg11[%add3A_174, %dma_wait3A_194] : memref<40x128xi32, #tpu.memory_space<vmem>> -> memref<1x128xi32, #tpu.memory_space<vmem>>
        %dma_wait3A_196 = tpu.memref_squeeze %dma_wait3A_195 : memref<1x128xi32, #tpu.memory_space<vmem>> -> memref<128xi32, #tpu.memory_space<vmem>>
        %dma_wait3A_197 = arith.constant 0 : i32
        %dma_wait3A_198 = tpu.memref_slice %arg9[%dma_wait3A_197] : memref<10240xf32, #tpu.memory_space<vmem_shared>> -> memref<10240xf32, #tpu.memory_space<vmem_shared>>
        tpu.wait_indirect_dma semaphore(%run_scoped3A : memref<!tpu.dma_semaphore, #tpu.memory_space<semaphore_mem>>) src(%arg14 : memref<128xf32, #tpu.memory_space<vmem>>) dst(%dma_wait3A_198 : memref<10240xf32, #tpu.memory_space<vmem_shared>>)
        tpu.yield
      }) : () -> ()
      %add3A_181 = arith.constant 2 : i32
      %add3A_182 = arith.addi %add3A_174, %add3A_181 : i32
      %lt3A_183 = arith.constant 40 : i32
      %lt3A_184 = arith.cmpi slt, %add3A_182, %lt3A_183 : i32
      %convert_element_type3A_185 = arith.extui %lt3A_184 : i1 to i32
      %cond3A_186 = arith.constant 0 : i32
      %cond3A_187 = arith.cmpi ne, %convert_element_type3A_185, %cond3A_186 : i32
      scf.if %cond3A_187 {
        %add3A_189 = arith.constant 2 : i32
        %add3A_190 = arith.addi %add3A_174, %add3A_189 : i32
        %dma_start3A_191 = arith.constant 0 : i32
        %dma_start3A_192 = tpu.memref_slice %arg10[%add3A_190, %dma_start3A_191] : memref<40x128xi32, #tpu.memory_space<vmem>> -> memref<1x128xi32, #tpu.memory_space<vmem>>
        %dma_start3A_193 = tpu.memref_squeeze %dma_start3A_192 : memref<1x128xi32, #tpu.memory_space<vmem>> -> memref<128xi32, #tpu.memory_space<vmem>>
        %dma_start3A_194 = arith.constant 0 : i32
        %dma_start3A_195 = arith.constant 0 : i32
        %dma_start3A_196 = tpu.memref_slice %arg2[%dma_start3A_194, %dma_start3A_195] : memref<10000x128xf32, #tpu.memory_space<hbm>> -> memref<10000x128xf32, #tpu.memory_space<hbm>>
        tpu.enqueue_indirect_dma source(%dma_start3A_196 : memref<10000x128xf32, #tpu.memory_space<hbm>>) target(%arg13 : memref<128x128xf32, #tpu.memory_space<vmem>>) offsets(%dma_start3A_193 : memref<128xi32, #tpu.memory_space<vmem>>) semaphore(%arg17 : memref<!tpu.dma_semaphore, #tpu.memory_space<semaphore_mem>>)
      } else {
      }
      %scan3A_188 = arith.constant 0 : i32
      scf.yield %scan3A_188 : i32
    }
    %scan3A_105 = arith.constant 20 : i32
    %add3A_106 = arith.constant 40 : i32
    %add3A_107 = arith.addi %mul3A_81, %add3A_106 : i32
    "tpu.region"() ({
      %run_scoped3A = tpu.sem_alloc : memref<!tpu.dma_semaphore, #tpu.memory_space<semaphore_mem>>
      %dma_start3A_156 = arith.constant 0 : i32
      %dma_start3A_157 = tpu.memref_slice %arg3[%add3A_107, %dma_start3A_156] : memref<2560x128xi32, #tpu.memory_space<hbm>> -> memref<40x128xi32, #tpu.memory_space<hbm>>
      %dma_start3A_158 = arith.constant 0 : i32
      %dma_start3A_159 = tpu.memref_slice %arg3[%add3A_107, %dma_start3A_158] : memref<2560x128xi32, #tpu.memory_space<hbm>> -> memref<40x128xi32, #tpu.memory_space<hbm>>
      tpu.enqueue_dma source(%dma_start3A_159 : memref<40x128xi32, #tpu.memory_space<hbm>>) target(%arg10 : memref<40x128xi32, #tpu.memory_space<vmem>>) target_semaphore(%run_scoped3A : memref<!tpu.dma_semaphore, #tpu.memory_space<semaphore_mem>>)
      %dma_wait3A = arith.constant 0 : i32
      %dma_wait3A_160 = tpu.memref_slice %arg3[%add3A_107, %dma_wait3A] : memref<2560x128xi32, #tpu.memory_space<hbm>> -> memref<40x128xi32, #tpu.memory_space<hbm>>
      %dma_wait3A_161 = arith.constant 0 : i32
      %dma_wait3A_162 = tpu.memref_slice %arg3[%add3A_107, %dma_wait3A_161] : memref<2560x128xi32, #tpu.memory_space<hbm>> -> memref<40x128xi32, #tpu.memory_space<hbm>>
      tpu.wait_dma2 semaphore(%run_scoped3A : memref<!tpu.dma_semaphore, #tpu.memory_space<semaphore_mem>>) src(%dma_wait3A_162 : memref<40x128xi32, #tpu.memory_space<hbm>>) dst(%arg10 : memref<40x128xi32, #tpu.memory_space<vmem>>)
      tpu.yield
    }) : () -> ()
    %add3A_108 = arith.constant 40 : i32
    %add3A_109 = arith.addi %mul3A_81, %add3A_108 : i32
    "tpu.region"() ({
      %run_scoped3A = tpu.sem_alloc : memref<!tpu.dma_semaphore, #tpu.memory_space<semaphore_mem>>
      %dma_start3A_156 = arith.constant 0 : i32
      %dma_start3A_157 = tpu.memref_slice %arg4[%add3A_109, %dma_start3A_156] : memref<2560x128xi32, #tpu.memory_space<hbm>> -> memref<40x128xi32, #tpu.memory_space<hbm>>
      %dma_start3A_158 = arith.constant 0 : i32
      %dma_start3A_159 = tpu.memref_slice %arg4[%add3A_109, %dma_start3A_158] : memref<2560x128xi32, #tpu.memory_space<hbm>> -> memref<40x128xi32, #tpu.memory_space<hbm>>
      tpu.enqueue_dma source(%dma_start3A_159 : memref<40x128xi32, #tpu.memory_space<hbm>>) target(%arg11 : memref<40x128xi32, #tpu.memory_space<vmem>>) target_semaphore(%run_scoped3A : memref<!tpu.dma_semaphore, #tpu.memory_space<semaphore_mem>>)
      %dma_wait3A = arith.constant 0 : i32
      %dma_wait3A_160 = tpu.memref_slice %arg4[%add3A_109, %dma_wait3A] : memref<2560x128xi32, #tpu.memory_space<hbm>> -> memref<40x128xi32, #tpu.memory_space<hbm>>
      %dma_wait3A_161 = arith.constant 0 : i32
      %dma_wait3A_162 = tpu.memref_slice %arg4[%add3A_109, %dma_wait3A_161] : memref<2560x128xi32, #tpu.memory_space<hbm>> -> memref<40x128xi32, #tpu.memory_space<hbm>>
      tpu.wait_dma2 semaphore(%run_scoped3A : memref<!tpu.dma_semaphore, #tpu.memory_space<semaphore_mem>>) src(%dma_wait3A_162 : memref<40x128xi32, #tpu.memory_space<hbm>>) dst(%arg11 : memref<40x128xi32, #tpu.memory_space<vmem>>)
      tpu.yield
    }) : () -> ()
    %dma_start3A_110 = arith.constant 0 : i32
    %dma_start3A_111 = arith.constant 0 : i32
    %dma_start3A_112 = tpu.memref_slice %arg10[%dma_start3A_110, %dma_start3A_111] : memref<40x128xi32, #tpu.memory_space<vmem>> -> memref<1x128xi32, #tpu.memory_space<vmem>>
    %dma_start3A_113 = tpu.memref_squeeze %dma_start3A_112 : memref<1x128xi32, #tpu.memory_space<vmem>> -> memref<128xi32, #tpu.memory_space<vmem>>
    %dma_start3A_114 = arith.constant 0 : i32
    %dma_start3A_115 = arith.constant 0 : i32
    %dma_start3A_116 = tpu.memref_slice %arg2[%dma_start3A_114, %dma_start3A_115] : memref<10000x128xf32, #tpu.memory_space<hbm>> -> memref<10000x128xf32, #tpu.memory_space<hbm>>
    tpu.enqueue_indirect_dma source(%dma_start3A_116 : memref<10000x128xf32, #tpu.memory_space<hbm>>) target(%arg12 : memref<128x128xf32, #tpu.memory_space<vmem>>) offsets(%dma_start3A_113 : memref<128xi32, #tpu.memory_space<vmem>>) semaphore(%arg16 : memref<!tpu.dma_semaphore, #tpu.memory_space<semaphore_mem>>)
    %dma_start3A_117 = arith.constant 1 : i32
    %dma_start3A_118 = arith.constant 0 : i32
    %dma_start3A_119 = tpu.memref_slice %arg10[%dma_start3A_117, %dma_start3A_118] : memref<40x128xi32, #tpu.memory_space<vmem>> -> memref<1x128xi32, #tpu.memory_space<vmem>>
    %dma_start3A_120 = tpu.memref_squeeze %dma_start3A_119 : memref<1x128xi32, #tpu.memory_space<vmem>> -> memref<128xi32, #tpu.memory_space<vmem>>
    %dma_start3A_121 = arith.constant 0 : i32
    %dma_start3A_122 = arith.constant 0 : i32
    %dma_start3A_123 = tpu.memref_slice %arg2[%dma_start3A_121, %dma_start3A_122] : memref<10000x128xf32, #tpu.memory_space<hbm>> -> memref<10000x128xf32, #tpu.memory_space<hbm>>
    tpu.enqueue_indirect_dma source(%dma_start3A_123 : memref<10000x128xf32, #tpu.memory_space<hbm>>) target(%arg13 : memref<128x128xf32, #tpu.memory_space<vmem>>) offsets(%dma_start3A_120 : memref<128xi32, #tpu.memory_space<vmem>>) semaphore(%arg17 : memref<!tpu.dma_semaphore, #tpu.memory_space<semaphore_mem>>)
    %scan3A_124 = arith.constant 0 : i32
    %scan3A_125 = arith.constant 0 : i32
    %scan3A_126 = arith.constant 20 : i32
    %scan3A_127 = arith.addi %scan3A_125, %scan3A_126 : i32
    %scan3A_128 = arith.constant 1 : i32
    %scan3A_129 = scf.for %scan3A_156 = %scan3A_125 to %scan3A_127 step %scan3A_128 iter_args(%scan3A_157 = %scan3A_124) -> (i32)  : i32 {
      %mul3A_158 = arith.constant 2 : i32
      %mul3A_159 = arith.muli %mul3A_158, %scan3A_156 : i32
      %dma_wait3A = arith.constant 0 : i32
      %dma_wait3A_160 = tpu.memref_slice %arg10[%mul3A_159, %dma_wait3A] : memref<40x128xi32, #tpu.memory_space<vmem>> -> memref<1x128xi32, #tpu.memory_space<vmem>>
      %dma_wait3A_161 = tpu.memref_squeeze %dma_wait3A_160 : memref<1x128xi32, #tpu.memory_space<vmem>> -> memref<128xi32, #tpu.memory_space<vmem>>
      %dma_wait3A_162 = arith.constant 0 : i32
      %dma_wait3A_163 = arith.constant 0 : i32
      %dma_wait3A_164 = tpu.memref_slice %arg2[%dma_wait3A_162, %dma_wait3A_163] : memref<10000x128xf32, #tpu.memory_space<hbm>> -> memref<10000x128xf32, #tpu.memory_space<hbm>>
      tpu.wait_indirect_dma semaphore(%arg16 : memref<!tpu.dma_semaphore, #tpu.memory_space<semaphore_mem>>) src(%dma_wait3A_164 : memref<10000x128xf32, #tpu.memory_space<hbm>>) dst(%arg12 : memref<128x128xf32, #tpu.memory_space<vmem>>)
      "tpu.region"() ({
        %run_scoped3A = tpu.sem_alloc : memref<!tpu.dma_semaphore, #tpu.memory_space<semaphore_mem>>
        %dma_start3A_189 = arith.constant 0 : i32
        %dma_start3A_190 = tpu.memref_slice %arg11[%mul3A_159, %dma_start3A_189] : memref<40x128xi32, #tpu.memory_space<vmem>> -> memref<1x128xi32, #tpu.memory_space<vmem>>
        %dma_start3A_191 = tpu.memref_squeeze %dma_start3A_190 : memref<1x128xi32, #tpu.memory_space<vmem>> -> memref<128xi32, #tpu.memory_space<vmem>>
        %dma_start3A_192 = arith.constant 0 : i32
        %dma_start3A_193 = arith.constant 0 : i32
        %dma_start3A_194 = tpu.memref_slice %arg8[%dma_start3A_192, %dma_start3A_193] : memref<10128x128xf32, #tpu.memory_space<vmem_shared>> -> memref<10128x128xf32, #tpu.memory_space<vmem_shared>>
        tpu.enqueue_indirect_dma source(%arg12 : memref<128x128xf32, #tpu.memory_space<vmem>>) target(%dma_start3A_194 : memref<10128x128xf32, #tpu.memory_space<vmem_shared>>) offsets(%dma_start3A_191 : memref<128xi32, #tpu.memory_space<vmem>>) semaphore(%run_scoped3A : memref<!tpu.dma_semaphore, #tpu.memory_space<semaphore_mem>>) {add = true}
        %dma_wait3A_195 = arith.constant 0 : i32
        %dma_wait3A_196 = tpu.memref_slice %arg11[%mul3A_159, %dma_wait3A_195] : memref<40x128xi32, #tpu.memory_space<vmem>> -> memref<1x128xi32, #tpu.memory_space<vmem>>
        %dma_wait3A_197 = tpu.memref_squeeze %dma_wait3A_196 : memref<1x128xi32, #tpu.memory_space<vmem>> -> memref<128xi32, #tpu.memory_space<vmem>>
        %dma_wait3A_198 = arith.constant 0 : i32
        %dma_wait3A_199 = arith.constant 0 : i32
        %dma_wait3A_200 = tpu.memref_slice %arg8[%dma_wait3A_198, %dma_wait3A_199] : memref<10128x128xf32, #tpu.memory_space<vmem_shared>> -> memref<10128x128xf32, #tpu.memory_space<vmem_shared>>
        tpu.wait_indirect_dma semaphore(%run_scoped3A : memref<!tpu.dma_semaphore, #tpu.memory_space<semaphore_mem>>) src(%arg12 : memref<128x128xf32, #tpu.memory_space<vmem>>) dst(%dma_wait3A_200 : memref<10128x128xf32, #tpu.memory_space<vmem_shared>>)
        tpu.yield
      }) : () -> ()
      "tpu.region"() ({
        %run_scoped3A = tpu.sem_alloc : memref<!tpu.dma_semaphore, #tpu.memory_space<semaphore_mem>>
        %dma_start3A_189 = arith.constant 0 : i32
        %dma_start3A_190 = tpu.memref_slice %arg11[%mul3A_159, %dma_start3A_189] : memref<40x128xi32, #tpu.memory_space<vmem>> -> memref<1x128xi32, #tpu.memory_space<vmem>>
        %dma_start3A_191 = tpu.memref_squeeze %dma_start3A_190 : memref<1x128xi32, #tpu.memory_space<vmem>> -> memref<128xi32, #tpu.memory_space<vmem>>
        %dma_start3A_192 = arith.constant 0 : i32
        %dma_start3A_193 = tpu.memref_slice %arg9[%dma_start3A_192] : memref<10240xf32, #tpu.memory_space<vmem_shared>> -> memref<10240xf32, #tpu.memory_space<vmem_shared>>
        tpu.enqueue_indirect_dma source(%arg14 : memref<128xf32, #tpu.memory_space<vmem>>) target(%dma_start3A_193 : memref<10240xf32, #tpu.memory_space<vmem_shared>>) offsets(%dma_start3A_191 : memref<128xi32, #tpu.memory_space<vmem>>) semaphore(%run_scoped3A : memref<!tpu.dma_semaphore, #tpu.memory_space<semaphore_mem>>) {add = true}
        %dma_wait3A_194 = arith.constant 0 : i32
        %dma_wait3A_195 = tpu.memref_slice %arg11[%mul3A_159, %dma_wait3A_194] : memref<40x128xi32, #tpu.memory_space<vmem>> -> memref<1x128xi32, #tpu.memory_space<vmem>>
        %dma_wait3A_196 = tpu.memref_squeeze %dma_wait3A_195 : memref<1x128xi32, #tpu.memory_space<vmem>> -> memref<128xi32, #tpu.memory_space<vmem>>
        %dma_wait3A_197 = arith.constant 0 : i32
        %dma_wait3A_198 = tpu.memref_slice %arg9[%dma_wait3A_197] : memref<10240xf32, #tpu.memory_space<vmem_shared>> -> memref<10240xf32, #tpu.memory_space<vmem_shared>>
        tpu.wait_indirect_dma semaphore(%run_scoped3A : memref<!tpu.dma_semaphore, #tpu.memory_space<semaphore_mem>>) src(%arg14 : memref<128xf32, #tpu.memory_space<vmem>>) dst(%dma_wait3A_198 : memref<10240xf32, #tpu.memory_space<vmem_shared>>)
        tpu.yield
      }) : () -> ()
      %add3A_165 = arith.constant 2 : i32
      %add3A_166 = arith.addi %mul3A_159, %add3A_165 : i32
      %lt3A = arith.constant 40 : i32
      %lt3A_167 = arith.cmpi slt, %add3A_166, %lt3A : i32
      %convert_element_type3A_168 = arith.extui %lt3A_167 : i1 to i32
      %cond3A_169 = arith.constant 0 : i32
      %cond3A_170 = arith.cmpi ne, %convert_element_type3A_168, %cond3A_169 : i32
      scf.if %cond3A_170 {
        %add3A_189 = arith.constant 2 : i32
        %add3A_190 = arith.addi %mul3A_159, %add3A_189 : i32
        %dma_start3A_191 = arith.constant 0 : i32
        %dma_start3A_192 = tpu.memref_slice %arg10[%add3A_190, %dma_start3A_191] : memref<40x128xi32, #tpu.memory_space<vmem>> -> memref<1x128xi32, #tpu.memory_space<vmem>>
        %dma_start3A_193 = tpu.memref_squeeze %dma_start3A_192 : memref<1x128xi32, #tpu.memory_space<vmem>> -> memref<128xi32, #tpu.memory_space<vmem>>
        %dma_start3A_194 = arith.constant 0 : i32
        %dma_start3A_195 = arith.constant 0 : i32
        %dma_start3A_196 = tpu.memref_slice %arg2[%dma_start3A_194, %dma_start3A_195] : memref<10000x128xf32, #tpu.memory_space<hbm>> -> memref<10000x128xf32, #tpu.memory_space<hbm>>
        tpu.enqueue_indirect_dma source(%dma_start3A_196 : memref<10000x128xf32, #tpu.memory_space<hbm>>) target(%arg12 : memref<128x128xf32, #tpu.memory_space<vmem>>) offsets(%dma_start3A_193 : memref<128xi32, #tpu.memory_space<vmem>>) semaphore(%arg16 : memref<!tpu.dma_semaphore, #tpu.memory_space<semaphore_mem>>)
      } else {
      }
      %mul3A_171 = arith.constant 2 : i32
      %mul3A_172 = arith.muli %mul3A_171, %scan3A_156 : i32
      %add3A_173 = arith.constant 1 : i32
      %add3A_174 = arith.addi %mul3A_172, %add3A_173 : i32
      %dma_wait3A_175 = arith.constant 0 : i32
      %dma_wait3A_176 = tpu.memref_slice %arg10[%add3A_174, %dma_wait3A_175] : memref<40x128xi32, #tpu.memory_space<vmem>> -> memref<1x128xi32, #tpu.memory_space<vmem>>
      %dma_wait3A_177 = tpu.memref_squeeze %dma_wait3A_176 : memref<1x128xi32, #tpu.memory_space<vmem>> -> memref<128xi32, #tpu.memory_space<vmem>>
      %dma_wait3A_178 = arith.constant 0 : i32
      %dma_wait3A_179 = arith.constant 0 : i32
      %dma_wait3A_180 = tpu.memref_slice %arg2[%dma_wait3A_178, %dma_wait3A_179] : memref<10000x128xf32, #tpu.memory_space<hbm>> -> memref<10000x128xf32, #tpu.memory_space<hbm>>
      tpu.wait_indirect_dma semaphore(%arg17 : memref<!tpu.dma_semaphore, #tpu.memory_space<semaphore_mem>>) src(%dma_wait3A_180 : memref<10000x128xf32, #tpu.memory_space<hbm>>) dst(%arg13 : memref<128x128xf32, #tpu.memory_space<vmem>>)
      "tpu.region"() ({
        %run_scoped3A = tpu.sem_alloc : memref<!tpu.dma_semaphore, #tpu.memory_space<semaphore_mem>>
        %dma_start3A_189 = arith.constant 0 : i32
        %dma_start3A_190 = tpu.memref_slice %arg11[%add3A_174, %dma_start3A_189] : memref<40x128xi32, #tpu.memory_space<vmem>> -> memref<1x128xi32, #tpu.memory_space<vmem>>
        %dma_start3A_191 = tpu.memref_squeeze %dma_start3A_190 : memref<1x128xi32, #tpu.memory_space<vmem>> -> memref<128xi32, #tpu.memory_space<vmem>>
        %dma_start3A_192 = arith.constant 0 : i32
        %dma_start3A_193 = arith.constant 0 : i32
        %dma_start3A_194 = tpu.memref_slice %arg8[%dma_start3A_192, %dma_start3A_193] : memref<10128x128xf32, #tpu.memory_space<vmem_shared>> -> memref<10128x128xf32, #tpu.memory_space<vmem_shared>>
        tpu.enqueue_indirect_dma source(%arg13 : memref<128x128xf32, #tpu.memory_space<vmem>>) target(%dma_start3A_194 : memref<10128x128xf32, #tpu.memory_space<vmem_shared>>) offsets(%dma_start3A_191 : memref<128xi32, #tpu.memory_space<vmem>>) semaphore(%run_scoped3A : memref<!tpu.dma_semaphore, #tpu.memory_space<semaphore_mem>>) {add = true}
        %dma_wait3A_195 = arith.constant 0 : i32
        %dma_wait3A_196 = tpu.memref_slice %arg11[%add3A_174, %dma_wait3A_195] : memref<40x128xi32, #tpu.memory_space<vmem>> -> memref<1x128xi32, #tpu.memory_space<vmem>>
        %dma_wait3A_197 = tpu.memref_squeeze %dma_wait3A_196 : memref<1x128xi32, #tpu.memory_space<vmem>> -> memref<128xi32, #tpu.memory_space<vmem>>
        %dma_wait3A_198 = arith.constant 0 : i32
        %dma_wait3A_199 = arith.constant 0 : i32
        %dma_wait3A_200 = tpu.memref_slice %arg8[%dma_wait3A_198, %dma_wait3A_199] : memref<10128x128xf32, #tpu.memory_space<vmem_shared>> -> memref<10128x128xf32, #tpu.memory_space<vmem_shared>>
        tpu.wait_indirect_dma semaphore(%run_scoped3A : memref<!tpu.dma_semaphore, #tpu.memory_space<semaphore_mem>>) src(%arg13 : memref<128x128xf32, #tpu.memory_space<vmem>>) dst(%dma_wait3A_200 : memref<10128x128xf32, #tpu.memory_space<vmem_shared>>)
        tpu.yield
      }) : () -> ()
      "tpu.region"() ({
        %run_scoped3A = tpu.sem_alloc : memref<!tpu.dma_semaphore, #tpu.memory_space<semaphore_mem>>
        %dma_start3A_189 = arith.constant 0 : i32
        %dma_start3A_190 = tpu.memref_slice %arg11[%add3A_174, %dma_start3A_189] : memref<40x128xi32, #tpu.memory_space<vmem>> -> memref<1x128xi32, #tpu.memory_space<vmem>>
        %dma_start3A_191 = tpu.memref_squeeze %dma_start3A_190 : memref<1x128xi32, #tpu.memory_space<vmem>> -> memref<128xi32, #tpu.memory_space<vmem>>
        %dma_start3A_192 = arith.constant 0 : i32
        %dma_start3A_193 = tpu.memref_slice %arg9[%dma_start3A_192] : memref<10240xf32, #tpu.memory_space<vmem_shared>> -> memref<10240xf32, #tpu.memory_space<vmem_shared>>
        tpu.enqueue_indirect_dma source(%arg14 : memref<128xf32, #tpu.memory_space<vmem>>) target(%dma_start3A_193 : memref<10240xf32, #tpu.memory_space<vmem_shared>>) offsets(%dma_start3A_191 : memref<128xi32, #tpu.memory_space<vmem>>) semaphore(%run_scoped3A : memref<!tpu.dma_semaphore, #tpu.memory_space<semaphore_mem>>) {add = true}
        %dma_wait3A_194 = arith.constant 0 : i32
        %dma_wait3A_195 = tpu.memref_slice %arg11[%add3A_174, %dma_wait3A_194] : memref<40x128xi32, #tpu.memory_space<vmem>> -> memref<1x128xi32, #tpu.memory_space<vmem>>
        %dma_wait3A_196 = tpu.memref_squeeze %dma_wait3A_195 : memref<1x128xi32, #tpu.memory_space<vmem>> -> memref<128xi32, #tpu.memory_space<vmem>>
        %dma_wait3A_197 = arith.constant 0 : i32
        %dma_wait3A_198 = tpu.memref_slice %arg9[%dma_wait3A_197] : memref<10240xf32, #tpu.memory_space<vmem_shared>> -> memref<10240xf32, #tpu.memory_space<vmem_shared>>
        tpu.wait_indirect_dma semaphore(%run_scoped3A : memref<!tpu.dma_semaphore, #tpu.memory_space<semaphore_mem>>) src(%arg14 : memref<128xf32, #tpu.memory_space<vmem>>) dst(%dma_wait3A_198 : memref<10240xf32, #tpu.memory_space<vmem_shared>>)
        tpu.yield
      }) : () -> ()
      %add3A_181 = arith.constant 2 : i32
      %add3A_182 = arith.addi %add3A_174, %add3A_181 : i32
      %lt3A_183 = arith.constant 40 : i32
      %lt3A_184 = arith.cmpi slt, %add3A_182, %lt3A_183 : i32
      %convert_element_type3A_185 = arith.extui %lt3A_184 : i1 to i32
      %cond3A_186 = arith.constant 0 : i32
      %cond3A_187 = arith.cmpi ne, %convert_element_type3A_185, %cond3A_186 : i32
      scf.if %cond3A_187 {
        %add3A_189 = arith.constant 2 : i32
        %add3A_190 = arith.addi %add3A_174, %add3A_189 : i32
        %dma_start3A_191 = arith.constant 0 : i32
        %dma_start3A_192 = tpu.memref_slice %arg10[%add3A_190, %dma_start3A_191] : memref<40x128xi32, #tpu.memory_space<vmem>> -> memref<1x128xi32, #tpu.memory_space<vmem>>
        %dma_start3A_193 = tpu.memref_squeeze %dma_start3A_192 : memref<1x128xi32, #tpu.memory_space<vmem>> -> memref<128xi32, #tpu.memory_space<vmem>>
        %dma_start3A_194 = arith.constant 0 : i32
        %dma_start3A_195 = arith.constant 0 : i32
        %dma_start3A_196 = tpu.memref_slice %arg2[%dma_start3A_194, %dma_start3A_195] : memref<10000x128xf32, #tpu.memory_space<hbm>> -> memref<10000x128xf32, #tpu.memory_space<hbm>>
        tpu.enqueue_indirect_dma source(%dma_start3A_196 : memref<10000x128xf32, #tpu.memory_space<hbm>>) target(%arg13 : memref<128x128xf32, #tpu.memory_space<vmem>>) offsets(%dma_start3A_193 : memref<128xi32, #tpu.memory_space<vmem>>) semaphore(%arg17 : memref<!tpu.dma_semaphore, #tpu.memory_space<semaphore_mem>>)
      } else {
      }
      %scan3A_188 = arith.constant 0 : i32
      scf.yield %scan3A_188 : i32
    }
    %scan3A_130 = arith.constant 20 : i32
    %barrier3A_131 = arith.constant 0 : index
    tpu.barrier barrier_id(%barrier3A_131)
    %mul3A_132 = arith.constant 624 : i32
    %mul3A_133 = arith.muli %arg1, %mul3A_132 : i32
    %mul3A_134 = arith.constant 624 : i32
    %mul3A_135 = arith.muli %arg1, %mul3A_134 : i32
    "tpu.region"() ({
      %run_scoped3A = tpu.sem_alloc : memref<!tpu.dma_semaphore, #tpu.memory_space<semaphore_mem>>
      %dma_start3A_156 = arith.constant 0 : i32
      %dma_start3A_157 = tpu.memref_slice %arg5[%arg0, %mul3A_135, %dma_start3A_156] : memref<2x10000x128xf32, #tpu.memory_space<hbm>> -> memref<1x624x128xf32, #tpu.memory_space<hbm>>
      %dma_start3A_158 = tpu.memref_squeeze %dma_start3A_157 : memref<1x624x128xf32, #tpu.memory_space<hbm>> -> memref<624x128xf32, #tpu.memory_space<hbm>>
      %dma_start3A_159 = arith.constant 0 : i32
      %dma_start3A_160 = tpu.memref_slice %arg8[%mul3A_133, %dma_start3A_159] : memref<10128x128xf32, #tpu.memory_space<vmem_shared>> -> memref<624x128xf32, #tpu.memory_space<vmem_shared>>
      tpu.enqueue_dma source(%dma_start3A_160 : memref<624x128xf32, #tpu.memory_space<vmem_shared>>) target(%dma_start3A_158 : memref<624x128xf32, #tpu.memory_space<hbm>>) target_semaphore(%run_scoped3A : memref<!tpu.dma_semaphore, #tpu.memory_space<semaphore_mem>>)
      %dma_wait3A = arith.constant 0 : i32
      %dma_wait3A_161 = tpu.memref_slice %arg5[%arg0, %mul3A_135, %dma_wait3A] : memref<2x10000x128xf32, #tpu.memory_space<hbm>> -> memref<1x624x128xf32, #tpu.memory_space<hbm>>
      %dma_wait3A_162 = tpu.memref_squeeze %dma_wait3A_161 : memref<1x624x128xf32, #tpu.memory_space<hbm>> -> memref<624x128xf32, #tpu.memory_space<hbm>>
      %dma_wait3A_163 = arith.constant 0 : i32
      %dma_wait3A_164 = tpu.memref_slice %arg8[%mul3A_133, %dma_wait3A_163] : memref<10128x128xf32, #tpu.memory_space<vmem_shared>> -> memref<624x128xf32, #tpu.memory_space<vmem_shared>>
      tpu.wait_dma2 semaphore(%run_scoped3A : memref<!tpu.dma_semaphore, #tpu.memory_space<semaphore_mem>>) src(%dma_wait3A_164 : memref<624x128xf32, #tpu.memory_space<vmem_shared>>) dst(%dma_wait3A_162 : memref<624x128xf32, #tpu.memory_space<hbm>>)
      tpu.yield
    }) : () -> ()
    %eq3A_136 = arith.constant 0 : i32
    %eq3A_137 = arith.cmpi eq, %arg1, %eq3A_136 : i32
    %convert_element_type3A_138 = arith.extui %eq3A_137 : i1 to i32
    %cond3A_139 = arith.constant 0 : i32
    %cond3A_140 = arith.cmpi ne, %convert_element_type3A_138, %cond3A_139 : i32
    scf.if %cond3A_140 {
      "tpu.region"() ({
        %run_scoped3A = tpu.sem_alloc : memref<!tpu.dma_semaphore, #tpu.memory_space<semaphore_mem>>
        %dma_start3A_156 = arith.constant 9984 : i32
        %dma_start3A_157 = arith.constant 0 : i32
        %dma_start3A_158 = tpu.memref_slice %arg5[%arg0, %dma_start3A_156, %dma_start3A_157] : memref<2x10000x128xf32, #tpu.memory_space<hbm>> -> memref<1x16x128xf32, #tpu.memory_space<hbm>>
        %dma_start3A_159 = tpu.memref_squeeze %dma_start3A_158 : memref<1x16x128xf32, #tpu.memory_space<hbm>> -> memref<16x128xf32, #tpu.memory_space<hbm>>
        %dma_start3A_160 = arith.constant 9984 : i32
        %dma_start3A_161 = arith.constant 0 : i32
        %dma_start3A_162 = tpu.memref_slice %arg8[%dma_start3A_160, %dma_start3A_161] : memref<10128x128xf32, #tpu.memory_space<vmem_shared>> -> memref<16x128xf32, #tpu.memory_space<vmem_shared>>
        tpu.enqueue_dma source(%dma_start3A_162 : memref<16x128xf32, #tpu.memory_space<vmem_shared>>) target(%dma_start3A_159 : memref<16x128xf32, #tpu.memory_space<hbm>>) target_semaphore(%run_scoped3A : memref<!tpu.dma_semaphore, #tpu.memory_space<semaphore_mem>>)
        %dma_wait3A = arith.constant 9984 : i32
        %dma_wait3A_163 = arith.constant 0 : i32
        %dma_wait3A_164 = tpu.memref_slice %arg5[%arg0, %dma_wait3A, %dma_wait3A_163] : memref<2x10000x128xf32, #tpu.memory_space<hbm>> -> memref<1x16x128xf32, #tpu.memory_space<hbm>>
        %dma_wait3A_165 = tpu.memref_squeeze %dma_wait3A_164 : memref<1x16x128xf32, #tpu.memory_space<hbm>> -> memref<16x128xf32, #tpu.memory_space<hbm>>
        %dma_wait3A_166 = arith.constant 9984 : i32
        %dma_wait3A_167 = arith.constant 0 : i32
        %dma_wait3A_168 = tpu.memref_slice %arg8[%dma_wait3A_166, %dma_wait3A_167] : memref<10128x128xf32, #tpu.memory_space<vmem_shared>> -> memref<16x128xf32, #tpu.memory_space<vmem_shared>>
        tpu.wait_dma2 semaphore(%run_scoped3A : memref<!tpu.dma_semaphore, #tpu.memory_space<semaphore_mem>>) src(%dma_wait3A_168 : memref<16x128xf32, #tpu.memory_space<vmem_shared>>) dst(%dma_wait3A_165 : memref<16x128xf32, #tpu.memory_space<hbm>>)
        tpu.yield
      }) : () -> ()
    } else {
    }
    %eq3A_141 = arith.constant 0 : i32
    %eq3A_142 = arith.cmpi eq, %arg1, %eq3A_141 : i32
    %eq3A_143 = arith.constant 0 : i32
    %eq3A_144 = arith.cmpi eq, %arg0, %eq3A_143 : i32
    %and3A = arith.andi %eq3A_142, %eq3A_144 : i1
    %convert_element_type3A_145 = arith.extui %and3A : i1 to i32
    %cond3A_146 = arith.constant 0 : i32
    %cond3A_147 = arith.cmpi ne, %convert_element_type3A_145, %cond3A_146 : i32
    scf.if %cond3A_147 {
      "tpu.region"() ({
        %run_scoped3A = tpu.sem_alloc : memref<!tpu.dma_semaphore, #tpu.memory_space<semaphore_mem>>
        tpu.enqueue_dma source(%arg9 : memref<10240xf32, #tpu.memory_space<vmem_shared>>) target(%arg6 : memref<10240xf32, #tpu.memory_space<hbm>>) target_semaphore(%run_scoped3A : memref<!tpu.dma_semaphore, #tpu.memory_space<semaphore_mem>>)
        tpu.wait_dma2 semaphore(%run_scoped3A : memref<!tpu.dma_semaphore, #tpu.memory_space<semaphore_mem>>) src(%arg9 : memref<10240xf32, #tpu.memory_space<vmem_shared>>) dst(%arg6 : memref<10240xf32, #tpu.memory_space<hbm>>)
        tpu.yield
      }) : () -> ()
    } else {
    }
    %eq3A_148 = arith.constant 0 : i32
    %eq3A_149 = arith.cmpi eq, %arg1, %eq3A_148 : i32
    %eq3A_150 = arith.constant 1 : i32
    %eq3A_151 = arith.cmpi eq, %arg0, %eq3A_150 : i32
    %and3A_152 = arith.andi %eq3A_149, %eq3A_151 : i1
    %convert_element_type3A_153 = arith.extui %and3A_152 : i1 to i32
    %cond3A_154 = arith.constant 0 : i32
    %cond3A_155 = arith.cmpi ne, %convert_element_type3A_153, %cond3A_154 : i32
    scf.if %cond3A_155 {
      "tpu.region"() ({
        %run_scoped3A = tpu.sem_alloc : memref<!tpu.dma_semaphore, #tpu.memory_space<semaphore_mem>>
        tpu.enqueue_dma source(%arg9 : memref<10240xf32, #tpu.memory_space<vmem_shared>>) target(%arg7 : memref<10240xf32, #tpu.memory_space<hbm>>) target_semaphore(%run_scoped3A : memref<!tpu.dma_semaphore, #tpu.memory_space<semaphore_mem>>)
        tpu.wait_dma2 semaphore(%run_scoped3A : memref<!tpu.dma_semaphore, #tpu.memory_space<semaphore_mem>>) src(%arg9 : memref<10240xf32, #tpu.memory_space<vmem_shared>>) dst(%arg7 : memref<10240xf32, #tpu.memory_space<hbm>>)
        tpu.yield
      }) : () -> ()
    } else {
    }
    return
  }
}

#map = affine_map<(d0, d1) -> (0, 0)>
#map1 = affine_map<(d0, d1) -> (0, 0, 0)>
module attributes {stable_mosaic.version = 14 : i64} {
  func.func @sc_segsum(%arg0: i32, %arg1: i32, %arg2: memref<10000x128xf32, #tpu.memory_space<hbm>>, %arg3: memref<2560x128xi32, #tpu.memory_space<hbm>>, %arg4: memref<2560x128xi32, #tpu.memory_space<hbm>>, %arg5: memref<2x10000x128xf32, #tpu.memory_space<hbm>>, %arg6: memref<10128x128xf32, #tpu.memory_space<vmem_shared>>, %arg7: memref<10240xf32, #tpu.memory_space<vmem_shared>>, %arg8: memref<40x128xi32, #tpu.memory_space<vmem>>, %arg9: memref<40x128xi32, #tpu.memory_space<vmem>>, %arg10: memref<128x128xf32, #tpu.memory_space<vmem>>, %arg11: memref<128x128xf32, #tpu.memory_space<vmem>>, %arg12: memref<128xf32, #tpu.memory_space<vmem>>, %arg13: memref<512xf32, #tpu.memory_space<vmem>>, %arg14: memref<!tpu.dma_semaphore, #tpu.memory_space<semaphore_mem>>, %arg15: memref<!tpu.dma_semaphore, #tpu.memory_space<semaphore_mem>>) attributes {dimension_semantics = [#tpu.dimension_semantics<core_parallel>, #tpu.dimension_semantics<subcore_parallel>], iteration_bounds = array<i64: 2, 16>, scalar_prefetch = 0 : i64, scratch_operands = 10 : i64, tpu.core_type = #tpu.core_type<sc_vector_subcore>, window_params = [{transform_indices = #map}, {transform_indices = #map}, {transform_indices = #map}, {transform_indices = #map1}]} {
    %mul3A = arith.constant 16 : i32
    %mul3A_0 = arith.muli %arg0, %mul3A : i32
    %add3A = arith.addi %mul3A_0, %arg1 : i32
    %scan3A = arith.constant 0 : i32
    %scan3A_1 = arith.constant 0 : i32
    %scan3A_2 = arith.constant 128 : i32
    %scan3A_3 = arith.addi %scan3A_1, %scan3A_2 : i32
    %scan3A_4 = arith.constant 1 : i32
    %scan3A_5 = scf.for %scan3A_90 = %scan3A_1 to %scan3A_3 step %scan3A_4 iter_args(%scan3A_91 = %scan3A) -> (i32)  : i32 {
      %broadcast_in_dim3A = arith.constant 0.000000e+00 : f32
      %broadcast_in_dim3A_92 = vector.broadcast %broadcast_in_dim3A : f32 to vector<16xf32>
      %swap3A = arith.index_cast %scan3A_90 : i32 to index
      %swap3A_93 = arith.constant 0 : index
      %swap3A_94 = tpu.vector_load %arg10[%swap3A, %swap3A_93] {strides = array<i32>} : memref<128x128xf32, #tpu.memory_space<vmem>>, vector<1x16xf32>,
      %swap3A_95 = vector.shape_cast %swap3A_94 : vector<1x16xf32> to vector<16xf32>
      %swap3A_96 = vector.shape_cast %broadcast_in_dim3A_92 : vector<16xf32> to vector<1x16xf32>
      tpu.vector_store %arg10[%swap3A, %swap3A_93], %swap3A_96 {strides = array<i32>} : memref<128x128xf32, #tpu.memory_space<vmem>>, vector<1x16xf32>,
      %broadcast_in_dim3A_97 = arith.constant 0.000000e+00 : f32
      %broadcast_in_dim3A_98 = vector.broadcast %broadcast_in_dim3A_97 : f32 to vector<16xf32>
      %swap3A_99 = arith.index_cast %scan3A_90 : i32 to index
      %swap3A_100 = arith.constant 16 : index
      %swap3A_101 = tpu.vector_load %arg10[%swap3A_99, %swap3A_100] {strides = array<i32>} : memref<128x128xf32, #tpu.memory_space<vmem>>, vector<1x16xf32>,
      %swap3A_102 = vector.shape_cast %swap3A_101 : vector<1x16xf32> to vector<16xf32>
      %swap3A_103 = vector.shape_cast %broadcast_in_dim3A_98 : vector<16xf32> to vector<1x16xf32>
      tpu.vector_store %arg10[%swap3A_99, %swap3A_100], %swap3A_103 {strides = array<i32>} : memref<128x128xf32, #tpu.memory_space<vmem>>, vector<1x16xf32>,
      %broadcast_in_dim3A_104 = arith.constant 0.000000e+00 : f32
      %broadcast_in_dim3A_105 = vector.broadcast %broadcast_in_dim3A_104 : f32 to vector<16xf32>
      %swap3A_106 = arith.index_cast %scan3A_90 : i32 to index
      %swap3A_107 = arith.constant 32 : index
      %swap3A_108 = tpu.vector_load %arg10[%swap3A_106, %swap3A_107] {strides = array<i32>} : memref<128x128xf32, #tpu.memory_space<vmem>>, vector<1x16xf32>,
      %swap3A_109 = vector.shape_cast %swap3A_108 : vector<1x16xf32> to vector<16xf32>
      %swap3A_110 = vector.shape_cast %broadcast_in_dim3A_105 : vector<16xf32> to vector<1x16xf32>
      tpu.vector_store %arg10[%swap3A_106, %swap3A_107], %swap3A_110 {strides = array<i32>} : memref<128x128xf32, #tpu.memory_space<vmem>>, vector<1x16xf32>,
      %broadcast_in_dim3A_111 = arith.constant 0.000000e+00 : f32
      %broadcast_in_dim3A_112 = vector.broadcast %broadcast_in_dim3A_111 : f32 to vector<16xf32>
      %swap3A_113 = arith.index_cast %scan3A_90 : i32 to index
      %swap3A_114 = arith.constant 48 : index
      %swap3A_115 = tpu.vector_load %arg10[%swap3A_113, %swap3A_114] {strides = array<i32>} : memref<128x128xf32, #tpu.memory_space<vmem>>, vector<1x16xf32>,
      %swap3A_116 = vector.shape_cast %swap3A_115 : vector<1x16xf32> to vector<16xf32>
      %swap3A_117 = vector.shape_cast %broadcast_in_dim3A_112 : vector<16xf32> to vector<1x16xf32>
      tpu.vector_store %arg10[%swap3A_113, %swap3A_114], %swap3A_117 {strides = array<i32>} : memref<128x128xf32, #tpu.memory_space<vmem>>, vector<1x16xf32>,
      %broadcast_in_dim3A_118 = arith.constant 0.000000e+00 : f32
      %broadcast_in_dim3A_119 = vector.broadcast %broadcast_in_dim3A_118 : f32 to vector<16xf32>
      %swap3A_120 = arith.index_cast %scan3A_90 : i32 to index
      %swap3A_121 = arith.constant 64 : index
      %swap3A_122 = tpu.vector_load %arg10[%swap3A_120, %swap3A_121] {strides = array<i32>} : memref<128x128xf32, #tpu.memory_space<vmem>>, vector<1x16xf32>,
      %swap3A_123 = vector.shape_cast %swap3A_122 : vector<1x16xf32> to vector<16xf32>
      %swap3A_124 = vector.shape_cast %broadcast_in_dim3A_119 : vector<16xf32> to vector<1x16xf32>
      tpu.vector_store %arg10[%swap3A_120, %swap3A_121], %swap3A_124 {strides = array<i32>} : memref<128x128xf32, #tpu.memory_space<vmem>>, vector<1x16xf32>,
      %broadcast_in_dim3A_125 = arith.constant 0.000000e+00 : f32
      %broadcast_in_dim3A_126 = vector.broadcast %broadcast_in_dim3A_125 : f32 to vector<16xf32>
      %swap3A_127 = arith.index_cast %scan3A_90 : i32 to index
      %swap3A_128 = arith.constant 80 : index
      %swap3A_129 = tpu.vector_load %arg10[%swap3A_127, %swap3A_128] {strides = array<i32>} : memref<128x128xf32, #tpu.memory_space<vmem>>, vector<1x16xf32>,
      %swap3A_130 = vector.shape_cast %swap3A_129 : vector<1x16xf32> to vector<16xf32>
      %swap3A_131 = vector.shape_cast %broadcast_in_dim3A_126 : vector<16xf32> to vector<1x16xf32>
      tpu.vector_store %arg10[%swap3A_127, %swap3A_128], %swap3A_131 {strides = array<i32>} : memref<128x128xf32, #tpu.memory_space<vmem>>, vector<1x16xf32>,
      %broadcast_in_dim3A_132 = arith.constant 0.000000e+00 : f32
      %broadcast_in_dim3A_133 = vector.broadcast %broadcast_in_dim3A_132 : f32 to vector<16xf32>
      %swap3A_134 = arith.index_cast %scan3A_90 : i32 to index
      %swap3A_135 = arith.constant 96 : index
      %swap3A_136 = tpu.vector_load %arg10[%swap3A_134, %swap3A_135] {strides = array<i32>} : memref<128x128xf32, #tpu.memory_space<vmem>>, vector<1x16xf32>,
      %swap3A_137 = vector.shape_cast %swap3A_136 : vector<1x16xf32> to vector<16xf32>
      %swap3A_138 = vector.shape_cast %broadcast_in_dim3A_133 : vector<16xf32> to vector<1x16xf32>
      tpu.vector_store %arg10[%swap3A_134, %swap3A_135], %swap3A_138 {strides = array<i32>} : memref<128x128xf32, #tpu.memory_space<vmem>>, vector<1x16xf32>,
      %broadcast_in_dim3A_139 = arith.constant 0.000000e+00 : f32
      %broadcast_in_dim3A_140 = vector.broadcast %broadcast_in_dim3A_139 : f32 to vector<16xf32>
      %swap3A_141 = arith.index_cast %scan3A_90 : i32 to index
      %swap3A_142 = arith.constant 112 : index
      %swap3A_143 = tpu.vector_load %arg10[%swap3A_141, %swap3A_142] {strides = array<i32>} : memref<128x128xf32, #tpu.memory_space<vmem>>, vector<1x16xf32>,
      %swap3A_144 = vector.shape_cast %swap3A_143 : vector<1x16xf32> to vector<16xf32>
      %swap3A_145 = vector.shape_cast %broadcast_in_dim3A_140 : vector<16xf32> to vector<1x16xf32>
      tpu.vector_store %arg10[%swap3A_141, %swap3A_142], %swap3A_145 {strides = array<i32>} : memref<128x128xf32, #tpu.memory_space<vmem>>, vector<1x16xf32>,
      %scan3A_146 = arith.constant 0 : i32
      scf.yield %scan3A_146 : i32
    }
    %scan3A_6 = arith.constant 128 : i32
    %mul3A_7 = arith.constant 624 : i32
    %mul3A_8 = arith.muli %arg1, %mul3A_7 : i32
    %add3A_9 = arith.constant 0 : i32
    %add3A_10 = arith.addi %mul3A_8, %add3A_9 : i32
    "tpu.region"() ({
      %run_scoped3A = tpu.sem_alloc : memref<!tpu.dma_semaphore, #tpu.memory_space<semaphore_mem>>
      %dma_start3A_90 = arith.constant 0 : i32
      %dma_start3A_91 = tpu.memref_slice %arg6[%add3A_10, %dma_start3A_90] : memref<10128x128xf32, #tpu.memory_space<vmem_shared>> -> memref<128x128xf32, #tpu.memory_space<vmem_shared>>
      %dma_start3A_92 = arith.constant 0 : i32
      %dma_start3A_93 = tpu.memref_slice %arg6[%add3A_10, %dma_start3A_92] : memref<10128x128xf32, #tpu.memory_space<vmem_shared>> -> memref<128x128xf32, #tpu.memory_space<vmem_shared>>
      tpu.enqueue_dma source(%arg10 : memref<128x128xf32, #tpu.memory_space<vmem>>) target(%dma_start3A_93 : memref<128x128xf32, #tpu.memory_space<vmem_shared>>) target_semaphore(%run_scoped3A : memref<!tpu.dma_semaphore, #tpu.memory_space<semaphore_mem>>)
      %dma_wait3A = arith.constant 0 : i32
      %dma_wait3A_94 = tpu.memref_slice %arg6[%add3A_10, %dma_wait3A] : memref<10128x128xf32, #tpu.memory_space<vmem_shared>> -> memref<128x128xf32, #tpu.memory_space<vmem_shared>>
      %dma_wait3A_95 = arith.constant 0 : i32
      %dma_wait3A_96 = tpu.memref_slice %arg6[%add3A_10, %dma_wait3A_95] : memref<10128x128xf32, #tpu.memory_space<vmem_shared>> -> memref<128x128xf32, #tpu.memory_space<vmem_shared>>
      tpu.wait_dma2 semaphore(%run_scoped3A : memref<!tpu.dma_semaphore, #tpu.memory_space<semaphore_mem>>) src(%arg10 : memref<128x128xf32, #tpu.memory_space<vmem>>) dst(%dma_wait3A_96 : memref<128x128xf32, #tpu.memory_space<vmem_shared>>)
      tpu.yield
    }) : () -> ()
    %mul3A_11 = arith.constant 624 : i32
    %mul3A_12 = arith.muli %arg1, %mul3A_11 : i32
    %add3A_13 = arith.constant 128 : i32
    %add3A_14 = arith.addi %mul3A_12, %add3A_13 : i32
    "tpu.region"() ({
      %run_scoped3A = tpu.sem_alloc : memref<!tpu.dma_semaphore, #tpu.memory_space<semaphore_mem>>
      %dma_start3A_90 = arith.constant 0 : i32
      %dma_start3A_91 = tpu.memref_slice %arg6[%add3A_14, %dma_start3A_90] : memref<10128x128xf32, #tpu.memory_space<vmem_shared>> -> memref<128x128xf32, #tpu.memory_space<vmem_shared>>
      %dma_start3A_92 = arith.constant 0 : i32
      %dma_start3A_93 = tpu.memref_slice %arg6[%add3A_14, %dma_start3A_92] : memref<10128x128xf32, #tpu.memory_space<vmem_shared>> -> memref<128x128xf32, #tpu.memory_space<vmem_shared>>
      tpu.enqueue_dma source(%arg10 : memref<128x128xf32, #tpu.memory_space<vmem>>) target(%dma_start3A_93 : memref<128x128xf32, #tpu.memory_space<vmem_shared>>) target_semaphore(%run_scoped3A : memref<!tpu.dma_semaphore, #tpu.memory_space<semaphore_mem>>)
      %dma_wait3A = arith.constant 0 : i32
      %dma_wait3A_94 = tpu.memref_slice %arg6[%add3A_14, %dma_wait3A] : memref<10128x128xf32, #tpu.memory_space<vmem_shared>> -> memref<128x128xf32, #tpu.memory_space<vmem_shared>>
      %dma_wait3A_95 = arith.constant 0 : i32
      %dma_wait3A_96 = tpu.memref_slice %arg6[%add3A_14, %dma_wait3A_95] : memref<10128x128xf32, #tpu.memory_space<vmem_shared>> -> memref<128x128xf32, #tpu.memory_space<vmem_shared>>
      tpu.wait_dma2 semaphore(%run_scoped3A : memref<!tpu.dma_semaphore, #tpu.memory_space<semaphore_mem>>) src(%arg10 : memref<128x128xf32, #tpu.memory_space<vmem>>) dst(%dma_wait3A_96 : memref<128x128xf32, #tpu.memory_space<vmem_shared>>)
      tpu.yield
    }) : () -> ()
    %mul3A_15 = arith.constant 624 : i32
    %mul3A_16 = arith.muli %arg1, %mul3A_15 : i32
    %add3A_17 = arith.constant 256 : i32
    %add3A_18 = arith.addi %mul3A_16, %add3A_17 : i32
    "tpu.region"() ({
      %run_scoped3A = tpu.sem_alloc : memref<!tpu.dma_semaphore, #tpu.memory_space<semaphore_mem>>
      %dma_start3A_90 = arith.constant 0 : i32
      %dma_start3A_91 = tpu.memref_slice %arg6[%add3A_18, %dma_start3A_90] : memref<10128x128xf32, #tpu.memory_space<vmem_shared>> -> memref<128x128xf32, #tpu.memory_space<vmem_shared>>
      %dma_start3A_92 = arith.constant 0 : i32
      %dma_start3A_93 = tpu.memref_slice %arg6[%add3A_18, %dma_start3A_92] : memref<10128x128xf32, #tpu.memory_space<vmem_shared>> -> memref<128x128xf32, #tpu.memory_space<vmem_shared>>
      tpu.enqueue_dma source(%arg10 : memref<128x128xf32, #tpu.memory_space<vmem>>) target(%dma_start3A_93 : memref<128x128xf32, #tpu.memory_space<vmem_shared>>) target_semaphore(%run_scoped3A : memref<!tpu.dma_semaphore, #tpu.memory_space<semaphore_mem>>)
      %dma_wait3A = arith.constant 0 : i32
      %dma_wait3A_94 = tpu.memref_slice %arg6[%add3A_18, %dma_wait3A] : memref<10128x128xf32, #tpu.memory_space<vmem_shared>> -> memref<128x128xf32, #tpu.memory_space<vmem_shared>>
      %dma_wait3A_95 = arith.constant 0 : i32
      %dma_wait3A_96 = tpu.memref_slice %arg6[%add3A_18, %dma_wait3A_95] : memref<10128x128xf32, #tpu.memory_space<vmem_shared>> -> memref<128x128xf32, #tpu.memory_space<vmem_shared>>
      tpu.wait_dma2 semaphore(%run_scoped3A : memref<!tpu.dma_semaphore, #tpu.memory_space<semaphore_mem>>) src(%arg10 : memref<128x128xf32, #tpu.memory_space<vmem>>) dst(%dma_wait3A_96 : memref<128x128xf32, #tpu.memory_space<vmem_shared>>)
      tpu.yield
    }) : () -> ()
    %mul3A_19 = arith.constant 624 : i32
    %mul3A_20 = arith.muli %arg1, %mul3A_19 : i32
    %add3A_21 = arith.constant 384 : i32
    %add3A_22 = arith.addi %mul3A_20, %add3A_21 : i32
    "tpu.region"() ({
      %run_scoped3A = tpu.sem_alloc : memref<!tpu.dma_semaphore, #tpu.memory_space<semaphore_mem>>
      %dma_start3A_90 = arith.constant 0 : i32
      %dma_start3A_91 = tpu.memref_slice %arg6[%add3A_22, %dma_start3A_90] : memref<10128x128xf32, #tpu.memory_space<vmem_shared>> -> memref<128x128xf32, #tpu.memory_space<vmem_shared>>
      %dma_start3A_92 = arith.constant 0 : i32
      %dma_start3A_93 = tpu.memref_slice %arg6[%add3A_22, %dma_start3A_92] : memref<10128x128xf32, #tpu.memory_space<vmem_shared>> -> memref<128x128xf32, #tpu.memory_space<vmem_shared>>
      tpu.enqueue_dma source(%arg10 : memref<128x128xf32, #tpu.memory_space<vmem>>) target(%dma_start3A_93 : memref<128x128xf32, #tpu.memory_space<vmem_shared>>) target_semaphore(%run_scoped3A : memref<!tpu.dma_semaphore, #tpu.memory_space<semaphore_mem>>)
      %dma_wait3A = arith.constant 0 : i32
      %dma_wait3A_94 = tpu.memref_slice %arg6[%add3A_22, %dma_wait3A] : memref<10128x128xf32, #tpu.memory_space<vmem_shared>> -> memref<128x128xf32, #tpu.memory_space<vmem_shared>>
      %dma_wait3A_95 = arith.constant 0 : i32
      %dma_wait3A_96 = tpu.memref_slice %arg6[%add3A_22, %dma_wait3A_95] : memref<10128x128xf32, #tpu.memory_space<vmem_shared>> -> memref<128x128xf32, #tpu.memory_space<vmem_shared>>
      tpu.wait_dma2 semaphore(%run_scoped3A : memref<!tpu.dma_semaphore, #tpu.memory_space<semaphore_mem>>) src(%arg10 : memref<128x128xf32, #tpu.memory_space<vmem>>) dst(%dma_wait3A_96 : memref<128x128xf32, #tpu.memory_space<vmem_shared>>)
      tpu.yield
    }) : () -> ()
    %mul3A_23 = arith.constant 624 : i32
    %mul3A_24 = arith.muli %arg1, %mul3A_23 : i32
    %add3A_25 = arith.constant 512 : i32
    %add3A_26 = arith.addi %mul3A_24, %add3A_25 : i32
    "tpu.region"() ({
      %run_scoped3A = tpu.sem_alloc : memref<!tpu.dma_semaphore, #tpu.memory_space<semaphore_mem>>
      %dma_start3A_90 = arith.constant 0 : i32
      %dma_start3A_91 = arith.constant 0 : i32
      %dma_start3A_92 = tpu.memref_slice %arg10[%dma_start3A_90, %dma_start3A_91] : memref<128x128xf32, #tpu.memory_space<vmem>> -> memref<112x128xf32, #tpu.memory_space<vmem>>
      %dma_start3A_93 = arith.constant 0 : i32
      %dma_start3A_94 = tpu.memref_slice %arg6[%add3A_26, %dma_start3A_93] : memref<10128x128xf32, #tpu.memory_space<vmem_shared>> -> memref<112x128xf32, #tpu.memory_space<vmem_shared>>
      %dma_start3A_95 = arith.constant 0 : i32
      %dma_start3A_96 = tpu.memref_slice %arg6[%add3A_26, %dma_start3A_95] : memref<10128x128xf32, #tpu.memory_space<vmem_shared>> -> memref<112x128xf32, #tpu.memory_space<vmem_shared>>
      %dma_start3A_97 = arith.constant 0 : i32
      %dma_start3A_98 = arith.constant 0 : i32
      %dma_start3A_99 = tpu.memref_slice %arg10[%dma_start3A_97, %dma_start3A_98] : memref<128x128xf32, #tpu.memory_space<vmem>> -> memref<112x128xf32, #tpu.memory_space<vmem>>
      tpu.enqueue_dma source(%dma_start3A_99 : memref<112x128xf32, #tpu.memory_space<vmem>>) target(%dma_start3A_96 : memref<112x128xf32, #tpu.memory_space<vmem_shared>>) target_semaphore(%run_scoped3A : memref<!tpu.dma_semaphore, #tpu.memory_space<semaphore_mem>>)
      %dma_wait3A = arith.constant 0 : i32
      %dma_wait3A_100 = arith.constant 0 : i32
      %dma_wait3A_101 = tpu.memref_slice %arg10[%dma_wait3A, %dma_wait3A_100] : memref<128x128xf32, #tpu.memory_space<vmem>> -> memref<112x128xf32, #tpu.memory_space<vmem>>
      %dma_wait3A_102 = arith.constant 0 : i32
      %dma_wait3A_103 = tpu.memref_slice %arg6[%add3A_26, %dma_wait3A_102] : memref<10128x128xf32, #tpu.memory_space<vmem_shared>> -> memref<112x128xf32, #tpu.memory_space<vmem_shared>>
      %dma_wait3A_104 = arith.constant 0 : i32
      %dma_wait3A_105 = tpu.memref_slice %arg6[%add3A_26, %dma_wait3A_104] : memref<10128x128xf32, #tpu.memory_space<vmem_shared>> -> memref<112x128xf32, #tpu.memory_space<vmem_shared>>
      %dma_wait3A_106 = arith.constant 0 : i32
      %dma_wait3A_107 = arith.constant 0 : i32
      %dma_wait3A_108 = tpu.memref_slice %arg10[%dma_wait3A_106, %dma_wait3A_107] : memref<128x128xf32, #tpu.memory_space<vmem>> -> memref<112x128xf32, #tpu.memory_space<vmem>>
      tpu.wait_dma2 semaphore(%run_scoped3A : memref<!tpu.dma_semaphore, #tpu.memory_space<semaphore_mem>>) src(%dma_wait3A_108 : memref<112x128xf32, #tpu.memory_space<vmem>>) dst(%dma_wait3A_105 : memref<112x128xf32, #tpu.memory_space<vmem_shared>>)
      tpu.yield
    }) : () -> ()
    %eq3A = arith.constant 0 : i32
    %eq3A_27 = arith.cmpi eq, %arg1, %eq3A : i32
    %convert_element_type3A = arith.extui %eq3A_27 : i1 to i32
    %cond3A = arith.constant 0 : i32
    %cond3A_28 = arith.cmpi ne, %convert_element_type3A, %cond3A : i32
    scf.if %cond3A_28 {
      "tpu.region"() ({
        %run_scoped3A = tpu.sem_alloc : memref<!tpu.dma_semaphore, #tpu.memory_space<semaphore_mem>>
        %dma_start3A_90 = arith.constant 0 : i32
        %dma_start3A_91 = arith.constant 0 : i32
        %dma_start3A_92 = tpu.memref_slice %arg10[%dma_start3A_90, %dma_start3A_91] : memref<128x128xf32, #tpu.memory_space<vmem>> -> memref<24x128xf32, #tpu.memory_space<vmem>>
        %dma_start3A_93 = arith.constant 9984 : i32
        %dma_start3A_94 = arith.constant 0 : i32
        %dma_start3A_95 = tpu.memref_slice %arg6[%dma_start3A_93, %dma_start3A_94] : memref<10128x128xf32, #tpu.memory_space<vmem_shared>> -> memref<24x128xf32, #tpu.memory_space<vmem_shared>>
        %dma_start3A_96 = arith.constant 9984 : i32
        %dma_start3A_97 = arith.constant 0 : i32
        %dma_start3A_98 = tpu.memref_slice %arg6[%dma_start3A_96, %dma_start3A_97] : memref<10128x128xf32, #tpu.memory_space<vmem_shared>> -> memref<24x128xf32, #tpu.memory_space<vmem_shared>>
        %dma_start3A_99 = arith.constant 0 : i32
        %dma_start3A_100 = arith.constant 0 : i32
        %dma_start3A_101 = tpu.memref_slice %arg10[%dma_start3A_99, %dma_start3A_100] : memref<128x128xf32, #tpu.memory_space<vmem>> -> memref<24x128xf32, #tpu.memory_space<vmem>>
        tpu.enqueue_dma source(%dma_start3A_101 : memref<24x128xf32, #tpu.memory_space<vmem>>) target(%dma_start3A_98 : memref<24x128xf32, #tpu.memory_space<vmem_shared>>) target_semaphore(%run_scoped3A : memref<!tpu.dma_semaphore, #tpu.memory_space<semaphore_mem>>)
        %dma_wait3A = arith.constant 0 : i32
        %dma_wait3A_102 = arith.constant 0 : i32
        %dma_wait3A_103 = tpu.memref_slice %arg10[%dma_wait3A, %dma_wait3A_102] : memref<128x128xf32, #tpu.memory_space<vmem>> -> memref<24x128xf32, #tpu.memory_space<vmem>>
        %dma_wait3A_104 = arith.constant 9984 : i32
        %dma_wait3A_105 = arith.constant 0 : i32
        %dma_wait3A_106 = tpu.memref_slice %arg6[%dma_wait3A_104, %dma_wait3A_105] : memref<10128x128xf32, #tpu.memory_space<vmem_shared>> -> memref<24x128xf32, #tpu.memory_space<vmem_shared>>
        %dma_wait3A_107 = arith.constant 9984 : i32
        %dma_wait3A_108 = arith.constant 0 : i32
        %dma_wait3A_109 = tpu.memref_slice %arg6[%dma_wait3A_107, %dma_wait3A_108] : memref<10128x128xf32, #tpu.memory_space<vmem_shared>> -> memref<24x128xf32, #tpu.memory_space<vmem_shared>>
        %dma_wait3A_110 = arith.constant 0 : i32
        %dma_wait3A_111 = arith.constant 0 : i32
        %dma_wait3A_112 = tpu.memref_slice %arg10[%dma_wait3A_110, %dma_wait3A_111] : memref<128x128xf32, #tpu.memory_space<vmem>> -> memref<24x128xf32, #tpu.memory_space<vmem>>
        tpu.wait_dma2 semaphore(%run_scoped3A : memref<!tpu.dma_semaphore, #tpu.memory_space<semaphore_mem>>) src(%dma_wait3A_112 : memref<24x128xf32, #tpu.memory_space<vmem>>) dst(%dma_wait3A_109 : memref<24x128xf32, #tpu.memory_space<vmem_shared>>)
        tpu.yield
      }) : () -> ()
    } else {
    }
    %mul3A_29 = arith.constant 80 : i32
    %mul3A_30 = arith.muli %add3A, %mul3A_29 : i32
    %barrier3A = arith.constant 0 : index
    tpu.barrier barrier_id(%barrier3A)
    %add3A_31 = arith.constant 0 : i32
    %add3A_32 = arith.addi %mul3A_30, %add3A_31 : i32
    "tpu.region"() ({
      %run_scoped3A = tpu.sem_alloc : memref<!tpu.dma_semaphore, #tpu.memory_space<semaphore_mem>>
      %dma_start3A_90 = arith.constant 0 : i32
      %dma_start3A_91 = tpu.memref_slice %arg3[%add3A_32, %dma_start3A_90] : memref<2560x128xi32, #tpu.memory_space<hbm>> -> memref<40x128xi32, #tpu.memory_space<hbm>>
      %dma_start3A_92 = arith.constant 0 : i32
      %dma_start3A_93 = tpu.memref_slice %arg3[%add3A_32, %dma_start3A_92] : memref<2560x128xi32, #tpu.memory_space<hbm>> -> memref<40x128xi32, #tpu.memory_space<hbm>>
      tpu.enqueue_dma source(%dma_start3A_93 : memref<40x128xi32, #tpu.memory_space<hbm>>) target(%arg8 : memref<40x128xi32, #tpu.memory_space<vmem>>) target_semaphore(%run_scoped3A : memref<!tpu.dma_semaphore, #tpu.memory_space<semaphore_mem>>)
      %dma_wait3A = arith.constant 0 : i32
      %dma_wait3A_94 = tpu.memref_slice %arg3[%add3A_32, %dma_wait3A] : memref<2560x128xi32, #tpu.memory_space<hbm>> -> memref<40x128xi32, #tpu.memory_space<hbm>>
      %dma_wait3A_95 = arith.constant 0 : i32
      %dma_wait3A_96 = tpu.memref_slice %arg3[%add3A_32, %dma_wait3A_95] : memref<2560x128xi32, #tpu.memory_space<hbm>> -> memref<40x128xi32, #tpu.memory_space<hbm>>
      tpu.wait_dma2 semaphore(%run_scoped3A : memref<!tpu.dma_semaphore, #tpu.memory_space<semaphore_mem>>) src(%dma_wait3A_96 : memref<40x128xi32, #tpu.memory_space<hbm>>) dst(%arg8 : memref<40x128xi32, #tpu.memory_space<vmem>>)
      tpu.yield
    }) : () -> ()
    %add3A_33 = arith.constant 0 : i32
    %add3A_34 = arith.addi %mul3A_30, %add3A_33 : i32
    "tpu.region"() ({
      %run_scoped3A = tpu.sem_alloc : memref<!tpu.dma_semaphore, #tpu.memory_space<semaphore_mem>>
      %dma_start3A_90 = arith.constant 0 : i32
      %dma_start3A_91 = tpu.memref_slice %arg4[%add3A_34, %dma_start3A_90] : memref<2560x128xi32, #tpu.memory_space<hbm>> -> memref<40x128xi32, #tpu.memory_space<hbm>>
      %dma_start3A_92 = arith.constant 0 : i32
      %dma_start3A_93 = tpu.memref_slice %arg4[%add3A_34, %dma_start3A_92] : memref<2560x128xi32, #tpu.memory_space<hbm>> -> memref<40x128xi32, #tpu.memory_space<hbm>>
      tpu.enqueue_dma source(%dma_start3A_93 : memref<40x128xi32, #tpu.memory_space<hbm>>) target(%arg9 : memref<40x128xi32, #tpu.memory_space<vmem>>) target_semaphore(%run_scoped3A : memref<!tpu.dma_semaphore, #tpu.memory_space<semaphore_mem>>)
      %dma_wait3A = arith.constant 0 : i32
      %dma_wait3A_94 = tpu.memref_slice %arg4[%add3A_34, %dma_wait3A] : memref<2560x128xi32, #tpu.memory_space<hbm>> -> memref<40x128xi32, #tpu.memory_space<hbm>>
      %dma_wait3A_95 = arith.constant 0 : i32
      %dma_wait3A_96 = tpu.memref_slice %arg4[%add3A_34, %dma_wait3A_95] : memref<2560x128xi32, #tpu.memory_space<hbm>> -> memref<40x128xi32, #tpu.memory_space<hbm>>
      tpu.wait_dma2 semaphore(%run_scoped3A : memref<!tpu.dma_semaphore, #tpu.memory_space<semaphore_mem>>) src(%dma_wait3A_96 : memref<40x128xi32, #tpu.memory_space<hbm>>) dst(%arg9 : memref<40x128xi32, #tpu.memory_space<vmem>>)
      tpu.yield
    }) : () -> ()
    %dma_start3A = arith.constant 0 : i32
    %dma_start3A_35 = arith.constant 0 : i32
    %dma_start3A_36 = tpu.memref_slice %arg8[%dma_start3A, %dma_start3A_35] : memref<40x128xi32, #tpu.memory_space<vmem>> -> memref<1x128xi32, #tpu.memory_space<vmem>>
    %dma_start3A_37 = tpu.memref_squeeze %dma_start3A_36 : memref<1x128xi32, #tpu.memory_space<vmem>> -> memref<128xi32, #tpu.memory_space<vmem>>
    %dma_start3A_38 = arith.constant 0 : i32
    %dma_start3A_39 = arith.constant 0 : i32
    %dma_start3A_40 = tpu.memref_slice %arg2[%dma_start3A_38, %dma_start3A_39] : memref<10000x128xf32, #tpu.memory_space<hbm>> -> memref<10000x128xf32, #tpu.memory_space<hbm>>
    tpu.enqueue_indirect_dma source(%dma_start3A_40 : memref<10000x128xf32, #tpu.memory_space<hbm>>) target(%arg10 : memref<128x128xf32, #tpu.memory_space<vmem>>) offsets(%dma_start3A_37 : memref<128xi32, #tpu.memory_space<vmem>>) semaphore(%arg14 : memref<!tpu.dma_semaphore, #tpu.memory_space<semaphore_mem>>)
    %dma_start3A_41 = arith.constant 1 : i32
    %dma_start3A_42 = arith.constant 0 : i32
    %dma_start3A_43 = tpu.memref_slice %arg8[%dma_start3A_41, %dma_start3A_42] : memref<40x128xi32, #tpu.memory_space<vmem>> -> memref<1x128xi32, #tpu.memory_space<vmem>>
    %dma_start3A_44 = tpu.memref_squeeze %dma_start3A_43 : memref<1x128xi32, #tpu.memory_space<vmem>> -> memref<128xi32, #tpu.memory_space<vmem>>
    %dma_start3A_45 = arith.constant 0 : i32
    %dma_start3A_46 = arith.constant 0 : i32
    %dma_start3A_47 = tpu.memref_slice %arg2[%dma_start3A_45, %dma_start3A_46] : memref<10000x128xf32, #tpu.memory_space<hbm>> -> memref<10000x128xf32, #tpu.memory_space<hbm>>
    tpu.enqueue_indirect_dma source(%dma_start3A_47 : memref<10000x128xf32, #tpu.memory_space<hbm>>) target(%arg11 : memref<128x128xf32, #tpu.memory_space<vmem>>) offsets(%dma_start3A_44 : memref<128xi32, #tpu.memory_space<vmem>>) semaphore(%arg15 : memref<!tpu.dma_semaphore, #tpu.memory_space<semaphore_mem>>)
    %scan3A_48 = arith.constant 0 : i32
    %scan3A_49 = arith.constant 0 : i32
    %scan3A_50 = arith.constant 20 : i32
    %scan3A_51 = arith.addi %scan3A_49, %scan3A_50 : i32
    %scan3A_52 = arith.constant 1 : i32
    %scan3A_53 = scf.for %scan3A_90 = %scan3A_49 to %scan3A_51 step %scan3A_52 iter_args(%scan3A_91 = %scan3A_48) -> (i32)  : i32 {
      %mul3A_92 = arith.constant 2 : i32
      %mul3A_93 = arith.muli %mul3A_92, %scan3A_90 : i32
      %dma_wait3A = arith.constant 0 : i32
      %dma_wait3A_94 = tpu.memref_slice %arg8[%mul3A_93, %dma_wait3A] : memref<40x128xi32, #tpu.memory_space<vmem>> -> memref<1x128xi32, #tpu.memory_space<vmem>>
      %dma_wait3A_95 = tpu.memref_squeeze %dma_wait3A_94 : memref<1x128xi32, #tpu.memory_space<vmem>> -> memref<128xi32, #tpu.memory_space<vmem>>
      %dma_wait3A_96 = arith.constant 0 : i32
      %dma_wait3A_97 = arith.constant 0 : i32
      %dma_wait3A_98 = tpu.memref_slice %arg2[%dma_wait3A_96, %dma_wait3A_97] : memref<10000x128xf32, #tpu.memory_space<hbm>> -> memref<10000x128xf32, #tpu.memory_space<hbm>>
      tpu.wait_indirect_dma semaphore(%arg14 : memref<!tpu.dma_semaphore, #tpu.memory_space<semaphore_mem>>) src(%dma_wait3A_98 : memref<10000x128xf32, #tpu.memory_space<hbm>>) dst(%arg10 : memref<128x128xf32, #tpu.memory_space<vmem>>)
      "tpu.region"() ({
        %run_scoped3A = tpu.sem_alloc : memref<!tpu.dma_semaphore, #tpu.memory_space<semaphore_mem>>
        %dma_start3A_123 = arith.constant 0 : i32
        %dma_start3A_124 = tpu.memref_slice %arg9[%mul3A_93, %dma_start3A_123] : memref<40x128xi32, #tpu.memory_space<vmem>> -> memref<1x128xi32, #tpu.memory_space<vmem>>
        %dma_start3A_125 = tpu.memref_squeeze %dma_start3A_124 : memref<1x128xi32, #tpu.memory_space<vmem>> -> memref<128xi32, #tpu.memory_space<vmem>>
        %dma_start3A_126 = arith.constant 0 : i32
        %dma_start3A_127 = arith.constant 0 : i32
        %dma_start3A_128 = tpu.memref_slice %arg6[%dma_start3A_126, %dma_start3A_127] : memref<10128x128xf32, #tpu.memory_space<vmem_shared>> -> memref<10128x128xf32, #tpu.memory_space<vmem_shared>>
        tpu.enqueue_indirect_dma source(%arg10 : memref<128x128xf32, #tpu.memory_space<vmem>>) target(%dma_start3A_128 : memref<10128x128xf32, #tpu.memory_space<vmem_shared>>) offsets(%dma_start3A_125 : memref<128xi32, #tpu.memory_space<vmem>>) semaphore(%run_scoped3A : memref<!tpu.dma_semaphore, #tpu.memory_space<semaphore_mem>>) {add = true}
        %dma_wait3A_129 = arith.constant 0 : i32
        %dma_wait3A_130 = tpu.memref_slice %arg9[%mul3A_93, %dma_wait3A_129] : memref<40x128xi32, #tpu.memory_space<vmem>> -> memref<1x128xi32, #tpu.memory_space<vmem>>
        %dma_wait3A_131 = tpu.memref_squeeze %dma_wait3A_130 : memref<1x128xi32, #tpu.memory_space<vmem>> -> memref<128xi32, #tpu.memory_space<vmem>>
        %dma_wait3A_132 = arith.constant 0 : i32
        %dma_wait3A_133 = arith.constant 0 : i32
        %dma_wait3A_134 = tpu.memref_slice %arg6[%dma_wait3A_132, %dma_wait3A_133] : memref<10128x128xf32, #tpu.memory_space<vmem_shared>> -> memref<10128x128xf32, #tpu.memory_space<vmem_shared>>
        tpu.wait_indirect_dma semaphore(%run_scoped3A : memref<!tpu.dma_semaphore, #tpu.memory_space<semaphore_mem>>) src(%arg10 : memref<128x128xf32, #tpu.memory_space<vmem>>) dst(%dma_wait3A_134 : memref<10128x128xf32, #tpu.memory_space<vmem_shared>>)
        tpu.yield
      }) : () -> ()
      %add3A_99 = arith.constant 2 : i32
      %add3A_100 = arith.addi %mul3A_93, %add3A_99 : i32
      %lt3A = arith.constant 40 : i32
      %lt3A_101 = arith.cmpi slt, %add3A_100, %lt3A : i32
      %convert_element_type3A_102 = arith.extui %lt3A_101 : i1 to i32
      %cond3A_103 = arith.constant 0 : i32
      %cond3A_104 = arith.cmpi ne, %convert_element_type3A_102, %cond3A_103 : i32
      scf.if %cond3A_104 {
        %add3A_123 = arith.constant 2 : i32
        %add3A_124 = arith.addi %mul3A_93, %add3A_123 : i32
        %dma_start3A_125 = arith.constant 0 : i32
        %dma_start3A_126 = tpu.memref_slice %arg8[%add3A_124, %dma_start3A_125] : memref<40x128xi32, #tpu.memory_space<vmem>> -> memref<1x128xi32, #tpu.memory_space<vmem>>
        %dma_start3A_127 = tpu.memref_squeeze %dma_start3A_126 : memref<1x128xi32, #tpu.memory_space<vmem>> -> memref<128xi32, #tpu.memory_space<vmem>>
        %dma_start3A_128 = arith.constant 0 : i32
        %dma_start3A_129 = arith.constant 0 : i32
        %dma_start3A_130 = tpu.memref_slice %arg2[%dma_start3A_128, %dma_start3A_129] : memref<10000x128xf32, #tpu.memory_space<hbm>> -> memref<10000x128xf32, #tpu.memory_space<hbm>>
        tpu.enqueue_indirect_dma source(%dma_start3A_130 : memref<10000x128xf32, #tpu.memory_space<hbm>>) target(%arg10 : memref<128x128xf32, #tpu.memory_space<vmem>>) offsets(%dma_start3A_127 : memref<128xi32, #tpu.memory_space<vmem>>) semaphore(%arg14 : memref<!tpu.dma_semaphore, #tpu.memory_space<semaphore_mem>>)
      } else {
      }
      %mul3A_105 = arith.constant 2 : i32
      %mul3A_106 = arith.muli %mul3A_105, %scan3A_90 : i32
      %add3A_107 = arith.constant 1 : i32
      %add3A_108 = arith.addi %mul3A_106, %add3A_107 : i32
      %dma_wait3A_109 = arith.constant 0 : i32
      %dma_wait3A_110 = tpu.memref_slice %arg8[%add3A_108, %dma_wait3A_109] : memref<40x128xi32, #tpu.memory_space<vmem>> -> memref<1x128xi32, #tpu.memory_space<vmem>>
      %dma_wait3A_111 = tpu.memref_squeeze %dma_wait3A_110 : memref<1x128xi32, #tpu.memory_space<vmem>> -> memref<128xi32, #tpu.memory_space<vmem>>
      %dma_wait3A_112 = arith.constant 0 : i32
      %dma_wait3A_113 = arith.constant 0 : i32
      %dma_wait3A_114 = tpu.memref_slice %arg2[%dma_wait3A_112, %dma_wait3A_113] : memref<10000x128xf32, #tpu.memory_space<hbm>> -> memref<10000x128xf32, #tpu.memory_space<hbm>>
      tpu.wait_indirect_dma semaphore(%arg15 : memref<!tpu.dma_semaphore, #tpu.memory_space<semaphore_mem>>) src(%dma_wait3A_114 : memref<10000x128xf32, #tpu.memory_space<hbm>>) dst(%arg11 : memref<128x128xf32, #tpu.memory_space<vmem>>)
      "tpu.region"() ({
        %run_scoped3A = tpu.sem_alloc : memref<!tpu.dma_semaphore, #tpu.memory_space<semaphore_mem>>
        %dma_start3A_123 = arith.constant 0 : i32
        %dma_start3A_124 = tpu.memref_slice %arg9[%add3A_108, %dma_start3A_123] : memref<40x128xi32, #tpu.memory_space<vmem>> -> memref<1x128xi32, #tpu.memory_space<vmem>>
        %dma_start3A_125 = tpu.memref_squeeze %dma_start3A_124 : memref<1x128xi32, #tpu.memory_space<vmem>> -> memref<128xi32, #tpu.memory_space<vmem>>
        %dma_start3A_126 = arith.constant 0 : i32
        %dma_start3A_127 = arith.constant 0 : i32
        %dma_start3A_128 = tpu.memref_slice %arg6[%dma_start3A_126, %dma_start3A_127] : memref<10128x128xf32, #tpu.memory_space<vmem_shared>> -> memref<10128x128xf32, #tpu.memory_space<vmem_shared>>
        tpu.enqueue_indirect_dma source(%arg11 : memref<128x128xf32, #tpu.memory_space<vmem>>) target(%dma_start3A_128 : memref<10128x128xf32, #tpu.memory_space<vmem_shared>>) offsets(%dma_start3A_125 : memref<128xi32, #tpu.memory_space<vmem>>) semaphore(%run_scoped3A : memref<!tpu.dma_semaphore, #tpu.memory_space<semaphore_mem>>) {add = true}
        %dma_wait3A_129 = arith.constant 0 : i32
        %dma_wait3A_130 = tpu.memref_slice %arg9[%add3A_108, %dma_wait3A_129] : memref<40x128xi32, #tpu.memory_space<vmem>> -> memref<1x128xi32, #tpu.memory_space<vmem>>
        %dma_wait3A_131 = tpu.memref_squeeze %dma_wait3A_130 : memref<1x128xi32, #tpu.memory_space<vmem>> -> memref<128xi32, #tpu.memory_space<vmem>>
        %dma_wait3A_132 = arith.constant 0 : i32
        %dma_wait3A_133 = arith.constant 0 : i32
        %dma_wait3A_134 = tpu.memref_slice %arg6[%dma_wait3A_132, %dma_wait3A_133] : memref<10128x128xf32, #tpu.memory_space<vmem_shared>> -> memref<10128x128xf32, #tpu.memory_space<vmem_shared>>
        tpu.wait_indirect_dma semaphore(%run_scoped3A : memref<!tpu.dma_semaphore, #tpu.memory_space<semaphore_mem>>) src(%arg11 : memref<128x128xf32, #tpu.memory_space<vmem>>) dst(%dma_wait3A_134 : memref<10128x128xf32, #tpu.memory_space<vmem_shared>>)
        tpu.yield
      }) : () -> ()
      %add3A_115 = arith.constant 2 : i32
      %add3A_116 = arith.addi %add3A_108, %add3A_115 : i32
      %lt3A_117 = arith.constant 40 : i32
      %lt3A_118 = arith.cmpi slt, %add3A_116, %lt3A_117 : i32
      %convert_element_type3A_119 = arith.extui %lt3A_118 : i1 to i32
      %cond3A_120 = arith.constant 0 : i32
      %cond3A_121 = arith.cmpi ne, %convert_element_type3A_119, %cond3A_120 : i32
      scf.if %cond3A_121 {
        %add3A_123 = arith.constant 2 : i32
        %add3A_124 = arith.addi %add3A_108, %add3A_123 : i32
        %dma_start3A_125 = arith.constant 0 : i32
        %dma_start3A_126 = tpu.memref_slice %arg8[%add3A_124, %dma_start3A_125] : memref<40x128xi32, #tpu.memory_space<vmem>> -> memref<1x128xi32, #tpu.memory_space<vmem>>
        %dma_start3A_127 = tpu.memref_squeeze %dma_start3A_126 : memref<1x128xi32, #tpu.memory_space<vmem>> -> memref<128xi32, #tpu.memory_space<vmem>>
        %dma_start3A_128 = arith.constant 0 : i32
        %dma_start3A_129 = arith.constant 0 : i32
        %dma_start3A_130 = tpu.memref_slice %arg2[%dma_start3A_128, %dma_start3A_129] : memref<10000x128xf32, #tpu.memory_space<hbm>> -> memref<10000x128xf32, #tpu.memory_space<hbm>>
        tpu.enqueue_indirect_dma source(%dma_start3A_130 : memref<10000x128xf32, #tpu.memory_space<hbm>>) target(%arg11 : memref<128x128xf32, #tpu.memory_space<vmem>>) offsets(%dma_start3A_127 : memref<128xi32, #tpu.memory_space<vmem>>) semaphore(%arg15 : memref<!tpu.dma_semaphore, #tpu.memory_space<semaphore_mem>>)
      } else {
      }
      %scan3A_122 = arith.constant 0 : i32
      scf.yield %scan3A_122 : i32
    }
    %scan3A_54 = arith.constant 20 : i32
    %add3A_55 = arith.constant 40 : i32
    %add3A_56 = arith.addi %mul3A_30, %add3A_55 : i32
    "tpu.region"() ({
      %run_scoped3A = tpu.sem_alloc : memref<!tpu.dma_semaphore, #tpu.memory_space<semaphore_mem>>
      %dma_start3A_90 = arith.constant 0 : i32
      %dma_start3A_91 = tpu.memref_slice %arg3[%add3A_56, %dma_start3A_90] : memref<2560x128xi32, #tpu.memory_space<hbm>> -> memref<40x128xi32, #tpu.memory_space<hbm>>
      %dma_start3A_92 = arith.constant 0 : i32
      %dma_start3A_93 = tpu.memref_slice %arg3[%add3A_56, %dma_start3A_92] : memref<2560x128xi32, #tpu.memory_space<hbm>> -> memref<40x128xi32, #tpu.memory_space<hbm>>
      tpu.enqueue_dma source(%dma_start3A_93 : memref<40x128xi32, #tpu.memory_space<hbm>>) target(%arg8 : memref<40x128xi32, #tpu.memory_space<vmem>>) target_semaphore(%run_scoped3A : memref<!tpu.dma_semaphore, #tpu.memory_space<semaphore_mem>>)
      %dma_wait3A = arith.constant 0 : i32
      %dma_wait3A_94 = tpu.memref_slice %arg3[%add3A_56, %dma_wait3A] : memref<2560x128xi32, #tpu.memory_space<hbm>> -> memref<40x128xi32, #tpu.memory_space<hbm>>
      %dma_wait3A_95 = arith.constant 0 : i32
      %dma_wait3A_96 = tpu.memref_slice %arg3[%add3A_56, %dma_wait3A_95] : memref<2560x128xi32, #tpu.memory_space<hbm>> -> memref<40x128xi32, #tpu.memory_space<hbm>>
      tpu.wait_dma2 semaphore(%run_scoped3A : memref<!tpu.dma_semaphore, #tpu.memory_space<semaphore_mem>>) src(%dma_wait3A_96 : memref<40x128xi32, #tpu.memory_space<hbm>>) dst(%arg8 : memref<40x128xi32, #tpu.memory_space<vmem>>)
      tpu.yield
    }) : () -> ()
    %add3A_57 = arith.constant 40 : i32
    %add3A_58 = arith.addi %mul3A_30, %add3A_57 : i32
    "tpu.region"() ({
      %run_scoped3A = tpu.sem_alloc : memref<!tpu.dma_semaphore, #tpu.memory_space<semaphore_mem>>
      %dma_start3A_90 = arith.constant 0 : i32
      %dma_start3A_91 = tpu.memref_slice %arg4[%add3A_58, %dma_start3A_90] : memref<2560x128xi32, #tpu.memory_space<hbm>> -> memref<40x128xi32, #tpu.memory_space<hbm>>
      %dma_start3A_92 = arith.constant 0 : i32
      %dma_start3A_93 = tpu.memref_slice %arg4[%add3A_58, %dma_start3A_92] : memref<2560x128xi32, #tpu.memory_space<hbm>> -> memref<40x128xi32, #tpu.memory_space<hbm>>
      tpu.enqueue_dma source(%dma_start3A_93 : memref<40x128xi32, #tpu.memory_space<hbm>>) target(%arg9 : memref<40x128xi32, #tpu.memory_space<vmem>>) target_semaphore(%run_scoped3A : memref<!tpu.dma_semaphore, #tpu.memory_space<semaphore_mem>>)
      %dma_wait3A = arith.constant 0 : i32
      %dma_wait3A_94 = tpu.memref_slice %arg4[%add3A_58, %dma_wait3A] : memref<2560x128xi32, #tpu.memory_space<hbm>> -> memref<40x128xi32, #tpu.memory_space<hbm>>
      %dma_wait3A_95 = arith.constant 0 : i32
      %dma_wait3A_96 = tpu.memref_slice %arg4[%add3A_58, %dma_wait3A_95] : memref<2560x128xi32, #tpu.memory_space<hbm>> -> memref<40x128xi32, #tpu.memory_space<hbm>>
      tpu.wait_dma2 semaphore(%run_scoped3A : memref<!tpu.dma_semaphore, #tpu.memory_space<semaphore_mem>>) src(%dma_wait3A_96 : memref<40x128xi32, #tpu.memory_space<hbm>>) dst(%arg9 : memref<40x128xi32, #tpu.memory_space<vmem>>)
      tpu.yield
    }) : () -> ()
    %dma_start3A_59 = arith.constant 0 : i32
    %dma_start3A_60 = arith.constant 0 : i32
    %dma_start3A_61 = tpu.memref_slice %arg8[%dma_start3A_59, %dma_start3A_60] : memref<40x128xi32, #tpu.memory_space<vmem>> -> memref<1x128xi32, #tpu.memory_space<vmem>>
    %dma_start3A_62 = tpu.memref_squeeze %dma_start3A_61 : memref<1x128xi32, #tpu.memory_space<vmem>> -> memref<128xi32, #tpu.memory_space<vmem>>
    %dma_start3A_63 = arith.constant 0 : i32
    %dma_start3A_64 = arith.constant 0 : i32
    %dma_start3A_65 = tpu.memref_slice %arg2[%dma_start3A_63, %dma_start3A_64] : memref<10000x128xf32, #tpu.memory_space<hbm>> -> memref<10000x128xf32, #tpu.memory_space<hbm>>
    tpu.enqueue_indirect_dma source(%dma_start3A_65 : memref<10000x128xf32, #tpu.memory_space<hbm>>) target(%arg10 : memref<128x128xf32, #tpu.memory_space<vmem>>) offsets(%dma_start3A_62 : memref<128xi32, #tpu.memory_space<vmem>>) semaphore(%arg14 : memref<!tpu.dma_semaphore, #tpu.memory_space<semaphore_mem>>)
    %dma_start3A_66 = arith.constant 1 : i32
    %dma_start3A_67 = arith.constant 0 : i32
    %dma_start3A_68 = tpu.memref_slice %arg8[%dma_start3A_66, %dma_start3A_67] : memref<40x128xi32, #tpu.memory_space<vmem>> -> memref<1x128xi32, #tpu.memory_space<vmem>>
    %dma_start3A_69 = tpu.memref_squeeze %dma_start3A_68 : memref<1x128xi32, #tpu.memory_space<vmem>> -> memref<128xi32, #tpu.memory_space<vmem>>
    %dma_start3A_70 = arith.constant 0 : i32
    %dma_start3A_71 = arith.constant 0 : i32
    %dma_start3A_72 = tpu.memref_slice %arg2[%dma_start3A_70, %dma_start3A_71] : memref<10000x128xf32, #tpu.memory_space<hbm>> -> memref<10000x128xf32, #tpu.memory_space<hbm>>
    tpu.enqueue_indirect_dma source(%dma_start3A_72 : memref<10000x128xf32, #tpu.memory_space<hbm>>) target(%arg11 : memref<128x128xf32, #tpu.memory_space<vmem>>) offsets(%dma_start3A_69 : memref<128xi32, #tpu.memory_space<vmem>>) semaphore(%arg15 : memref<!tpu.dma_semaphore, #tpu.memory_space<semaphore_mem>>)
    %scan3A_73 = arith.constant 0 : i32
    %scan3A_74 = arith.constant 0 : i32
    %scan3A_75 = arith.constant 20 : i32
    %scan3A_76 = arith.addi %scan3A_74, %scan3A_75 : i32
    %scan3A_77 = arith.constant 1 : i32
    %scan3A_78 = scf.for %scan3A_90 = %scan3A_74 to %scan3A_76 step %scan3A_77 iter_args(%scan3A_91 = %scan3A_73) -> (i32)  : i32 {
      %mul3A_92 = arith.constant 2 : i32
      %mul3A_93 = arith.muli %mul3A_92, %scan3A_90 : i32
      %dma_wait3A = arith.constant 0 : i32
      %dma_wait3A_94 = tpu.memref_slice %arg8[%mul3A_93, %dma_wait3A] : memref<40x128xi32, #tpu.memory_space<vmem>> -> memref<1x128xi32, #tpu.memory_space<vmem>>
      %dma_wait3A_95 = tpu.memref_squeeze %dma_wait3A_94 : memref<1x128xi32, #tpu.memory_space<vmem>> -> memref<128xi32, #tpu.memory_space<vmem>>
      %dma_wait3A_96 = arith.constant 0 : i32
      %dma_wait3A_97 = arith.constant 0 : i32
      %dma_wait3A_98 = tpu.memref_slice %arg2[%dma_wait3A_96, %dma_wait3A_97] : memref<10000x128xf32, #tpu.memory_space<hbm>> -> memref<10000x128xf32, #tpu.memory_space<hbm>>
      tpu.wait_indirect_dma semaphore(%arg14 : memref<!tpu.dma_semaphore, #tpu.memory_space<semaphore_mem>>) src(%dma_wait3A_98 : memref<10000x128xf32, #tpu.memory_space<hbm>>) dst(%arg10 : memref<128x128xf32, #tpu.memory_space<vmem>>)
      "tpu.region"() ({
        %run_scoped3A = tpu.sem_alloc : memref<!tpu.dma_semaphore, #tpu.memory_space<semaphore_mem>>
        %dma_start3A_123 = arith.constant 0 : i32
        %dma_start3A_124 = tpu.memref_slice %arg9[%mul3A_93, %dma_start3A_123] : memref<40x128xi32, #tpu.memory_space<vmem>> -> memref<1x128xi32, #tpu.memory_space<vmem>>
        %dma_start3A_125 = tpu.memref_squeeze %dma_start3A_124 : memref<1x128xi32, #tpu.memory_space<vmem>> -> memref<128xi32, #tpu.memory_space<vmem>>
        %dma_start3A_126 = arith.constant 0 : i32
        %dma_start3A_127 = arith.constant 0 : i32
        %dma_start3A_128 = tpu.memref_slice %arg6[%dma_start3A_126, %dma_start3A_127] : memref<10128x128xf32, #tpu.memory_space<vmem_shared>> -> memref<10128x128xf32, #tpu.memory_space<vmem_shared>>
        tpu.enqueue_indirect_dma source(%arg10 : memref<128x128xf32, #tpu.memory_space<vmem>>) target(%dma_start3A_128 : memref<10128x128xf32, #tpu.memory_space<vmem_shared>>) offsets(%dma_start3A_125 : memref<128xi32, #tpu.memory_space<vmem>>) semaphore(%run_scoped3A : memref<!tpu.dma_semaphore, #tpu.memory_space<semaphore_mem>>) {add = true}
        %dma_wait3A_129 = arith.constant 0 : i32
        %dma_wait3A_130 = tpu.memref_slice %arg9[%mul3A_93, %dma_wait3A_129] : memref<40x128xi32, #tpu.memory_space<vmem>> -> memref<1x128xi32, #tpu.memory_space<vmem>>
        %dma_wait3A_131 = tpu.memref_squeeze %dma_wait3A_130 : memref<1x128xi32, #tpu.memory_space<vmem>> -> memref<128xi32, #tpu.memory_space<vmem>>
        %dma_wait3A_132 = arith.constant 0 : i32
        %dma_wait3A_133 = arith.constant 0 : i32
        %dma_wait3A_134 = tpu.memref_slice %arg6[%dma_wait3A_132, %dma_wait3A_133] : memref<10128x128xf32, #tpu.memory_space<vmem_shared>> -> memref<10128x128xf32, #tpu.memory_space<vmem_shared>>
        tpu.wait_indirect_dma semaphore(%run_scoped3A : memref<!tpu.dma_semaphore, #tpu.memory_space<semaphore_mem>>) src(%arg10 : memref<128x128xf32, #tpu.memory_space<vmem>>) dst(%dma_wait3A_134 : memref<10128x128xf32, #tpu.memory_space<vmem_shared>>)
        tpu.yield
      }) : () -> ()
      %add3A_99 = arith.constant 2 : i32
      %add3A_100 = arith.addi %mul3A_93, %add3A_99 : i32
      %lt3A = arith.constant 40 : i32
      %lt3A_101 = arith.cmpi slt, %add3A_100, %lt3A : i32
      %convert_element_type3A_102 = arith.extui %lt3A_101 : i1 to i32
      %cond3A_103 = arith.constant 0 : i32
      %cond3A_104 = arith.cmpi ne, %convert_element_type3A_102, %cond3A_103 : i32
      scf.if %cond3A_104 {
        %add3A_123 = arith.constant 2 : i32
        %add3A_124 = arith.addi %mul3A_93, %add3A_123 : i32
        %dma_start3A_125 = arith.constant 0 : i32
        %dma_start3A_126 = tpu.memref_slice %arg8[%add3A_124, %dma_start3A_125] : memref<40x128xi32, #tpu.memory_space<vmem>> -> memref<1x128xi32, #tpu.memory_space<vmem>>
        %dma_start3A_127 = tpu.memref_squeeze %dma_start3A_126 : memref<1x128xi32, #tpu.memory_space<vmem>> -> memref<128xi32, #tpu.memory_space<vmem>>
        %dma_start3A_128 = arith.constant 0 : i32
        %dma_start3A_129 = arith.constant 0 : i32
        %dma_start3A_130 = tpu.memref_slice %arg2[%dma_start3A_128, %dma_start3A_129] : memref<10000x128xf32, #tpu.memory_space<hbm>> -> memref<10000x128xf32, #tpu.memory_space<hbm>>
        tpu.enqueue_indirect_dma source(%dma_start3A_130 : memref<10000x128xf32, #tpu.memory_space<hbm>>) target(%arg10 : memref<128x128xf32, #tpu.memory_space<vmem>>) offsets(%dma_start3A_127 : memref<128xi32, #tpu.memory_space<vmem>>) semaphore(%arg14 : memref<!tpu.dma_semaphore, #tpu.memory_space<semaphore_mem>>)
      } else {
      }
      %mul3A_105 = arith.constant 2 : i32
      %mul3A_106 = arith.muli %mul3A_105, %scan3A_90 : i32
      %add3A_107 = arith.constant 1 : i32
      %add3A_108 = arith.addi %mul3A_106, %add3A_107 : i32
      %dma_wait3A_109 = arith.constant 0 : i32
      %dma_wait3A_110 = tpu.memref_slice %arg8[%add3A_108, %dma_wait3A_109] : memref<40x128xi32, #tpu.memory_space<vmem>> -> memref<1x128xi32, #tpu.memory_space<vmem>>
      %dma_wait3A_111 = tpu.memref_squeeze %dma_wait3A_110 : memref<1x128xi32, #tpu.memory_space<vmem>> -> memref<128xi32, #tpu.memory_space<vmem>>
      %dma_wait3A_112 = arith.constant 0 : i32
      %dma_wait3A_113 = arith.constant 0 : i32
      %dma_wait3A_114 = tpu.memref_slice %arg2[%dma_wait3A_112, %dma_wait3A_113] : memref<10000x128xf32, #tpu.memory_space<hbm>> -> memref<10000x128xf32, #tpu.memory_space<hbm>>
      tpu.wait_indirect_dma semaphore(%arg15 : memref<!tpu.dma_semaphore, #tpu.memory_space<semaphore_mem>>) src(%dma_wait3A_114 : memref<10000x128xf32, #tpu.memory_space<hbm>>) dst(%arg11 : memref<128x128xf32, #tpu.memory_space<vmem>>)
      "tpu.region"() ({
        %run_scoped3A = tpu.sem_alloc : memref<!tpu.dma_semaphore, #tpu.memory_space<semaphore_mem>>
        %dma_start3A_123 = arith.constant 0 : i32
        %dma_start3A_124 = tpu.memref_slice %arg9[%add3A_108, %dma_start3A_123] : memref<40x128xi32, #tpu.memory_space<vmem>> -> memref<1x128xi32, #tpu.memory_space<vmem>>
        %dma_start3A_125 = tpu.memref_squeeze %dma_start3A_124 : memref<1x128xi32, #tpu.memory_space<vmem>> -> memref<128xi32, #tpu.memory_space<vmem>>
        %dma_start3A_126 = arith.constant 0 : i32
        %dma_start3A_127 = arith.constant 0 : i32
        %dma_start3A_128 = tpu.memref_slice %arg6[%dma_start3A_126, %dma_start3A_127] : memref<10128x128xf32, #tpu.memory_space<vmem_shared>> -> memref<10128x128xf32, #tpu.memory_space<vmem_shared>>
        tpu.enqueue_indirect_dma source(%arg11 : memref<128x128xf32, #tpu.memory_space<vmem>>) target(%dma_start3A_128 : memref<10128x128xf32, #tpu.memory_space<vmem_shared>>) offsets(%dma_start3A_125 : memref<128xi32, #tpu.memory_space<vmem>>) semaphore(%run_scoped3A : memref<!tpu.dma_semaphore, #tpu.memory_space<semaphore_mem>>) {add = true}
        %dma_wait3A_129 = arith.constant 0 : i32
        %dma_wait3A_130 = tpu.memref_slice %arg9[%add3A_108, %dma_wait3A_129] : memref<40x128xi32, #tpu.memory_space<vmem>> -> memref<1x128xi32, #tpu.memory_space<vmem>>
        %dma_wait3A_131 = tpu.memref_squeeze %dma_wait3A_130 : memref<1x128xi32, #tpu.memory_space<vmem>> -> memref<128xi32, #tpu.memory_space<vmem>>
        %dma_wait3A_132 = arith.constant 0 : i32
        %dma_wait3A_133 = arith.constant 0 : i32
        %dma_wait3A_134 = tpu.memref_slice %arg6[%dma_wait3A_132, %dma_wait3A_133] : memref<10128x128xf32, #tpu.memory_space<vmem_shared>> -> memref<10128x128xf32, #tpu.memory_space<vmem_shared>>
        tpu.wait_indirect_dma semaphore(%run_scoped3A : memref<!tpu.dma_semaphore, #tpu.memory_space<semaphore_mem>>) src(%arg11 : memref<128x128xf32, #tpu.memory_space<vmem>>) dst(%dma_wait3A_134 : memref<10128x128xf32, #tpu.memory_space<vmem_shared>>)
        tpu.yield
      }) : () -> ()
      %add3A_115 = arith.constant 2 : i32
      %add3A_116 = arith.addi %add3A_108, %add3A_115 : i32
      %lt3A_117 = arith.constant 40 : i32
      %lt3A_118 = arith.cmpi slt, %add3A_116, %lt3A_117 : i32
      %convert_element_type3A_119 = arith.extui %lt3A_118 : i1 to i32
      %cond3A_120 = arith.constant 0 : i32
      %cond3A_121 = arith.cmpi ne, %convert_element_type3A_119, %cond3A_120 : i32
      scf.if %cond3A_121 {
        %add3A_123 = arith.constant 2 : i32
        %add3A_124 = arith.addi %add3A_108, %add3A_123 : i32
        %dma_start3A_125 = arith.constant 0 : i32
        %dma_start3A_126 = tpu.memref_slice %arg8[%add3A_124, %dma_start3A_125] : memref<40x128xi32, #tpu.memory_space<vmem>> -> memref<1x128xi32, #tpu.memory_space<vmem>>
        %dma_start3A_127 = tpu.memref_squeeze %dma_start3A_126 : memref<1x128xi32, #tpu.memory_space<vmem>> -> memref<128xi32, #tpu.memory_space<vmem>>
        %dma_start3A_128 = arith.constant 0 : i32
        %dma_start3A_129 = arith.constant 0 : i32
        %dma_start3A_130 = tpu.memref_slice %arg2[%dma_start3A_128, %dma_start3A_129] : memref<10000x128xf32, #tpu.memory_space<hbm>> -> memref<10000x128xf32, #tpu.memory_space<hbm>>
        tpu.enqueue_indirect_dma source(%dma_start3A_130 : memref<10000x128xf32, #tpu.memory_space<hbm>>) target(%arg11 : memref<128x128xf32, #tpu.memory_space<vmem>>) offsets(%dma_start3A_127 : memref<128xi32, #tpu.memory_space<vmem>>) semaphore(%arg15 : memref<!tpu.dma_semaphore, #tpu.memory_space<semaphore_mem>>)
      } else {
      }
      %scan3A_122 = arith.constant 0 : i32
      scf.yield %scan3A_122 : i32
    }
    %scan3A_79 = arith.constant 20 : i32
    %barrier3A_80 = arith.constant 0 : index
    tpu.barrier barrier_id(%barrier3A_80)
    %mul3A_81 = arith.constant 624 : i32
    %mul3A_82 = arith.muli %arg1, %mul3A_81 : i32
    %mul3A_83 = arith.constant 624 : i32
    %mul3A_84 = arith.muli %arg1, %mul3A_83 : i32
    "tpu.region"() ({
      %run_scoped3A = tpu.sem_alloc : memref<!tpu.dma_semaphore, #tpu.memory_space<semaphore_mem>>
      %dma_start3A_90 = arith.constant 0 : i32
      %dma_start3A_91 = tpu.memref_slice %arg5[%arg0, %mul3A_84, %dma_start3A_90] : memref<2x10000x128xf32, #tpu.memory_space<hbm>> -> memref<1x624x128xf32, #tpu.memory_space<hbm>>
      %dma_start3A_92 = tpu.memref_squeeze %dma_start3A_91 : memref<1x624x128xf32, #tpu.memory_space<hbm>> -> memref<624x128xf32, #tpu.memory_space<hbm>>
      %dma_start3A_93 = arith.constant 0 : i32
      %dma_start3A_94 = tpu.memref_slice %arg6[%mul3A_82, %dma_start3A_93] : memref<10128x128xf32, #tpu.memory_space<vmem_shared>> -> memref<624x128xf32, #tpu.memory_space<vmem_shared>>
      tpu.enqueue_dma source(%dma_start3A_94 : memref<624x128xf32, #tpu.memory_space<vmem_shared>>) target(%dma_start3A_92 : memref<624x128xf32, #tpu.memory_space<hbm>>) target_semaphore(%run_scoped3A : memref<!tpu.dma_semaphore, #tpu.memory_space<semaphore_mem>>)
      %dma_wait3A = arith.constant 0 : i32
      %dma_wait3A_95 = tpu.memref_slice %arg5[%arg0, %mul3A_84, %dma_wait3A] : memref<2x10000x128xf32, #tpu.memory_space<hbm>> -> memref<1x624x128xf32, #tpu.memory_space<hbm>>
      %dma_wait3A_96 = tpu.memref_squeeze %dma_wait3A_95 : memref<1x624x128xf32, #tpu.memory_space<hbm>> -> memref<624x128xf32, #tpu.memory_space<hbm>>
      %dma_wait3A_97 = arith.constant 0 : i32
      %dma_wait3A_98 = tpu.memref_slice %arg6[%mul3A_82, %dma_wait3A_97] : memref<10128x128xf32, #tpu.memory_space<vmem_shared>> -> memref<624x128xf32, #tpu.memory_space<vmem_shared>>
      tpu.wait_dma2 semaphore(%run_scoped3A : memref<!tpu.dma_semaphore, #tpu.memory_space<semaphore_mem>>) src(%dma_wait3A_98 : memref<624x128xf32, #tpu.memory_space<vmem_shared>>) dst(%dma_wait3A_96 : memref<624x128xf32, #tpu.memory_space<hbm>>)
      tpu.yield
    }) : () -> ()
    %eq3A_85 = arith.constant 0 : i32
    %eq3A_86 = arith.cmpi eq, %arg1, %eq3A_85 : i32
    %convert_element_type3A_87 = arith.extui %eq3A_86 : i1 to i32
    %cond3A_88 = arith.constant 0 : i32
    %cond3A_89 = arith.cmpi ne, %convert_element_type3A_87, %cond3A_88 : i32
    scf.if %cond3A_89 {
      "tpu.region"() ({
        %run_scoped3A = tpu.sem_alloc : memref<!tpu.dma_semaphore, #tpu.memory_space<semaphore_mem>>
        %dma_start3A_90 = arith.constant 9984 : i32
        %dma_start3A_91 = arith.constant 0 : i32
        %dma_start3A_92 = tpu.memref_slice %arg5[%arg0, %dma_start3A_90, %dma_start3A_91] : memref<2x10000x128xf32, #tpu.memory_space<hbm>> -> memref<1x16x128xf32, #tpu.memory_space<hbm>>
        %dma_start3A_93 = tpu.memref_squeeze %dma_start3A_92 : memref<1x16x128xf32, #tpu.memory_space<hbm>> -> memref<16x128xf32, #tpu.memory_space<hbm>>
        %dma_start3A_94 = arith.constant 9984 : i32
        %dma_start3A_95 = arith.constant 0 : i32
        %dma_start3A_96 = tpu.memref_slice %arg6[%dma_start3A_94, %dma_start3A_95] : memref<10128x128xf32, #tpu.memory_space<vmem_shared>> -> memref<16x128xf32, #tpu.memory_space<vmem_shared>>
        tpu.enqueue_dma source(%dma_start3A_96 : memref<16x128xf32, #tpu.memory_space<vmem_shared>>) target(%dma_start3A_93 : memref<16x128xf32, #tpu.memory_space<hbm>>) target_semaphore(%run_scoped3A : memref<!tpu.dma_semaphore, #tpu.memory_space<semaphore_mem>>)
        %dma_wait3A = arith.constant 9984 : i32
        %dma_wait3A_97 = arith.constant 0 : i32
        %dma_wait3A_98 = tpu.memref_slice %arg5[%arg0, %dma_wait3A, %dma_wait3A_97] : memref<2x10000x128xf32, #tpu.memory_space<hbm>> -> memref<1x16x128xf32, #tpu.memory_space<hbm>>
        %dma_wait3A_99 = tpu.memref_squeeze %dma_wait3A_98 : memref<1x16x128xf32, #tpu.memory_space<hbm>> -> memref<16x128xf32, #tpu.memory_space<hbm>>
        %dma_wait3A_100 = arith.constant 9984 : i32
        %dma_wait3A_101 = arith.constant 0 : i32
        %dma_wait3A_102 = tpu.memref_slice %arg6[%dma_wait3A_100, %dma_wait3A_101] : memref<10128x128xf32, #tpu.memory_space<vmem_shared>> -> memref<16x128xf32, #tpu.memory_space<vmem_shared>>
        tpu.wait_dma2 semaphore(%run_scoped3A : memref<!tpu.dma_semaphore, #tpu.memory_space<semaphore_mem>>) src(%dma_wait3A_102 : memref<16x128xf32, #tpu.memory_space<vmem_shared>>) dst(%dma_wait3A_99 : memref<16x128xf32, #tpu.memory_space<hbm>>)
        tpu.yield
      }) : () -> ()
    } else {
    }
    return
  }
}

module attributes {stable_mosaic.version = 14 : i64} {
  func.func @_tcy_body(%arg0: i32, %arg1: memref<2000x128xf32, #tpu.memory_space<vmem>>, %arg2: memref<128x128xf32, #tpu.memory_space<vmem>>, %arg3: memref<2000x128xf32, #tpu.memory_space<vmem>>) attributes {dimension_semantics = [#tpu.dimension_semantics<parallel>], iteration_bounds = array<i64: 5>, scalar_prefetch = 0 : i64, scratch_operands = 0 : i64, tpu.core_type = #tpu.core_type<tc>, window_params = [{transform_indices = @transform_0, window_bounds = array<i64: 2000, 128>}, {pipeline_mode = #tpu.pipeline_mode<synchronous>, transform_indices = @transform_1, window_bounds = array<i64: 128, 128>}, {transform_indices = @transform_2, window_bounds = array<i64: 2000, 128>}]} {
    %get3A = arith.constant 0 : index
    %get3A_0 = arith.constant 0 : index
    %get3A_1 = vector.load %arg1[%get3A, %get3A_0] : memref<2000x128xf32, #tpu.memory_space<vmem>>, vector<2000x128xf32>
    %get3A_2 = arith.constant 0 : index
    %get3A_3 = arith.constant 0 : index
    %get3A_4 = vector.load %arg2[%get3A_2, %get3A_3] : memref<128x128xf32, #tpu.memory_space<vmem>>, vector<128x128xf32>
    %dot_general3A = arith.constant dense<0.000000e+00> : vector<2000x128xf32>
    %dot_general3A_5 = tpu.matmul %get3A_1, %get3A_4, %dot_general3A {dimension_numbers = #tpu.dot_dimension_numbers<[1], [0], [0], [1], [0, 0, 1, 1], [], []>, transpose_lhs_hint = false} : vector<2000x128xf32>, vector<128x128xf32>, vector<2000x128xf32> -> vector<2000x128xf32>
    %swap3A = arith.constant 0 : index
    %swap3A_6 = arith.constant 0 : index
    %swap3A_7 = vector.load %arg3[%swap3A, %swap3A_6] : memref<2000x128xf32, #tpu.memory_space<vmem>>, vector<2000x128xf32>
    tpu.vector_store %arg3[%swap3A, %swap3A_6], %dot_general3A_5 {strides = array<i32>} : memref<2000x128xf32, #tpu.memory_space<vmem>>, vector<2000x128xf32>,
    return
  }
  func.func @transform_0(%arg0: i32) -> (i32, i32) {
    %c0_i32 = arith.constant 0 : i32
    %c0_i32_0 = arith.constant 0 : i32
    return %arg0, %c0_i32 : i32, i32
  }
  func.func @transform_1(%arg0: i32) -> (i32, i32) {
    %c0_i32 = arith.constant 0 : i32
    %c0_i32_0 = arith.constant 0 : i32
    %c0_i32_1 = arith.constant 0 : i32
    return %c0_i32, %c0_i32_0 : i32, i32
  }
  func.func @transform_2(%arg0: i32) -> (i32, i32) {
    %c0_i32 = arith.constant 0 : i32
    %c0_i32_0 = arith.constant 0 : i32
    return %arg0, %c0_i32 : i32, i32
  }
}

module attributes {stable_mosaic.version = 14 : i64} {
  func.func @_tch_body(%arg0: i32, %arg1: memref<2000x128xf32, #tpu.memory_space<vmem>>, %arg2: memref<128x128xf32, #tpu.memory_space<vmem>>, %arg3: memref<1x128xf32, #tpu.memory_space<vmem>>, %arg4: memref<2000x128xf32, #tpu.memory_space<vmem>>) attributes {dimension_semantics = [#tpu.dimension_semantics<parallel>], iteration_bounds = array<i64: 5>, scalar_prefetch = 0 : i64, scratch_operands = 0 : i64, tpu.core_type = #tpu.core_type<tc>, window_params = [{transform_indices = @transform_0, window_bounds = array<i64: 2000, 128>}, {pipeline_mode = #tpu.pipeline_mode<synchronous>, transform_indices = @transform_1, window_bounds = array<i64: 128, 128>}, {pipeline_mode = #tpu.pipeline_mode<synchronous>, transform_indices = @transform_2, window_bounds = array<i64: 1, 128>}, {transform_indices = @transform_3, window_bounds = array<i64: 2000, 128>}]} {
    %get3A = arith.constant 0 : index
    %get3A_0 = arith.constant 0 : index
    %get3A_1 = vector.load %arg1[%get3A, %get3A_0] : memref<2000x128xf32, #tpu.memory_space<vmem>>, vector<2000x128xf32>
    %get3A_2 = arith.constant 0 : index
    %get3A_3 = arith.constant 0 : index
    %get3A_4 = vector.load %arg2[%get3A_2, %get3A_3] : memref<128x128xf32, #tpu.memory_space<vmem>>, vector<128x128xf32>
    %dot_general3A = arith.constant dense<0.000000e+00> : vector<2000x128xf32>
    %dot_general3A_5 = tpu.matmul %get3A_1, %get3A_4, %dot_general3A {dimension_numbers = #tpu.dot_dimension_numbers<[1], [0], [0], [1], [0, 0, 1, 1], [], []>, transpose_lhs_hint = false} : vector<2000x128xf32>, vector<128x128xf32>, vector<2000x128xf32> -> vector<2000x128xf32>
    %get3A_6 = arith.constant 0 : index
    %get3A_7 = arith.constant 0 : index
    %get3A_8 = vector.load %arg3[%get3A_6, %get3A_7] : memref<1x128xf32, #tpu.memory_space<vmem>>, vector<1x128xf32>
    %add3A = vector.broadcast %get3A_8 : vector<1x128xf32> to vector<2000x128xf32>
    %add3A_9 = arith.addf %dot_general3A_5, %add3A : vector<2000x128xf32>
    %swap3A = arith.constant 0 : index
    %swap3A_10 = arith.constant 0 : index
    %swap3A_11 = vector.load %arg4[%swap3A, %swap3A_10] : memref<2000x128xf32, #tpu.memory_space<vmem>>, vector<2000x128xf32>
    tpu.vector_store %arg4[%swap3A, %swap3A_10], %add3A_9 {strides = array<i32>} : memref<2000x128xf32, #tpu.memory_space<vmem>>, vector<2000x128xf32>,
    return
  }
  func.func @transform_0(%arg0: i32) -> (i32, i32) {
    %c0_i32 = arith.constant 0 : i32
    %c0_i32_0 = arith.constant 0 : i32
    return %arg0, %c0_i32 : i32, i32
  }
  func.func @transform_1(%arg0: i32) -> (i32, i32) {
    %c0_i32 = arith.constant 0 : i32
    %c0_i32_0 = arith.constant 0 : i32
    %c0_i32_1 = arith.constant 0 : i32
    return %c0_i32, %c0_i32_0 : i32, i32
  }
  func.func @transform_2(%arg0: i32) -> (i32, i32) {
    %c0_i32 = arith.constant 0 : i32
    %c0_i32_0 = arith.constant 0 : i32
    %c0_i32_1 = arith.constant 0 : i32
    return %c0_i32, %c0_i32_0 : i32, i32
  }
  func.func @transform_3(%arg0: i32) -> (i32, i32) {
    %c0_i32 = arith.constant 0 : i32
    %c0_i32_0 = arith.constant 0 : i32
    return %arg0, %c0_i32 : i32, i32
  }
}

module attributes {stable_mosaic.version = 14 : i64} {
  func.func @_tc2y_body(%arg0: i32, %arg1: memref<2000x128xf32, #tpu.memory_space<vmem>>, %arg2: memref<2x2000x128xf32, #tpu.memory_space<vmem>>, %arg3: memref<2000x1xf32, #tpu.memory_space<vmem>>, %arg4: memref<1x128xf32, #tpu.memory_space<vmem>>, %arg5: memref<128x128xf32, #tpu.memory_space<vmem>>, %arg6: memref<2000x128xf32, #tpu.memory_space<vmem>>, %arg7: memref<2000x128xf32, #tpu.memory_space<vmem>>) attributes {dimension_semantics = [#tpu.dimension_semantics<parallel>], iteration_bounds = array<i64: 5>, scalar_prefetch = 0 : i64, scratch_operands = 0 : i64, tpu.core_type = #tpu.core_type<tc>, window_params = [{transform_indices = @transform_0, window_bounds = array<i64: 2000, 128>}, {transform_indices = @transform_1, window_bounds = array<i64: 2, 2000, 128>}, {transform_indices = @transform_2, window_bounds = array<i64: 2000, 1>}, {pipeline_mode = #tpu.pipeline_mode<synchronous>, transform_indices = @transform_3, window_bounds = array<i64: 1, 128>}, {pipeline_mode = #tpu.pipeline_mode<synchronous>, transform_indices = @transform_4, window_bounds = array<i64: 128, 128>}, {transform_indices = @transform_5, window_bounds = array<i64: 2000, 128>}, {transform_indices = @transform_6, window_bounds = array<i64: 2000, 128>}]} {
    %get3A = arith.constant 0 : index
    %get3A_0 = arith.constant 0 : index
    %get3A_1 = arith.constant 0 : index
    %get3A_2 = vector.load %arg2[%get3A, %get3A_0, %get3A_1] : memref<2x2000x128xf32, #tpu.memory_space<vmem>>, vector<2x2000x128xf32>
    %get3A_3 = arith.constant 0 : index
    %get3A_4 = arith.constant 0 : index
    %get3A_5 = vector.load %arg3[%get3A_3, %get3A_4] : memref<2000x1xf32, #tpu.memory_space<vmem>>, vector<2000x1xf32>
    %get3A_6 = arith.constant 0 : index
    %get3A_7 = arith.constant 0 : index
    %get3A_8 = vector.load %arg4[%get3A_6, %get3A_7] : memref<1x128xf32, #tpu.memory_space<vmem>>, vector<1x128xf32>
    %slice3A = vector.extract_strided_slice %get3A_2 {offsets = [0, 0, 0], sizes = [1, 2000, 128], strides = [1, 1, 1]} : vector<2x2000x128xf32> to vector<1x2000x128xf32>
    %squeeze3A = vector.shape_cast %slice3A : vector<1x2000x128xf32> to vector<2000x128xf32>
    %slice3A_9 = vector.extract_strided_slice %get3A_2 {offsets = [1, 0, 0], sizes = [1, 2000, 128], strides = [1, 1, 1]} : vector<2x2000x128xf32> to vector<1x2000x128xf32>
    %squeeze3A_10 = vector.shape_cast %slice3A_9 : vector<1x2000x128xf32> to vector<2000x128xf32>
    %add3A = arith.addf %squeeze3A, %squeeze3A_10 : vector<2000x128xf32>
    %mul3A = vector.broadcast %get3A_5 : vector<2000x1xf32> to vector<2000x128xf32>
    %mul3A_11 = vector.broadcast %get3A_8 : vector<1x128xf32> to vector<2000x128xf32>
    %mul3A_12 = arith.mulf %mul3A, %mul3A_11 : vector<2000x128xf32>
    %add3A_13 = arith.addf %add3A, %mul3A_12 : vector<2000x128xf32>
    %max3A = arith.constant 1.000000e+00 : f32
    %max3A_14 = vector.broadcast %max3A : f32 to vector<2000x1xf32>
    %max3A_15 = arith.maximumf %get3A_5, %max3A_14 : vector<2000x1xf32>
    %div3A = vector.broadcast %max3A_15 : vector<2000x1xf32> to vector<2000x128xf32>
    %div3A_16 = arith.divf %add3A_13, %div3A : vector<2000x128xf32>
    %get3A_17 = arith.constant 0 : index
    %get3A_18 = arith.constant 0 : index
    %get3A_19 = vector.load %arg1[%get3A_17, %get3A_18] : memref<2000x128xf32, #tpu.memory_space<vmem>>, vector<2000x128xf32>
    %add3A_20 = arith.addf %get3A_19, %div3A_16 : vector<2000x128xf32>
    %max3A_21 = arith.constant 0.000000e+00 : f32
    %max3A_22 = vector.broadcast %max3A_21 : f32 to vector<2000x128xf32>
    %max3A_23 = arith.maximumf %add3A_20, %max3A_22 : vector<2000x128xf32>
    %swap3A = arith.constant 0 : index
    %swap3A_24 = arith.constant 0 : index
    %swap3A_25 = vector.load %arg6[%swap3A, %swap3A_24] : memref<2000x128xf32, #tpu.memory_space<vmem>>, vector<2000x128xf32>
    tpu.vector_store %arg6[%swap3A, %swap3A_24], %max3A_23 {strides = array<i32>} : memref<2000x128xf32, #tpu.memory_space<vmem>>, vector<2000x128xf32>,
    %get3A_26 = arith.constant 0 : index
    %get3A_27 = arith.constant 0 : index
    %get3A_28 = vector.load %arg5[%get3A_26, %get3A_27] : memref<128x128xf32, #tpu.memory_space<vmem>>, vector<128x128xf32>
    %dot_general3A = arith.constant dense<0.000000e+00> : vector<2000x128xf32>
    %dot_general3A_29 = tpu.matmul %max3A_23, %get3A_28, %dot_general3A {dimension_numbers = #tpu.dot_dimension_numbers<[1], [0], [0], [1], [0, 0, 1, 1], [], []>, transpose_lhs_hint = false} : vector<2000x128xf32>, vector<128x128xf32>, vector<2000x128xf32> -> vector<2000x128xf32>
    %swap3A_30 = arith.constant 0 : index
    %swap3A_31 = arith.constant 0 : index
    %swap3A_32 = vector.load %arg7[%swap3A_30, %swap3A_31] : memref<2000x128xf32, #tpu.memory_space<vmem>>, vector<2000x128xf32>
    tpu.vector_store %arg7[%swap3A_30, %swap3A_31], %dot_general3A_29 {strides = array<i32>} : memref<2000x128xf32, #tpu.memory_space<vmem>>, vector<2000x128xf32>,
    return
  }
  func.func @transform_0(%arg0: i32) -> (i32, i32) {
    %c0_i32 = arith.constant 0 : i32
    %c0_i32_0 = arith.constant 0 : i32
    return %arg0, %c0_i32 : i32, i32
  }
  func.func @transform_1(%arg0: i32) -> (i32, i32, i32) {
    %c0_i32 = arith.constant 0 : i32
    %c0_i32_0 = arith.constant 0 : i32
    %c0_i32_1 = arith.constant 0 : i32
    return %c0_i32, %arg0, %c0_i32_0 : i32, i32, i32
  }
  func.func @transform_2(%arg0: i32) -> (i32, i32) {
    %c0_i32 = arith.constant 0 : i32
    %c0_i32_0 = arith.constant 0 : i32
    return %arg0, %c0_i32 : i32, i32
  }
  func.func @transform_3(%arg0: i32) -> (i32, i32) {
    %c0_i32 = arith.constant 0 : i32
    %c0_i32_0 = arith.constant 0 : i32
    %c0_i32_1 = arith.constant 0 : i32
    return %c0_i32, %c0_i32_0 : i32, i32
  }
  func.func @transform_4(%arg0: i32) -> (i32, i32) {
    %c0_i32 = arith.constant 0 : i32
    %c0_i32_0 = arith.constant 0 : i32
    %c0_i32_1 = arith.constant 0 : i32
    return %c0_i32, %c0_i32_0 : i32, i32
  }
  func.func @transform_5(%arg0: i32) -> (i32, i32) {
    %c0_i32 = arith.constant 0 : i32
    %c0_i32_0 = arith.constant 0 : i32
    return %arg0, %c0_i32 : i32, i32
  }
  func.func @transform_6(%arg0: i32) -> (i32, i32) {
    %c0_i32 = arith.constant 0 : i32
    %c0_i32_0 = arith.constant 0 : i32
    return %arg0, %c0_i32 : i32, i32
  }
}

module attributes {stable_mosaic.version = 14 : i64} {
  func.func @_tc3_body(%arg0: i32, %arg1: memref<2000x128xf32, #tpu.memory_space<vmem>>, %arg2: memref<2x2000x128xf32, #tpu.memory_space<vmem>>, %arg3: memref<2000x1xf32, #tpu.memory_space<vmem>>, %arg4: memref<1x128xf32, #tpu.memory_space<vmem>>, %arg5: memref<2000x128xf32, #tpu.memory_space<vmem>>) attributes {dimension_semantics = [#tpu.dimension_semantics<parallel>], iteration_bounds = array<i64: 5>, scalar_prefetch = 0 : i64, scratch_operands = 0 : i64, tpu.core_type = #tpu.core_type<tc>, window_params = [{transform_indices = @transform_0, window_bounds = array<i64: 2000, 128>}, {transform_indices = @transform_1, window_bounds = array<i64: 2, 2000, 128>}, {transform_indices = @transform_2, window_bounds = array<i64: 2000, 1>}, {pipeline_mode = #tpu.pipeline_mode<synchronous>, transform_indices = @transform_3, window_bounds = array<i64: 1, 128>}, {transform_indices = @transform_4, window_bounds = array<i64: 2000, 128>}]} {
    %get3A = arith.constant 0 : index
    %get3A_0 = arith.constant 0 : index
    %get3A_1 = arith.constant 0 : index
    %get3A_2 = vector.load %arg2[%get3A, %get3A_0, %get3A_1] : memref<2x2000x128xf32, #tpu.memory_space<vmem>>, vector<2x2000x128xf32>
    %get3A_3 = arith.constant 0 : index
    %get3A_4 = arith.constant 0 : index
    %get3A_5 = vector.load %arg3[%get3A_3, %get3A_4] : memref<2000x1xf32, #tpu.memory_space<vmem>>, vector<2000x1xf32>
    %get3A_6 = arith.constant 0 : index
    %get3A_7 = arith.constant 0 : index
    %get3A_8 = vector.load %arg4[%get3A_6, %get3A_7] : memref<1x128xf32, #tpu.memory_space<vmem>>, vector<1x128xf32>
    %slice3A = vector.extract_strided_slice %get3A_2 {offsets = [0, 0, 0], sizes = [1, 2000, 128], strides = [1, 1, 1]} : vector<2x2000x128xf32> to vector<1x2000x128xf32>
    %squeeze3A = vector.shape_cast %slice3A : vector<1x2000x128xf32> to vector<2000x128xf32>
    %slice3A_9 = vector.extract_strided_slice %get3A_2 {offsets = [1, 0, 0], sizes = [1, 2000, 128], strides = [1, 1, 1]} : vector<2x2000x128xf32> to vector<1x2000x128xf32>
    %squeeze3A_10 = vector.shape_cast %slice3A_9 : vector<1x2000x128xf32> to vector<2000x128xf32>
    %add3A = arith.addf %squeeze3A, %squeeze3A_10 : vector<2000x128xf32>
    %mul3A = vector.broadcast %get3A_5 : vector<2000x1xf32> to vector<2000x128xf32>
    %mul3A_11 = vector.broadcast %get3A_8 : vector<1x128xf32> to vector<2000x128xf32>
    %mul3A_12 = arith.mulf %mul3A, %mul3A_11 : vector<2000x128xf32>
    %add3A_13 = arith.addf %add3A, %mul3A_12 : vector<2000x128xf32>
    %max3A = arith.constant 1.000000e+00 : f32
    %max3A_14 = vector.broadcast %max3A : f32 to vector<2000x1xf32>
    %max3A_15 = arith.maximumf %get3A_5, %max3A_14 : vector<2000x1xf32>
    %div3A = vector.broadcast %max3A_15 : vector<2000x1xf32> to vector<2000x128xf32>
    %div3A_16 = arith.divf %add3A_13, %div3A : vector<2000x128xf32>
    %get3A_17 = arith.constant 0 : index
    %get3A_18 = arith.constant 0 : index
    %get3A_19 = vector.load %arg1[%get3A_17, %get3A_18] : memref<2000x128xf32, #tpu.memory_space<vmem>>, vector<2000x128xf32>
    %add3A_20 = arith.addf %get3A_19, %div3A_16 : vector<2000x128xf32>
    %swap3A = arith.constant 0 : index
    %swap3A_21 = arith.constant 0 : index
    %swap3A_22 = vector.load %arg5[%swap3A, %swap3A_21] : memref<2000x128xf32, #tpu.memory_space<vmem>>, vector<2000x128xf32>
    tpu.vector_store %arg5[%swap3A, %swap3A_21], %add3A_20 {strides = array<i32>} : memref<2000x128xf32, #tpu.memory_space<vmem>>, vector<2000x128xf32>,
    return
  }
  func.func @transform_0(%arg0: i32) -> (i32, i32) {
    %c0_i32 = arith.constant 0 : i32
    %c0_i32_0 = arith.constant 0 : i32
    return %arg0, %c0_i32 : i32, i32
  }
  func.func @transform_1(%arg0: i32) -> (i32, i32, i32) {
    %c0_i32 = arith.constant 0 : i32
    %c0_i32_0 = arith.constant 0 : i32
    %c0_i32_1 = arith.constant 0 : i32
    return %c0_i32, %arg0, %c0_i32_0 : i32, i32, i32
  }
  func.func @transform_2(%arg0: i32) -> (i32, i32) {
    %c0_i32 = arith.constant 0 : i32
    %c0_i32_0 = arith.constant 0 : i32
    return %arg0, %c0_i32 : i32, i32
  }
  func.func @transform_3(%arg0: i32) -> (i32, i32) {
    %c0_i32 = arith.constant 0 : i32
    %c0_i32_0 = arith.constant 0 : i32
    %c0_i32_1 = arith.constant 0 : i32
    return %c0_i32, %c0_i32_0 : i32, i32
  }
  func.func @transform_4(%arg0: i32) -> (i32, i32) {
    %c0_i32 = arith.constant 0 : i32
    %c0_i32_0 = arith.constant 0 : i32
    return %arg0, %c0_i32 : i32, i32
  }
}

</mosaic_0001>

<sc_bundles>
// kernel: sc_segsum.3.cloned.1.call-start
scs
__scs_entry_jumppad:
0x0: {  	(pc) =	sbr.rel $0x88, $3  }
0x1: {  	(tag) =	ssettag $0x0;
	lr =	simm.s32 $0x1  }
0x2: {  	[smem:$0x3F97] =	sst lr;
	_ =	strace $0xD0000000  }
0x3: {  	_ = 	snop  }
0x4: {  	_ = 	snop  }
0x5: {  	_ = 	snop  }
0x6: {  	_ = 	snop  }
0x7: {  	_ = 	snop  }
__scs_overlays_trampoline_lowered:
0x8: {  	[smem:$0x3FA6] =	sst s0  }
0x9: {  	[smem:$0x3FA7] =	sst s1  }
0xa: {  	[smem:$0x3FA8] =	sst s2  }
0xb: {  	[smem:$0x3FA9] =	sst s3  }
0xc: {  	[smem:$0x3FAA] =	sst s4  }
0xd: {  	[smem:$0x3FAB] =	sst s5  }
0xe: {  	[smem:$0x3FAC] =	sst s6  }
0xf: {  	[smem:$0x3FAD] =	sst s7  }
0x10: {  	[smem:$0x3FAE] =	sst s8  }
0x11: {  	[smem:$0x3FAF] =	sst s9;
	s0 =	simm.s32 @!p0 $0x0  }
0x12: {  	s1 =	sld [smem:$0x3F95];
	s0 =	simm.s32 @p0 $0x1  }
0x13: {  	[smem:$0x3FB0] =	sst s0;
	s0 =	simm.s32 @!p1 $0x0  }
0x14: {  	s2 =	sld [smem:$0x3F94];
	s0 =	simm.s32 @p1 $0x1  }
0x15: {  	[smem:$0x3FB1] =	sst s0;
	s0 =	simm.s32 @!p2 $0x0  }
0x16: {  	s3 =	sld [smem:$0x3FDB];
	s0 =	simm.s32 @p2 $0x1  }
0x17: {  	s4 =	simm.s32 $0x1BF5;
	[smem:$0x3FB3] =	sst s0  }
0x18: {  	s0 =	sld [smem:$0x3F96];
	_ =	swait.ge [sflag:s4], $0x0  }
0x19: {  	s7 =	sld [smem:$0x3F97]  }
0x1a: {  	s8 =	sadd.s32 $0xFFFFE003, lr  }
0x1b: {  	s9 =	sadd.s32 $0xFFFFFEF7, lr;
	s5 =	simm.s32 $0xFFFFFFFF;
	p2 =	slt.u32 s8, $0xFFFFF086  }
0x1c: {  	p1 =	slt.u32 s9, $0xF7A;
	s5 =	simm.s32 @!p2 $0x0  }
0x1d: {  	s5 =	simm.s32 @p1 $0x1;
	p0 =	seq.s32 s7, s2  }
0x1e: {  	s7 =	smul.u32 @!p0 $0xF7A, s2;
	p2 =	seq.s32 @!p0 s5, $0x0  }
0x1f: {  	s9 =	smul.u32 $0xF7A, s1;
	s8 =	simm.s32 @!p0 $0x1BF5;
	p2 =	por !p2, p0  }
0x20: {  	[sflag:s8] =	ssyncset.s32 @!p0 $0xFFFFF086;
	s6 =	sadd.s32 @!p0 s3, s7;
	s7 =	simm.s32 @!p0 $0x108  }
0x21: {  	s3 =	sadd.s32 s3, s9;
	s6 =	sadd.s32 @!p0 $0x88, s6;
	s7 =	simm.s32 @p2 $0x1082  }
0x22: {  	[simem:s7], [sflag:s8] =	dma.local @!p0 [hbm:s6], $0xF7A  }
0x23: {  	s9 =	sor.u32 $0xD0000000, s2;
	s6 =	simm.s32 $0x108;
	_ =	swait.ge @!p0 [sflag:s8], $0x0  }
0x24: {  	s3 =	sadd.s32 $0x88, s3;
	s6 =	simm.s32 @!p1 $0x1082;
	[sflag:s4] =	ssyncset.s32 $0xFFFFF086  }
0x25: {  	[simem:s6], [sflag:s4] =	dma.local [hbm:s3], $0xF7A  }
0x26: {  	[smem:$0x3F97] =	sst s1;
	(tag) =	ssettag s2;
	_ =	strace s9  }
0x27: {  	s1 =	sld [smem:$0x3FA7]  }
0x28: {  	s2 =	sld [smem:$0x3FA8]  }
0x29: {  	s4 =	sld [smem:$0x3FAA]  }
0x2a: {  	p0 =	seq.s32 s5, $0x0;
	s5 =	sld [smem:$0x3FAB]  }
0x2b: {  	s6 =	sld [smem:$0x3FAC]  }
0x2c: {  	s7 =	sld [smem:$0x3FAD]  }
0x2d: {  	s3 =	simm.s32 $0x108;
	s8 =	sld [smem:$0x3FAE]  }
0x2e: {  	s3 =	simm.s32 @!p0 $0x1082;
	s9 =	sld [smem:$0x3FAF]  }
0x2f: {  	lr =	sadd.s32 s0, s3;
	s0 =	sld [smem:$0x3FA6]  }
0x30: {  	s3 =	sld [smem:$0x3FA9]  }
0x31: {  	[smem:$0x3FB2] =	sst s10  }
0x32: {  	s10 =	sld [smem:$0x3FB0];
	_ =	sdelay $0x3  }
0x33: {  	p0 =	seq.s32 s10, $0x1;
	s10 =	sld [smem:$0x3FB2];
	_ =	sdelay $0x3  }
0x34: {  	[smem:$0x3FB2] =	sst s10  }
0x35: {  	s10 =	sld [smem:$0x3FB1];
	_ =	sdelay $0x3  }
0x36: {  	p1 =	seq.s32 s10, $0x1;
	s10 =	sld [smem:$0x3FB2];
	_ =	sdelay $0x3  }
0x37: {  	[smem:$0x3FB2] =	sst s10  }
0x38: {  	s10 =	sld [smem:$0x3FB3]  }
0x39: {  	_ = 	snop;
	(pc) =	sbr.ind lr, $3  }
0x3a: {  	_ = 	snop  }
0x3b: {  	_ = 	snop  }
0x3c: {  	p2 =	seq.s32 s10, $0x1;
	s10 =	sld [smem:$0x3FB2]  }
0x3d: {  	_ =	shalt  }
0x3e: {  	_ =	shalt  }
0x3f: {  	_ =	shalt  }
0x40: {  	_ =	shalt  }
0x41: {  	_ =	shalt  }
0x42: {  	_ =	shalt  }
0x43: {  	_ =	shalt  }
0x44: {  	_ =	shalt  }
0x45: {  	_ =	shalt  }
0x46: {  	_ =	shalt  }
0x47: {  	_ =	shalt  }
0x48: {  	_ =	shalt  }
0x49: {  	_ =	shalt  }
0x4a: {  	_ =	shalt  }
0x4b: {  	_ =	shalt  }
0x4c: {  	_ =	shalt  }
0x4d: {  	_ =	shalt  }
0x4e: {  	_ =	shalt  }
0x4f: {  	_ =	shalt  }
0x50: {  	_ =	shalt  }
0x51: {  	_ =	shalt  }
0x52: {  	_ =	shalt  }
0x53: {  	_ =	shalt  }
0x54: {  	_ =	shalt  }
0x55: {  	_ =	shalt  }
0x56: {  	_ =	shalt  }
0x57: {  	_ =	shalt  }
0x58: {  	_ =	shalt  }
0x59: {  	_ =	shalt  }
0x5a: {  	_ =	shalt  }
0x5b: {  	_ =	shalt  }
0x5c: {  	_ =	shalt  }
0x5d: {  	_ =	shalt  }
0x5e: {  	_ =	shalt  }
0x5f: {  	_ =	shalt  }
0x60: {  	_ =	shalt  }
0x61: {  	_ =	shalt  }
0x62: {  	_ =	shalt  }
0x63: {  	_ =	shalt  }
0x64: {  	_ =	shalt  }
0x65: {  	_ =	shalt  }
0x66: {  	_ =	shalt  }
0x67: {  	_ =	shalt  }
0x68: {  	_ =	shalt  }
0x69: {  	_ =	shalt  }
0x6a: {  	_ =	shalt  }
0x6b: {  	_ =	shalt  }
0x6c: {  	_ =	shalt  }
0x6d: {  	_ =	shalt  }
0x6e: {  	_ =	shalt  }
0x6f: {  	_ =	shalt  }
0x70: {  	_ =	shalt  }
0x71: {  	_ =	shalt  }
0x72: {  	_ =	shalt  }
0x73: {  	_ =	shalt  }
0x74: {  	_ =	shalt  }
0x75: {  	_ =	shalt  }
0x76: {  	_ =	shalt  }
0x77: {  	_ =	shalt  }
0x78: {  	_ =	shalt  }
0x79: {  	_ =	shalt  }
0x7a: {  	_ =	shalt  }
0x7b: {  	_ =	shalt  }
0x7c: {  	_ =	shalt  }
0x7d: {  	_ =	shalt  }
0x7e: {  	_ =	shalt  }
0x7f: {  	_ =	shalt  }
0x80: {  	_ =	shalt  }
0x81: {  	_ =	shalt  }
0x82: {  	_ =	shalt  }
0x83: {  	_ =	shalt  }
0x84: {  	_ =	shalt  }
0x85: {  	_ =	shalt  }
0x86: {  	_ =	shalt  }
0x87: {  	_ =	shalt  }
.Lfunc_end0:
.L_simem_size_0:
called_computation.1_lowered:
.L_overlay_start_0:
0x88: {  	s2 =	sld [smem:$0x3FD9]  }
0x89: {  	s3 =	sld [smem:$0x3FFE];
	_ =	sdelay $0x1  }
0x8a: {  	s1 =	srdreg.scid  }
0x8b: {  	s0 =	sand.u32 $0x1, s1  }
0x8c: {  	s17 =	sshll.u32 s0, $0xA;
	s2 =	sadd.s32 s3, s2  }
0x8d: {  	s2 =	sadd.s32 s2, s17  }
0x8e: {  	[smem:$0x3FBE] =	sst s2  }
0x8f: {  	_ = 	snop  }
0x90: {  	s2 =	sld [smem:$0x3FD0];
	(tm) =	ssettm $0x1  }
0x91: {  	s18 =	sld [smem:$0x3FFB];
	_ =	sdelay $0x3  }
0x92: {  	_ =	strace s18  }
0x93: {  	s3 =	sld [smem:$0x3FFC];
	_ =	sdelay $0x3  }
0x94: {  	_ =	strace s3  }
0x95: {  	s3 =	sld [smem:$0x3FFD];
	_ =	sdelay $0x3  }
0x96: {  	_ =	strace s3  }
0x97: {  	_ =	strace $0x8FFFFFFF  }
0x98: {  	s19 =	sld [smem:$0x3FDB];
	_ =	sdelay $0x1  }
0x99: {  	s4 =	simm.s32 $_scs_section_size  }
0x9a: {  	s5 =	simm.s32 $_size__tile_overlayer_lowered;
	s6 =	simm.s32 $_tile_overlayer_lowered  }
0x9b: {  	s22 =	simm.s32 $0x1BFF;
	s21 =	sshll.u32 s6, $0x1;
	s3 =	sadd.s32 s4, s19  }
0x9c: {  	s7 =	simm.s32 $0x0;
	s20 =	sshll.u32 s5, $0x1;
	s5 =	sadd.s32 s21, s3  }
0x9d: {  	[timem:s7], [sflag:s22] =	dma.local [hbm:s5], s20  }
0x9e: {  	_ =	swait.ge [sflag:s22], s20  }
0x9f: {  	s4 =	ssub.s32 $0x0, s20;
	[sflag:s22] =	ssyncset.done $0x0  }
0xa0: {  	[sflag:s22] =	ssyncadd.s32 s4;
	_ =	sdelay $0x1  }
0xa1: {  	s23 =	simm.s32 $0x1B8B  }
0xa2: {  	_ =	swait.ge [sflag:s23], $0x1  }
0xa3: {  	[sflag:s23] =	ssyncset.done $0x0  }
0xa4: {  	s25 =	simm.s32 $0x1B8E;
	s24 =	sld [smem:$0x3FFE];
	[sflag:s23] =	ssyncadd.s32 $0xFFFFFFFF  }
0xa5: {  	s26 =	simm.s32 $execute0_lowered;
	[smem:$0x3FD2] =	sst s25  }
0xa6: {  	s5 =	sshll.u32 s26, $0x1;
	_ =	strace $0x80000049;
	[dreg:$0x1] =	wrdreg $0xFFFFFFFF  }
0xa7: {  	s28 =	simm.s32 $_size_execute0_lowered;
	s3 =	sadd.s32 s3, s5;
	[dreg:$0x0] =	wrdreg $0x0  }
0xa8: {  	s5 =	sshll.u32 s28, $0x1;
	[dreg:$0x2] =	wrdreg s3  }
0xa9: {  	[dreg:$0x3] =	wrdreg s5  }
0xaa: {  	[dreg:$0x4] =	wrdreg $0xC0  }
0xab: {  	_ =	task [dreg:s7], $0x5FFFF  }
0xac: {  	[dreg:$0x1] =	wrdreg $0xFFFFFFFF  }
0xad: {  	[dreg:$0x0] =	wrdreg $0x60  }
0xae: {  	[dreg:$0x2] =	wrdreg s2  }
0xaf: {  	[dreg:$0x3] =	wrdreg s24  }
0xb0: {  	[dreg:$0x4] =	wrdreg $0x0  }
0xb1: {  	[dreg:$0x5] =	wrdreg $0x9  }
0xb2: {  	_ =	task.clear_ibuf [dreg:s7], $0x6FFFF;
	_ =	strace $0x90000049  }
0xb3: {  	s29 =	simm.s32 $0x9;
	_ =	strace $0x8000004B  }
0xb4: {  	_ =	swait.ge [sflag:s29], $0x1  }
0xb5: {  	[sflag:s29] =	ssyncadd.s32 $0xFFFFFFFF  }
0xb6: {  	_ =	strace $0x9000004B  }
0xb7: {  	_ =	sfence  }
0xb8: {  	s30 =	sld [smem:$0x0];
	_ =	sdelay $0x2  }
0xb9: {  	s31 =	sshll.u32 s1, $0xD;
	s1 =	sshrl.u32 s1, $0x2  }
0xba: {  	s3 =	sand.u32 $0x4000, s31;
	s1 =	sadd.s32 s1, s30  }
0xbb: {  	s0 =	sor.u32 s3, s0;
	s1 =	sshll.u32 s1, $0x11  }
0xbc: {  	s0 =	sor.u32 s1, s0  }
0xbd: {  	s0 =	sadd.s32 $0x8F2B, s0  }
0xbe: {  	[sflag:s0] =	ssyncadd.remote.s32 $0x1  }
0xbf: {  	_ =	sfence.sel $0xFFFF  }
0xc0: {  	[dreg:$0x0] =	wrdreg $0xFFFFFFFF;
	(pc) =	sbr.abs _section_cstart, $3  }
0xc1: {  	[dreg:$0x1] =	wrdreg $0xFFFFFFFF  }
0xc2: {  	_ =	task.clear_ibuf [dreg:s7], $0x2FFFF;
	_ =	strace $0x9FFFFFFF  }
0xc3: {  	(tm) =	ssettm $0x7FFFFFFF  }
tec
execute0_lowered:
.L_overlay_start_1:
0x0: {  	(tag) =	ssettag $0x1  }
0x1: {  	s1 =	rddreg [dreg:$0x0]  }
0x2: {  	s5 =	rddreg [dreg:$0x1]  }
0x3: {  	s2 =	rddreg [dreg:$0x2]  }
0x4: {  	s3 =	simm.s32 $0x0;
	s6 =	srdreg.scid;
	s4 =	stileid.u32  }
0x5: {  	s20 =	simm.s32 $0x13C80;
	s21 =	simm.s32 $0x15080;
	s22 =	simm.s32 $0x80  }
0x6: {  	s23 =	simm.s32 $0x13D00;
	s24 =	simm.s32 $0x1A480;
	s25 =	simm.s32 $0x1  }
0x7: {  	s28 =	simm.s32 $0x16380;
	s29 =	simm.s32 $0x16400;
	[smem:$0x7FF] =	sst s3  }
0x8: {  	s13 =	sadd.s32 $0x2000, s5;
	s14 =	sadd.s32 $0xC000, s5;
	s26 =	smul.u32 $0x4E000, s4  }
0x9: {  	s10 =	sand.u32 $0x1, s6;
	s15 =	sadd.s32 $0x16000, s5;
	s19 =	smul.u32 $0x13800, s4  }
0xa: {  	p0 =	sne.s32 s4, $0x0;
	_ =	strace $0x8000004A;
	s30 =	ssub.s32 $0x2, s10  }
0xb: {  	s7 =	sshll.u32 s10, $0x4;
	s16 =	smul.u32 $0x138800, s10;
	s10 =	sadd.s32 $0x138000, s2  }
0xc: {  	s8 =	sshrl.u32 s30, $0x1;
	s9 =	sor.u32 s4, s7;
	s6 =	sshrl.u32 s26, $0x2  }
0xd: {  	s26 =	simm.s32 $0x2;
	s17 =	ssub.s32 s30, s8;
	s12 =	smul.u32 $0x500, s9  }
0xe: {  	s5 =	sadd.s32 s6, s2;
	s11 =	smul.u32 $0x2800, s9;
	s19 =	sadd.s32 s19, s16  }
0xf: {  	s16 =	sshrl.u32 s16, $0x3;
	s6 =	sadd.s32 $0x4000, s5;
	s7 =	sadd.s32 $0x8000, s5  }
0x10: {  	s8 =	sadd.s32 $0xC000, s5;
	s9 =	sadd.s32 $0x10000, s5;
	s31 =	sshrl.u32 s19, $0x3  }
0x11: {  	s16 =	sadd.s32 s15, s16;
	s17 =	smax.u32 s17, $0x1;
	s19 =	simm.s32 $0x3  }
0x12: {  	s18 =	sshrl.u32 s11, $0x3;
	s11 =	sadd.s32 s13, s12;
	s12 =	sadd.s32 s14, s12  }
0x13: {  	s15 =	sadd.s32 s15, s31;
	s16 =	sadd.s32 $0x27000, s16;
	s18 =	sadd.s32 $0x280, s18  }
0x14: {  	v0 =	vimm.f32 $0.0e+00;
	s13 =	sadd.s32 s13, s18;
	s14 =	sadd.s32 s14, s18;
	s18 =	simm.s32 $0x16480  }
.LBB2_1:
0x15: {  	s30 =	simm.s32 $0x0;
	s31 =	simm.s32 $0x200  }
.LBB2_2:
0x16: {  	p1 =	sne.s32 s31, $0xFE00;
	[tilespmem:s30+$0x164F0] =	vst v0  }
0x17: {  	[tilespmem:s30+$0x16480] =	vst v0  }
0x18: {  	[tilespmem:s30+$0x16490] =	vst v0  }
.Ltmp0:
0x19: {  	[tilespmem:s30+$0x164A0] =	vst v0;
	(pc) =	sbr.rel @p1 .LBB2_2-.Ltmp0, $4  }
0x1a: {  	[tilespmem:s30+$0x164B0] =	vst v0  }
0x1b: {  	[tilespmem:s30+$0x164C0] =	vst v0  }
0x1c: {  	[tilespmem:s30+$0x164D0] =	vst v0  }
0x1d: {  	[tilespmem:s30+$0x164E0] =	vst v0;
	s30 =	sshra.s32 s31, $0x2;
	s31 =	sadd.s32 $0x200, s31  }
0x1e: {  	[tilespmem:s30+$0x164F0] =	vst v0  }
0x1f: {  	[tilespmem:s30+$0x16480] =	vst v0  }
0x20: {  	[tilespmem:s30+$0x16490] =	vst v0  }
0x21: {  	[tilespmem:s30+$0x164A0] =	vst v0  }
0x22: {  	[tilespmem:s30+$0x164B0] =	vst v0  }
0x23: {  	[tilespmem:s30+$0x164C0] =	vst v0  }
0x24: {  	[tilespmem:s30+$0x164D0] =	vst v0  }
0x25: {  	[tilespmem:s30+$0x164E0] =	vst v0  }
0x26: {  	[spmem:s5] =	stream.linear.scatter [tilespmem:s18], [sflag:$0x3], $0x4000, $0x38;
	[tilespmem:$0x1E480] =	vst v63  }
0x27: {  	_ =	swait.ge [sflag:s19], $0x4000  }
0x28: {  	[sflag:s19] =	ssyncset.done $0x0  }
0x29: {  	[sflag:s19] =	ssyncadd.s32 $0xFFFFC000  }
0x2a: {  	[spmem:s6] =	stream.linear.scatter [tilespmem:s18], [sflag:$0x3], $0x4000, $0x38;
	[tilespmem:$0x1E480] =	vst v63  }
0x2b: {  	_ =	swait.ge [sflag:s19], $0x4000  }
0x2c: {  	[sflag:s19] =	ssyncset.done $0x0  }
0x2d: {  	[sflag:s19] =	ssyncadd.s32 $0xFFFFC000  }
0x2e: {  	[spmem:s7] =	stream.linear.scatter [tilespmem:s18], [sflag:$0x3], $0x4000, $0x38;
	[tilespmem:$0x1E480] =	vst v63  }
0x2f: {  	_ =	swait.ge [sflag:s19], $0x4000  }
0x30: {  	[sflag:s19] =	ssyncset.done $0x0  }
0x31: {  	[sflag:s19] =	ssyncadd.s32 $0xFFFFC000  }
0x32: {  	[spmem:s8] =	stream.linear.scatter [tilespmem:s18], [sflag:$0x3], $0x4000, $0x38;
	[tilespmem:$0x1E480] =	vst v63  }
0x33: {  	_ =	swait.ge [sflag:s19], $0x4000  }
0x34: {  	[sflag:s19] =	ssyncset.done $0x0  }
0x35: {  	[sflag:s19] =	ssyncadd.s32 $0xFFFFC000  }
0x36: {  	[spmem:s9] =	stream.linear.scatter [tilespmem:s18], [sflag:$0x3], $0x3800, $0x38;
	[tilespmem:$0x1E480] =	vst v63  }
0x37: {  	_ =	swait.ge [sflag:s19], $0x3800  }
0x38: {  	[sflag:s19] =	ssyncset.done $0x0  }
0x39: {  	s30 =	simm.s32 @!p0 $0x16480;
	[sflag:s19] =	ssyncadd.s32 $0xFFFFC800  }
0x3a: {  	[spmem:s10] =	stream.linear.scatter @!p0 [tilespmem:s30], [sflag:$0x3], $0xC00, $0x38;
	[tilespmem:$0x1E480] =	vst v63  }
0x3b: {  	s30 =	simm.s32 @!p0 $0x3  }
0x3c: {  	_ =	swait.ge @!p0 [sflag:s30], $0xC00  }
0x3d: {  	[sflag:s30] =	ssyncset.done @!p0 $0x0  }
0x3e: {  	[sflag:s30] =	ssyncadd.s32 @!p0 $0xFFFFF400  }
0x3f: {  	s30 =	simm.s32 $0x0;
	[bflag:$0x0] =	sbarrier.arrive $0xFFFF  }
0x40: {  	[tilespmem:s20], [sflag:$0x3] =	stream.linear.gather [hbm4b:s11+s30], $0x1400, $0x38;
	[tilespmem:$0x1E480] =	vst v63  }
0x41: {  	_ =	swait.ge [sflag:s19], $0x1400  }
0x42: {  	[sflag:s19] =	ssyncset.done $0x0  }
0x43: {  	[sflag:s19] =	ssyncadd.s32 $0xFFFFEC00  }
0x44: {  	[tilespmem:s21], [sflag:$0x3] =	stream.linear.gather [hbm4b:s12+s30], $0x1400, $0x38;
	[tilespmem:$0x1E480] =	vst v63  }
0x45: {  	_ =	swait.ge [sflag:s19], $0x1400  }
0x46: {  	[sflag:s19] =	ssyncset.done $0x0  }
0x47: {  	[sflag:s19] =	ssyncadd.s32 $0xFFFFEC00  }
0x48: {  	[tilespmem:s18], [sflag:$0x1] =	stream.indirect.gather [hbm4b:s1+s22], $0x80, s20, s22, $0xb8;
	[tilespmem:$0x1E480] =	vst v63  }
0x49: {  	_ = 	snop  }
0x4a: {  	[tilespmem:s24], [sflag:$0x2] =	stream.indirect.gather [hbm4b:s1+s22], $0x80, s23, s22, $0xb8;
	[tilespmem:$0x1E480] =	vst v63  }
0x4b: {  	_ =	swait.ge [sflag:s25], $0x4000  }
0x4c: {  	[sflag:s25] =	ssyncset.done $0x0  }
0x4d: {  	s30 =	simm.s32 $0x15080;
	[sflag:s25] =	ssyncadd.s32 $0xFFFFC000  }
0x4e: {  	[spmem:s2] =	stream.indirect.scatter.add.f32 [tilespmem:s18], [sflag:$0x3], $0x80, s30, s22, $0xb8;
	[tilespmem:$0x1E480] =	vst v63  }
0x4f: {  	_ =	swait.ge [sflag:s19], $0x4000  }
0x50: {  	[sflag:s19] =	ssyncset.done $0x0  }
0x51: {  	s30 =	simm.s32 $0x13D80;
	[sflag:s19] =	ssyncadd.s32 $0xFFFFC000  }
0x52: {  	[tilespmem:s18], [sflag:$0x1] =	stream.indirect.gather [hbm4b:s1+s22], $0x80, s30, s22, $0xb8;
	[tilespmem:$0x1E480] =	vst v63  }
0x53: {  	_ =	swait.ge [sflag:s26], $0x4000  }
0x54: {  	[sflag:s26] =	ssyncset.done $0x0  }
0x55: {  	s30 =	simm.s32 $0x15100;
	[sflag:s26] =	ssyncadd.s32 $0xFFFFC000  }
0x56: {  	[spmem:s2] =	stream.indirect.scatter.add.f32 [tilespmem:s24], [sflag:$0x3], $0x80, s30, s22, $0xb8;
	[tilespmem:$0x1E480] =	vst v63  }
0x57: {  	_ =	swait.ge [sflag:s19], $0x4000  }
0x58: {  	[sflag:s19] =	ssyncset.done $0x0  }
0x59: {  	s31 =	simm.s32 $0x13E00;
	s30 =	simm.s32 $0x400;
	[sflag:s19] =	ssyncadd.s32 $0xFFFFC000  }
.LBB2_4:
0x5a: {  	[tilespmem:s24], [sflag:$0x2] =	stream.indirect.gather [hbm4b:s1+s22], $0x80, s31, s22, $0xb8;
	[tilespmem:$0x1E480] =	vst v63  }
0x5b: {  	s31 =	smov.u32 s30  }
0x5c: {  	p1 =	sne.s32 s30, $0x4800;
	s30 =	sadd.s32 $0x400, s30;
	_ =	swait.ge [sflag:s25], $0x4000  }
0x5d: {  	s31 =	sshra.s32 s31, $0x2;
	[sflag:s25] =	ssyncset.done $0x0  }
0x5e: {  	s0 =	sadd.s32 $0x15080, s31;
	[sflag:s25] =	ssyncadd.s32 $0xFFFFC000  }
0x5f: {  	[spmem:s2] =	stream.indirect.scatter.add.f32 [tilespmem:s18], [sflag:$0x3], $0x80, s0, s22, $0xb8;
	[tilespmem:$0x1E480] =	vst v63  }
0x60: {  	_ =	swait.ge [sflag:s19], $0x4000  }
0x61: {  	[sflag:s19] =	ssyncset.done $0x0  }
0x62: {  	s0 =	sadd.s32 $0x13D80, s31;
	[sflag:s19] =	ssyncadd.s32 $0xFFFFC000  }
0x63: {  	[tilespmem:s18], [sflag:$0x1] =	stream.indirect.gather [hbm4b:s1+s22], $0x80, s0, s22, $0xb8;
	[tilespmem:$0x1E480] =	vst v63  }
0x64: {  	_ =	swait.ge [sflag:s26], $0x4000  }
0x65: {  	[sflag:s26] =	ssyncset.done $0x0  }
.Ltmp1:
0x66: {  	s0 =	sadd.s32 $0x15100, s31;
	[sflag:s26] =	ssyncadd.s32 $0xFFFFC000;
	(pc) =	sbr.rel @p1 .LBB2_4-.Ltmp1, $4  }
0x67: {  	[spmem:s2] =	stream.indirect.scatter.add.f32 [tilespmem:s24], [sflag:$0x3], $0x80, s0, s22, $0xb8;
	[tilespmem:$0x1E480] =	vst v63  }
0x68: {  	_ =	swait.ge [sflag:s19], $0x4000  }
0x69: {  	[sflag:s19] =	ssyncset.done $0x0  }
0x6a: {  	s31 =	sadd.s32 $0x13E00, s31;
	[sflag:s19] =	ssyncadd.s32 $0xFFFFC000  }
0x6b: {  	[tilespmem:s24], [sflag:$0x2] =	stream.indirect.gather [hbm4b:s1+s22], $0x80, s31, s22, $0xb8;
	[tilespmem:$0x1E480] =	vst v63  }
0x6c: {  	_ =	swait.ge [sflag:s25], $0x4000  }
0x6d: {  	[sflag:s25] =	ssyncset.done $0x0  }
0x6e: {  	[sflag:s25] =	ssyncadd.s32 $0xFFFFC000  }
0x6f: {  	[spmem:s2] =	stream.indirect.scatter.add.f32 [tilespmem:s18], [sflag:$0x3], $0x80, s28, s22, $0xb8;
	[tilespmem:$0x1E480] =	vst v63  }
0x70: {  	_ =	swait.ge [sflag:s19], $0x4000  }
0x71: {  	[sflag:s19] =	ssyncset.done $0x0  }
0x72: {  	[sflag:s19] =	ssyncadd.s32 $0xFFFFC000  }
0x73: {  	_ =	swait.ge [sflag:s26], $0x4000  }
0x74: {  	[sflag:s26] =	ssyncset.done $0x0  }
0x75: {  	[sflag:s26] =	ssyncadd.s32 $0xFFFFC000  }
0x76: {  	[spmem:s2] =	stream.indirect.scatter.add.f32 [tilespmem:s24], [sflag:$0x3], $0x80, s29, s22, $0xb8;
	[tilespmem:$0x1E480] =	vst v63  }
0x77: {  	_ =	swait.ge [sflag:s19], $0x4000  }
0x78: {  	[sflag:s19] =	ssyncset.done $0x0  }
0x79: {  	s0 =	simm.s32 $0x0;
	[sflag:s19] =	ssyncadd.s32 $0xFFFFC000  }
0x7a: {  	[tilespmem:s20], [sflag:$0x3] =	stream.linear.gather [hbm4b:s13+s0], $0x1400, $0x38;
	[tilespmem:$0x1E480] =	vst v63  }
0x7b: {  	_ =	swait.ge [sflag:s19], $0x1400  }
0x7c: {  	[sflag:s19] =	ssyncset.done $0x0  }
0x7d: {  	[sflag:s19] =	ssyncadd.s32 $0xFFFFEC00  }
0x7e: {  	[tilespmem:s21], [sflag:$0x3] =	stream.linear.gather [hbm4b:s14+s0], $0x1400, $0x38;
	[tilespmem:$0x1E480] =	vst v63  }
0x7f: {  	_ =	swait.ge [sflag:s19], $0x1400  }
0x80: {  	[sflag:s19] =	ssyncset.done $0x0  }
0x81: {  	[sflag:s19] =	ssyncadd.s32 $0xFFFFEC00  }
0x82: {  	[tilespmem:s18], [sflag:$0x1] =	stream.indirect.gather [hbm4b:s1+s22], $0x80, s20, s22, $0xb8;
	[tilespmem:$0x1E480] =	vst v63  }
0x83: {  	_ = 	snop  }
0x84: {  	[tilespmem:s24], [sflag:$0x2] =	stream.indirect.gather [hbm4b:s1+s22], $0x80, s23, s22, $0xb8;
	[tilespmem:$0x1E480] =	vst v63  }
0x85: {  	_ =	swait.ge [sflag:s25], $0x4000  }
0x86: {  	[sflag:s25] =	ssyncset.done $0x0  }
0x87: {  	s0 =	simm.s32 $0x15080;
	[sflag:s25] =	ssyncadd.s32 $0xFFFFC000  }
0x88: {  	[spmem:s2] =	stream.indirect.scatter.add.f32 [tilespmem:s18], [sflag:$0x3], $0x80, s0, s22, $0xb8;
	[tilespmem:$0x1E480] =	vst v63  }
0x89: {  	_ =	swait.ge [sflag:s19], $0x4000  }
0x8a: {  	[sflag:s19] =	ssyncset.done $0x0  }
0x8b: {  	s0 =	simm.s32 $0x13D80;
	[sflag:s19] =	ssyncadd.s32 $0xFFFFC000  }
0x8c: {  	[tilespmem:s18], [sflag:$0x1] =	stream.indirect.gather [hbm4b:s1+s22], $0x80, s0, s22, $0xb8;
	[tilespmem:$0x1E480] =	vst v63  }
0x8d: {  	_ =	swait.ge [sflag:s26], $0x4000  }
0x8e: {  	[sflag:s26] =	ssyncset.done $0x0  }
0x8f: {  	s0 =	simm.s32 $0x15100;
	[sflag:s26] =	ssyncadd.s32 $0xFFFFC000  }
0x90: {  	[spmem:s2] =	stream.indirect.scatter.add.f32 [tilespmem:s24], [sflag:$0x3], $0x80, s0, s22, $0xb8;
	[tilespmem:$0x1E480] =	vst v63  }
0x91: {  	_ =	swait.ge [sflag:s19], $0x4000  }
0x92: {  	[sflag:s19] =	ssyncset.done $0x0  }
0x93: {  	s30 =	simm.s32 $0x400;
	s31 =	simm.s32 $0x13E00;
	[sflag:s19] =	ssyncadd.s32 $0xFFFFC000  }
.LBB2_6:
0x94: {  	[tilespmem:s24], [sflag:$0x2] =	stream.indirect.gather [hbm4b:s1+s22], $0x80, s31, s22, $0xb8;
	[tilespmem:$0x1E480] =	vst v63  }
0x95: {  	s0 =	smov.u32 s30  }
0x96: {  	p1 =	sne.s32 s30, $0x4800;
	s30 =	sadd.s32 $0x400, s30;
	_ =	swait.ge [sflag:s25], $0x4000  }
0x97: {  	s0 =	sshra.s32 s0, $0x2;
	[sflag:s25] =	ssyncset.done $0x0  }
0x98: {  	s31 =	sadd.s32 $0x15080, s0;
	[sflag:s25] =	ssyncadd.s32 $0xFFFFC000  }
0x99: {  	[spmem:s2] =	stream.indirect.scatter.add.f32 [tilespmem:s18], [sflag:$0x3], $0x80, s31, s22, $0xb8;
	[tilespmem:$0x1E480] =	vst v63  }
0x9a: {  	_ =	swait.ge [sflag:s19], $0x4000  }
0x9b: {  	[sflag:s19] =	ssyncset.done $0x0  }
0x9c: {  	s31 =	sadd.s32 $0x13D80, s0;
	[sflag:s19] =	ssyncadd.s32 $0xFFFFC000  }
0x9d: {  	[tilespmem:s18], [sflag:$0x1] =	stream.indirect.gather [hbm4b:s1+s22], $0x80, s31, s22, $0xb8;
	[tilespmem:$0x1E480] =	vst v63  }
0x9e: {  	_ =	swait.ge [sflag:s26], $0x4000  }
0x9f: {  	[sflag:s26] =	ssyncset.done $0x0  }
.Ltmp2:
0xa0: {  	s31 =	sadd.s32 $0x15100, s0;
	[sflag:s26] =	ssyncadd.s32 $0xFFFFC000;
	(pc) =	sbr.rel @p1 .LBB2_6-.Ltmp2, $4  }
0xa1: {  	[spmem:s2] =	stream.indirect.scatter.add.f32 [tilespmem:s24], [sflag:$0x3], $0x80, s31, s22, $0xb8;
	[tilespmem:$0x1E480] =	vst v63  }
0xa2: {  	_ =	swait.ge [sflag:s19], $0x4000  }
0xa3: {  	[sflag:s19] =	ssyncset.done $0x0  }
0xa4: {  	s31 =	sadd.s32 $0x13E00, s0;
	[sflag:s19] =	ssyncadd.s32 $0xFFFFC000  }
0xa5: {  	[tilespmem:s24], [sflag:$0x2] =	stream.indirect.gather [hbm4b:s1+s22], $0x80, s31, s22, $0xb8;
	[tilespmem:$0x1E480] =	vst v63  }
0xa6: {  	_ =	swait.ge [sflag:s25], $0x4000  }
0xa7: {  	[sflag:s25] =	ssyncset.done $0x0  }
0xa8: {  	[sflag:s25] =	ssyncadd.s32 $0xFFFFC000  }
0xa9: {  	[spmem:s2] =	stream.indirect.scatter.add.f32 [tilespmem:s18], [sflag:$0x3], $0x80, s28, s22, $0xb8;
	[tilespmem:$0x1E480] =	vst v63  }
0xaa: {  	_ =	swait.ge [sflag:s19], $0x4000  }
0xab: {  	[sflag:s19] =	ssyncset.done $0x0  }
0xac: {  	[sflag:s19] =	ssyncadd.s32 $0xFFFFC000  }
0xad: {  	_ =	swait.ge [sflag:s26], $0x4000  }
0xae: {  	[sflag:s26] =	ssyncset.done $0x0  }
0xaf: {  	[sflag:s26] =	ssyncadd.s32 $0xFFFFC000  }
0xb0: {  	[spmem:s2] =	stream.indirect.scatter.add.f32 [tilespmem:s24], [sflag:$0x3], $0x80, s29, s22, $0xb8;
	[tilespmem:$0x1E480] =	vst v63  }
0xb1: {  	_ =	swait.ge [sflag:s19], $0x4000  }
0xb2: {  	[sflag:s19] =	ssyncset.done $0x0  }
0xb3: {  	s0 =	sshll.u32 s4, $0x6;
	[sflag:s19] =	ssyncadd.s32 $0xFFFFC000  }
0xb4: {  	s30 =	sshrl.u32 s5, $0x3;
	s0 =	sor.u32 $0x1C03, s0;
	[bflag:$0x0] =	sbarrier.arrive $0xFFFF  }
0xb5: {  	[hbm:s15], [sflag:s0] =	dma.local [spmem:s30], $0x2700  }
0xb6: {  	_ =	swait.ge [sflag:s19], $0x2700  }
0xb7: {  	s3 =	sadd.s32 $0x1, s3;
	[sflag:s19] =	ssyncset.done $0x0  }
0xb8: {  	p1 =	sne.s32 s3, s17;
	s30 =	sshrl.u32 @!p0 s10, $0x3;
	[sflag:s19] =	ssyncadd.s32 $0xFFFFD900  }
0xb9: {  	[hbm:s16], [sflag:s0] =	dma.local @!p0 [spmem:s30], $0x100  }
.Ltmp3:
0xba: {  	_ = 	snop;
	(pc) =	sbr.rel @p1 .LBB2_1-.Ltmp3, $4  }
0xbb: {  	s0 =	simm.s32 @!p0 $0x3  }
0xbc: {  	_ =	swait.ge @!p0 [sflag:s0], $0x100  }
0xbd: {  	[sflag:s0] =	ssyncset.done @!p0 $0x0  }
0xbe: {  	[sflag:s0] =	ssyncadd.s32 @!p0 $0xFFFFFF00  }
0xbf: {  	_ =	sfence.sel $0x180000  }
0xc0: {  	[bflag:$0x0] =	sbarrier.arrive $0xFFFF  }
0xc1: {  	_ =	strace $0x9000004A  }
0xc2: {  	[bflag:$0x2] =	sbarrier.arrive $0xFFFF  }
0xc3: {  	s0 =	rddreg [dreg:$0x3]  }
0xc4: {  	s0 =	sadd.s32 @!p0 $0x100000, s0  }
0xc5: {  	[sflag:s0] =	ssyncadd.tile.s32 @!p0 $0x1;
	_ =	shalt  }
.Lfunc_end2:
_tile_overlayer_lowered:
.L_overlay_start_2:
0xc6: {  	(tag) =	ssettag $0x2  }
0xc7: {  	s0 =	rddreg [dreg:$0x0];
	s2 =	stileid.u32  }
0xc8: {  	s1 =	rddreg [dreg:$0x1];
	p0 =	sne.s32 s2, $0x0  }
0xc9: {  	s3 =	rddreg [dreg:$0x2];
	[bflag:$0x3] =	sbarrier.arrive $0xFFFF;
	s2 =	simm.s32 @!p0 $0x1C03  }
0xca: {  	[timem:s3], [sflag:s2] =	dma.local @!p0 [hbm:s0], s1  }
0xcb: {  	s0 =	simm.s32 @!p0 $0x3  }
0xcc: {  	_ =	swait.ge @!p0 [sflag:s0], s1  }
0xcd: {  	s1 =	ssub.s32 @!p0 $0x0, s1;
	[sflag:s0] =	ssyncset.done @!p0 $0x0  }
0xce: {  	[sflag:s0] =	ssyncadd.s32 @!p0 s1  }
0xcf: {  	[bflag:$0x3] =	sbarrier.arrive $0xFFFF  }
0xd0: {  	_ =	shalt  }

// kernel: sc_segsum_cnt.3.cloned.1.call-start
scs
__scs_entry_jumppad:
0x0: {  	(pc) =	sbr.rel $0x88, $3  }
0x1: {  	(tag) =	ssettag $0x0;
	lr =	simm.s32 $0x1  }
0x2: {  	[smem:$0x3F97] =	sst lr;
	_ =	strace $0xD0000000  }
0x3: {  	_ = 	snop  }
0x4: {  	_ = 	snop  }
0x5: {  	_ = 	snop  }
0x6: {  	_ = 	snop  }
0x7: {  	_ = 	snop  }
__scs_overlays_trampoline_lowered:
0x8: {  	[smem:$0x3FA6] =	sst s0  }
0x9: {  	[smem:$0x3FA7] =	sst s1  }
0xa: {  	[smem:$0x3FA8] =	sst s2  }
0xb: {  	[smem:$0x3FA9] =	sst s3  }
0xc: {  	[smem:$0x3FAA] =	sst s4  }
0xd: {  	[smem:$0x3FAB] =	sst s5  }
0xe: {  	[smem:$0x3FAC] =	sst s6  }
0xf: {  	[smem:$0x3FAD] =	sst s7  }
0x10: {  	[smem:$0x3FAE] =	sst s8  }
0x11: {  	[smem:$0x3FAF] =	sst s9;
	s0 =	simm.s32 @!p0 $0x0  }
0x12: {  	s1 =	sld [smem:$0x3F95];
	s0 =	simm.s32 @p0 $0x1  }
0x13: {  	[smem:$0x3FB0] =	sst s0;
	s0 =	simm.s32 @!p1 $0x0  }
0x14: {  	s2 =	sld [smem:$0x3F94];
	s0 =	simm.s32 @p1 $0x1  }
0x15: {  	[smem:$0x3FB1] =	sst s0;
	s0 =	simm.s32 @!p2 $0x0  }
0x16: {  	s3 =	sld [smem:$0x3FDB];
	s0 =	simm.s32 @p2 $0x1  }
0x17: {  	s4 =	simm.s32 $0x1BF5;
	[smem:$0x3FB3] =	sst s0  }
0x18: {  	s0 =	sld [smem:$0x3F96];
	_ =	swait.ge [sflag:s4], $0x0  }
0x19: {  	s7 =	sld [smem:$0x3F97]  }
0x1a: {  	s8 =	sadd.s32 $0xFFFFE003, lr  }
0x1b: {  	s9 =	sadd.s32 $0xFFFFFEF7, lr;
	s5 =	simm.s32 $0xFFFFFFFF;
	p2 =	slt.u32 s8, $0xFFFFF086  }
0x1c: {  	p1 =	slt.u32 s9, $0xF7A;
	s5 =	simm.s32 @!p2 $0x0  }
0x1d: {  	s5 =	simm.s32 @p1 $0x1;
	p0 =	seq.s32 s7, s2  }
0x1e: {  	s7 =	smul.u32 @!p0 $0xF7A, s2;
	p2 =	seq.s32 @!p0 s5, $0x0  }
0x1f: {  	s9 =	smul.u32 $0xF7A, s1;
	s8 =	simm.s32 @!p0 $0x1BF5;
	p2 =	por !p2, p0  }
0x20: {  	[sflag:s8] =	ssyncset.s32 @!p0 $0xFFFFF086;
	s6 =	sadd.s32 @!p0 s3, s7;
	s7 =	simm.s32 @!p0 $0x108  }
0x21: {  	s3 =	sadd.s32 s3, s9;
	s6 =	sadd.s32 @!p0 $0x88, s6;
	s7 =	simm.s32 @p2 $0x1082  }
0x22: {  	[simem:s7], [sflag:s8] =	dma.local @!p0 [hbm:s6], $0xF7A  }
0x23: {  	s9 =	sor.u32 $0xD0000000, s2;
	s6 =	simm.s32 $0x108;
	_ =	swait.ge @!p0 [sflag:s8], $0x0  }
0x24: {  	s3 =	sadd.s32 $0x88, s3;
	s6 =	simm.s32 @!p1 $0x1082;
	[sflag:s4] =	ssyncset.s32 $0xFFFFF086  }
0x25: {  	[simem:s6], [sflag:s4] =	dma.local [hbm:s3], $0xF7A  }
0x26: {  	[smem:$0x3F97] =	sst s1;
	(tag) =	ssettag s2;
	_ =	strace s9  }
0x27: {  	s1 =	sld [smem:$0x3FA7]  }
0x28: {  	s2 =	sld [smem:$0x3FA8]  }
0x29: {  	s4 =	sld [smem:$0x3FAA]  }
0x2a: {  	p0 =	seq.s32 s5, $0x0;
	s5 =	sld [smem:$0x3FAB]  }
0x2b: {  	s6 =	sld [smem:$0x3FAC]  }
0x2c: {  	s7 =	sld [smem:$0x3FAD]  }
0x2d: {  	s3 =	simm.s32 $0x108;
	s8 =	sld [smem:$0x3FAE]  }
0x2e: {  	s3 =	simm.s32 @!p0 $0x1082;
	s9 =	sld [smem:$0x3FAF]  }
0x2f: {  	lr =	sadd.s32 s0, s3;
	s0 =	sld [smem:$0x3FA6]  }
0x30: {  	s3 =	sld [smem:$0x3FA9]  }
0x31: {  	[smem:$0x3FB2] =	sst s10  }
0x32: {  	s10 =	sld [smem:$0x3FB0];
	_ =	sdelay $0x3  }
0x33: {  	p0 =	seq.s32 s10, $0x1;
	s10 =	sld [smem:$0x3FB2];
	_ =	sdelay $0x3  }
0x34: {  	[smem:$0x3FB2] =	sst s10  }
0x35: {  	s10 =	sld [smem:$0x3FB1];
	_ =	sdelay $0x3  }
0x36: {  	p1 =	seq.s32 s10, $0x1;
	s10 =	sld [smem:$0x3FB2];
	_ =	sdelay $0x3  }
0x37: {  	[smem:$0x3FB2] =	sst s10  }
0x38: {  	s10 =	sld [smem:$0x3FB3]  }
0x39: {  	_ = 	snop;
	(pc) =	sbr.ind lr, $3  }
0x3a: {  	_ = 	snop  }
0x3b: {  	_ = 	snop  }
0x3c: {  	p2 =	seq.s32 s10, $0x1;
	s10 =	sld [smem:$0x3FB2]  }
0x3d: {  	_ =	shalt  }
0x3e: {  	_ =	shalt  }
0x3f: {  	_ =	shalt  }
0x40: {  	_ =	shalt  }
0x41: {  	_ =	shalt  }
0x42: {  	_ =	shalt  }
0x43: {  	_ =	shalt  }
0x44: {  	_ =	shalt  }
0x45: {  	_ =	shalt  }
0x46: {  	_ =	shalt  }
0x47: {  	_ =	shalt  }
0x48: {  	_ =	shalt  }
0x49: {  	_ =	shalt  }
0x4a: {  	_ =	shalt  }
0x4b: {  	_ =	shalt  }
0x4c: {  	_ =	shalt  }
0x4d: {  	_ =	shalt  }
0x4e: {  	_ =	shalt  }
0x4f: {  	_ =	shalt  }
0x50: {  	_ =	shalt  }
0x51: {  	_ =	shalt  }
0x52: {  	_ =	shalt  }
0x53: {  	_ =	shalt  }
0x54: {  	_ =	shalt  }
0x55: {  	_ =	shalt  }
0x56: {  	_ =	shalt  }
0x57: {  	_ =	shalt  }
0x58: {  	_ =	shalt  }
0x59: {  	_ =	shalt  }
0x5a: {  	_ =	shalt  }
0x5b: {  	_ =	shalt  }
0x5c: {  	_ =	shalt  }
0x5d: {  	_ =	shalt  }
0x5e: {  	_ =	shalt  }
0x5f: {  	_ =	shalt  }
0x60: {  	_ =	shalt  }
0x61: {  	_ =	shalt  }
0x62: {  	_ =	shalt  }
0x63: {  	_ =	shalt  }
0x64: {  	_ =	shalt  }
0x65: {  	_ =	shalt  }
0x66: {  	_ =	shalt  }
0x67: {  	_ =	shalt  }
0x68: {  	_ =	shalt  }
0x69: {  	_ =	shalt  }
0x6a: {  	_ =	shalt  }
0x6b: {  	_ =	shalt  }
0x6c: {  	_ =	shalt  }
0x6d: {  	_ =	shalt  }
0x6e: {  	_ =	shalt  }
0x6f: {  	_ =	shalt  }
0x70: {  	_ =	shalt  }
0x71: {  	_ =	shalt  }
0x72: {  	_ =	shalt  }
0x73: {  	_ =	shalt  }
0x74: {  	_ =	shalt  }
0x75: {  	_ =	shalt  }
0x76: {  	_ =	shalt  }
0x77: {  	_ =	shalt  }
0x78: {  	_ =	shalt  }
0x79: {  	_ =	shalt  }
0x7a: {  	_ =	shalt  }
0x7b: {  	_ =	shalt  }
0x7c: {  	_ =	shalt  }
0x7d: {  	_ =	shalt  }
0x7e: {  	_ =	shalt  }
0x7f: {  	_ =	shalt  }
0x80: {  	_ =	shalt  }
0x81: {  	_ =	shalt  }
0x82: {  	_ =	shalt  }
0x83: {  	_ =	shalt  }
0x84: {  	_ =	shalt  }
0x85: {  	_ =	shalt  }
0x86: {  	_ =	shalt  }
0x87: {  	_ =	shalt  }
.Lfunc_end0:
.L_simem_size_0:
called_computation_lowered:
.L_overlay_start_0:
0x88: {  	s2 =	sld [smem:$0x3FD9]  }
0x89: {  	s3 =	sld [smem:$0x3FFE];
	_ =	sdelay $0x1  }
0x8a: {  	s1 =	srdreg.scid  }
0x8b: {  	s0 =	sand.u32 $0x1, s1  }
0x8c: {  	s17 =	sshll.u32 s0, $0xA;
	s2 =	sadd.s32 s3, s2  }
0x8d: {  	s2 =	sadd.s32 s2, s17  }
0x8e: {  	[smem:$0x3FBE] =	sst s2  }
0x8f: {  	_ = 	snop  }
0x90: {  	s2 =	sld [smem:$0x3FD0];
	(tm) =	ssettm $0x1  }
0x91: {  	s18 =	sld [smem:$0x3FFB];
	_ =	sdelay $0x3  }
0x92: {  	_ =	strace s18  }
0x93: {  	s3 =	sld [smem:$0x3FFC];
	_ =	sdelay $0x3  }
0x94: {  	_ =	strace s3  }
0x95: {  	s3 =	sld [smem:$0x3FFD];
	_ =	sdelay $0x3  }
0x96: {  	_ =	strace s3  }
0x97: {  	_ =	strace $0x8FFFFFFF  }
0x98: {  	s19 =	sld [smem:$0x3FDB];
	_ =	sdelay $0x1  }
0x99: {  	s4 =	simm.s32 $_scs_section_size  }
0x9a: {  	s5 =	simm.s32 $_size__tile_overlayer_lowered;
	s6 =	simm.s32 $_tile_overlayer_lowered  }
0x9b: {  	s22 =	simm.s32 $0x1BFF;
	s21 =	sshll.u32 s6, $0x1;
	s3 =	sadd.s32 s4, s19  }
0x9c: {  	s7 =	simm.s32 $0x0;
	s20 =	sshll.u32 s5, $0x1;
	s5 =	sadd.s32 s21, s3  }
0x9d: {  	[timem:s7], [sflag:s22] =	dma.local [hbm:s5], s20  }
0x9e: {  	_ =	swait.ge [sflag:s22], s20  }
0x9f: {  	s4 =	ssub.s32 $0x0, s20;
	[sflag:s22] =	ssyncset.done $0x0  }
0xa0: {  	[sflag:s22] =	ssyncadd.s32 s4;
	_ =	sdelay $0x1  }
0xa1: {  	s23 =	simm.s32 $0x1B8B  }
0xa2: {  	_ =	swait.ge [sflag:s23], $0x1  }
0xa3: {  	[sflag:s23] =	ssyncset.done $0x0  }
0xa4: {  	s25 =	simm.s32 $0x1B8E;
	s24 =	sld [smem:$0x3FFE];
	[sflag:s23] =	ssyncadd.s32 $0xFFFFFFFF  }
0xa5: {  	s26 =	simm.s32 $execute0_lowered;
	[smem:$0x3FD2] =	sst s25  }
0xa6: {  	s5 =	sshll.u32 s26, $0x1;
	_ =	strace $0x80000046;
	[dreg:$0x1] =	wrdreg $0xFFFFFFFF  }
0xa7: {  	s28 =	simm.s32 $_size_execute0_lowered;
	s3 =	sadd.s32 s3, s5;
	[dreg:$0x0] =	wrdreg $0x0  }
0xa8: {  	s5 =	sshll.u32 s28, $0x1;
	[dreg:$0x2] =	wrdreg s3  }
0xa9: {  	[dreg:$0x3] =	wrdreg s5  }
0xaa: {  	[dreg:$0x4] =	wrdreg $0xC0  }
0xab: {  	_ =	task [dreg:s7], $0x5FFFF  }
0xac: {  	[dreg:$0x1] =	wrdreg $0xFFFFFFFF  }
0xad: {  	[dreg:$0x0] =	wrdreg $0x60  }
0xae: {  	[dreg:$0x2] =	wrdreg s2  }
0xaf: {  	[dreg:$0x3] =	wrdreg s24  }
0xb0: {  	[dreg:$0x4] =	wrdreg $0x0  }
0xb1: {  	[dreg:$0x5] =	wrdreg $0x13C800  }
0xb2: {  	[dreg:$0x6] =	wrdreg $0x9  }
0xb3: {  	_ =	task.clear_ibuf [dreg:s7], $0x7FFFF;
	_ =	strace $0x90000046  }
0xb4: {  	s29 =	simm.s32 $0x9;
	_ =	strace $0x80000048  }
0xb5: {  	_ =	swait.ge [sflag:s29], $0x1  }
0xb6: {  	[sflag:s29] =	ssyncadd.s32 $0xFFFFFFFF  }
0xb7: {  	_ =	strace $0x90000048  }
0xb8: {  	_ =	sfence  }
0xb9: {  	s30 =	sld [smem:$0x0];
	_ =	sdelay $0x2  }
0xba: {  	s31 =	sshll.u32 s1, $0xD;
	s1 =	sshrl.u32 s1, $0x2  }
0xbb: {  	s3 =	sand.u32 $0x4000, s31;
	s1 =	sadd.s32 s1, s30  }
0xbc: {  	s0 =	sor.u32 s3, s0;
	s1 =	sshll.u32 s1, $0x11  }
0xbd: {  	s0 =	sor.u32 s1, s0  }
0xbe: {  	s0 =	sadd.s32 $0x8F2B, s0  }
0xbf: {  	[sflag:s0] =	ssyncadd.remote.s32 $0x1  }
0xc0: {  	_ =	sfence.sel $0xFFFF  }
0xc1: {  	[dreg:$0x0] =	wrdreg $0xFFFFFFFF;
	(pc) =	sbr.abs _section_cstart, $3  }
0xc2: {  	[dreg:$0x1] =	wrdreg $0xFFFFFFFF  }
0xc3: {  	_ =	task.clear_ibuf [dreg:s7], $0x2FFFF;
	_ =	strace $0x9FFFFFFF  }
0xc4: {  	(tm) =	ssettm $0x7FFFFFFF  }
0xc5: {  	_ =	shalt  }
tec
execute0_lowered:
.L_overlay_start_1:
0x0: {  	(tag) =	ssettag $0x1  }
0x1: {  	s1 =	rddreg [dreg:$0x0]  }
0x2: {  	s0 =	rddreg [dreg:$0x1]  }
0x3: {  	s2 =	rddreg [dreg:$0x2]  }
0x4: {  	s3 =	rddreg [dreg:$0x3];
	s4 =	simm.s32 $0x0  }
0x5: {  	s22 =	stileid.u32;
	s7 =	srdreg.scid;
	s30 =	simm.s32 $0x16700  }
0x6: {  	s31 =	simm.s32 $0x3;
	s28 =	simm.s32 $0x1E700;
	s29 =	simm.s32 $0x2  }
0x7: {  	[smem:$0x7FF] =	sst s4;
	s5 =	sadd.s32 $0x2000, s0;
	s6 =	sadd.s32 $0xC000, s0  }
0x8: {  	s8 =	smul.u32 $0x4E000, s22;
	s9 =	sadd.s32 $0x16C00, s0;
	s10 =	sadd.s32 $0x16000, s0  }
0x9: {  	s7 =	sand.u32 $0x1, s7;
	s0 =	sadd.s32 $0x16600, s0;
	p0 =	seq.s32 s22, $0x0  }
0xa: {  	s20 =	sadd.s32 $0x200, s3;
	_ =	strace $0x80000047;
	[dreg:$0x5] =	wrdreg s10  }
0xb: {  	s21 =	sadd.s32 $0x400, s3;
	s25 =	sadd.s32 $0x600, s3;
	[dreg:$0x6] =	wrdreg s0  }
0xc: {  	s16 =	ssub.s32 $0x2, s7;
	[dreg:$0x9] =	wrdreg s20;
	s20 =	smul.u32 $0x138800, s7  }
0xd: {  	s11 =	sshll.u32 s7, $0x4;
	[dreg:$0xa] =	wrdreg s21;
	s21 =	smul.u32 $0x13800, s22  }
0xe: {  	[dreg:$0xb] =	wrdreg s25;
	p2 =	seq.s32 s7, $0x1;
	s8 =	sshrl.u32 s8, $0x2  }
0xf: {  	s17 =	sshrl.u32 s16, $0x1;
	s13 =	sor.u32 s22, s11;
	p0 =	por !p0, !p2  }
0x10: {  	s8 =	sadd.s32 s8, s2;
	s0 =	ssub.s32 s16, s17;
	s14 =	smul.u32 $0x500, s13  }
0x11: {  	s15 =	smul.u32 $0x2800, s13;
	s13 =	sadd.s32 $0x138000, s2;
	s24 =	sadd.s32 s21, s20  }
0x12: {  	s26 =	sshrl.u32 s20, $0x3;
	s20 =	sadd.s32 $0xA00, s3;
	p2 =	por !p0, !p0  }
0x13: {  	p0 =	sne.s32 s22, $0x0;
	s18 =	sadd.s32 $0x4000, s8;
	s19 =	sadd.s32 $0x8000, s8  }
0x14: {  	s11 =	sadd.s32 $0xC000, s8;
	s12 =	sadd.s32 $0x10000, s8;
	s10 =	sadd.s32 s9, s26  }
0x15: {  	[dreg:$0xd] =	wrdreg s20;
	s25 =	smax.u32 s0, $0x1;
	s26 =	sadd.s32 $0x1000, s3  }
0x16: {  	s20 =	sadd.s32 $0x2000, s3;
	s0 =	simm.s32 $0x1E780;
	[dreg:$0x7] =	wrdreg s18  }
0x17: {  	[dreg:$0x8] =	wrdreg s19;
	s15 =	sshrl.u32 s15, $0x3;
	s16 =	sadd.s32 s5, s14  }
0x18: {  	s17 =	sadd.s32 s6, s14;
	s14 =	sor.u32 s7, s22;
	[dreg:$0x10] =	wrdreg s26  }
0x19: {  	s22 =	sadd.s32 $0xC00, s3;
	s7 =	sadd.s32 $0x1600, s3;
	[dreg:$0x18] =	wrdreg s20  }
0x1a: {  	s26 =	sadd.s32 $0x2600, s3;
	s20 =	simm.s32 $0x80;
	[dreg:$0xe] =	wrdreg s22  }
0x1b: {  	s23 =	sadd.s32 $0x280, s15;
	s15 =	sadd.s32 $0x800, s3;
	[dreg:$0x13] =	wrdreg s7  }
0x1c: {  	p1 =	sne.s32 s14, $0x0;
	s14 =	sadd.s32 $0x1C00, s3;
	[dreg:$0x1b] =	wrdreg s26  }
0x1d: {  	s22 =	sadd.s32 $0x2200, s3;
	s26 =	simm.s32 $0x1;
	[dreg:$0xc] =	wrdreg s15  }
0x1e: {  	s18 =	sadd.s32 s5, s23;
	s19 =	sadd.s32 s6, s23;
	[dreg:$0x16] =	wrdreg s14  }
0x1f: {  	s5 =	sshrl.u32 s24, $0x3;
	s23 =	sadd.s32 $0xE00, s3;
	[dreg:$0x19] =	wrdreg s22  }
0x20: {  	s24 =	sadd.s32 $0x27000, s10;
	s6 =	sadd.s32 $0x1400, s3;
	[dreg:$0xf] =	wrdreg s23  }
0x21: {  	s10 =	sadd.s32 $0x1A00, s3;
	s15 =	sadd.s32 $0x1E00, s3;
	[dreg:$0x12] =	wrdreg s6  }
0x22: {  	s14 =	simm.s32 $0x13F00;
	s22 =	simm.s32 $0x13F80;
	[dreg:$0x15] =	wrdreg s10  }
0x23: {  	s21 =	sadd.s32 s9, s5;
	s5 =	sadd.s32 $0x1200, s3;
	[dreg:$0x17] =	wrdreg s15  }
0x24: {  	s9 =	sadd.s32 $0x1800, s3;
	s23 =	sadd.s32 $0x2400, s3;
	[dreg:$0x11] =	wrdreg s5  }
0x25: {  	s15 =	simm.s32 $0x15300;
	s6 =	simm.s32 $0x16680;
	[dreg:$0x14] =	wrdreg s9  }
0x26: {  	v0 =	vimm.f32 $0.0e+00;
	v1 =	vimm.f32 $1.000000000e+00;
	[dreg:$0x1a] =	wrdreg s23;
	s23 =	simm.s32 $0x1A700;
	s5 =	simm.s32 $0x16600  }
.LBB2_1:
0x27: {  	s7 =	simm.s32 $0x0;
	s9 =	simm.s32 $0x200  }
.LBB2_2:
0x28: {  	p3 =	sne.s32 s9, $0xFE00;
	[tilespmem:s7+$0x16770] =	vst v0  }
0x29: {  	[tilespmem:s7+$0x16700] =	vst v0  }
0x2a: {  	[tilespmem:s7+$0x16710] =	vst v0  }
.Ltmp0:
0x2b: {  	[tilespmem:s7+$0x16720] =	vst v0;
	(pc) =	sbr.rel @p3 .LBB2_2-.Ltmp0, $4  }
0x2c: {  	[tilespmem:s7+$0x16730] =	vst v0  }
0x2d: {  	[tilespmem:s7+$0x16740] =	vst v0  }
0x2e: {  	[tilespmem:s7+$0x16750] =	vst v0  }
0x2f: {  	[tilespmem:s7+$0x16760] =	vst v0;
	s7 =	sshra.s32 s9, $0x2;
	s9 =	sadd.s32 $0x200, s9  }
0x30: {  	[tilespmem:s7+$0x16770] =	vst v0  }
0x31: {  	[tilespmem:s7+$0x16700] =	vst v0  }
0x32: {  	[tilespmem:s7+$0x16710] =	vst v0  }
0x33: {  	[tilespmem:s7+$0x16720] =	vst v0  }
0x34: {  	[tilespmem:s7+$0x16730] =	vst v0  }
0x35: {  	[tilespmem:s7+$0x16740] =	vst v0  }
0x36: {  	[tilespmem:s7+$0x16750] =	vst v0  }
0x37: {  	[tilespmem:s7+$0x16760] =	vst v0  }
0x38: {  	[spmem:s8] =	stream.linear.scatter [tilespmem:s30], [sflag:$0x3], $0x4000, $0x38;
	[tilespmem:$0x1E980] =	vst v63  }
0x39: {  	_ =	swait.ge [sflag:s31], $0x4000  }
0x3a: {  	[sflag:s31] =	ssyncset.done $0x0  }
0x3b: {  	s9 =	rddreg [dreg:$0x7];
	[sflag:s31] =	ssyncadd.s32 $0xFFFFC000  }
0x3c: {  	[spmem:s9] =	stream.linear.scatter [tilespmem:s30], [sflag:$0x3], $0x4000, $0x38;
	[tilespmem:$0x1E980] =	vst v63  }
0x3d: {  	_ =	swait.ge [sflag:s31], $0x4000  }
0x3e: {  	[sflag:s31] =	ssyncset.done $0x0  }
0x3f: {  	s10 =	rddreg [dreg:$0x8];
	[sflag:s31] =	ssyncadd.s32 $0xFFFFC000  }
0x40: {  	[spmem:s10] =	stream.linear.scatter [tilespmem:s30], [sflag:$0x3], $0x4000, $0x38;
	[tilespmem:$0x1E980] =	vst v63  }
0x41: {  	_ =	swait.ge [sflag:s31], $0x4000  }
0x42: {  	[sflag:s31] =	ssyncset.done $0x0  }
0x43: {  	[sflag:s31] =	ssyncadd.s32 $0xFFFFC000  }
0x44: {  	[spmem:s11] =	stream.linear.scatter [tilespmem:s30], [sflag:$0x3], $0x4000, $0x38;
	[tilespmem:$0x1E980] =	vst v63  }
0x45: {  	_ =	swait.ge [sflag:s31], $0x4000  }
0x46: {  	[sflag:s31] =	ssyncset.done $0x0  }
.Ltmp1:
0x47: {  	[sflag:s31] =	ssyncadd.s32 $0xFFFFC000;
	(pc) =	sbr.rel @p0 .LBB2_5-.Ltmp1, $4  }
0x48: {  	[spmem:s12] =	stream.linear.scatter [tilespmem:s30], [sflag:$0x3], $0x3800, $0x38;
	[tilespmem:$0x1E980] =	vst v63  }
0x49: {  	_ =	swait.ge [sflag:s31], $0x3800  }
0x4a: {  	[sflag:s31] =	ssyncset.done $0x0  }
0x4b: {  	[sflag:s31] =	ssyncadd.s32 $0xFFFFC800  }
0x4c: {  	[spmem:s13] =	stream.linear.scatter [tilespmem:s30], [sflag:$0x3], $0xC00, $0x38;
	[tilespmem:$0x1E980] =	vst v63  }
0x4d: {  	_ =	swait.ge [sflag:s31], $0xC00  }
0x4e: {  	[sflag:s31] =	ssyncset.done $0x0  }
0x4f: {  	[sflag:s31] =	ssyncadd.s32 $0xFFFFF400  }
0x50: {  	[tilespmem:$0x1E780] =	vst v0  }
0x51: {  	[tilespmem:$0x1E790] =	vst v0  }
0x52: {  	[tilespmem:$0x1E7A0] =	vst v0  }
0x53: {  	[tilespmem:$0x1E7B0] =	vst v0  }
0x54: {  	[tilespmem:$0x1E7C0] =	vst v0  }
0x55: {  	[tilespmem:$0x1E7D0] =	vst v0  }
0x56: {  	[tilespmem:$0x1E7E0] =	vst v0  }
0x57: {  	[tilespmem:$0x1E7F0] =	vst v0  }
0x58: {  	[tilespmem:$0x1E800] =	vst v0  }
0x59: {  	[tilespmem:$0x1E810] =	vst v0  }
0x5a: {  	[tilespmem:$0x1E820] =	vst v0  }
0x5b: {  	[tilespmem:$0x1E830] =	vst v0  }
0x5c: {  	[tilespmem:$0x1E840] =	vst v0  }
0x5d: {  	[tilespmem:$0x1E850] =	vst v0  }
0x5e: {  	[tilespmem:$0x1E860] =	vst v0  }
0x5f: {  	[tilespmem:$0x1E870] =	vst v0  }
0x60: {  	[tilespmem:$0x1E880] =	vst v0  }
0x61: {  	[tilespmem:$0x1E890] =	vst v0  }
0x62: {  	[tilespmem:$0x1E8A0] =	vst v0  }
0x63: {  	[tilespmem:$0x1E8B0] =	vst v0  }
0x64: {  	[tilespmem:$0x1E8C0] =	vst v0  }
0x65: {  	[tilespmem:$0x1E8D0] =	vst v0  }
0x66: {  	[tilespmem:$0x1E8E0] =	vst v0  }
0x67: {  	[tilespmem:$0x1E8F0] =	vst v0  }
0x68: {  	[tilespmem:$0x1E900] =	vst v0  }
0x69: {  	[tilespmem:$0x1E910] =	vst v0  }
0x6a: {  	[tilespmem:$0x1E920] =	vst v0  }
0x6b: {  	[tilespmem:$0x1E930] =	vst v0  }
0x6c: {  	[tilespmem:$0x1E940] =	vst v0  }
0x6d: {  	[tilespmem:$0x1E950] =	vst v0  }
0x6e: {  	[tilespmem:$0x1E960] =	vst v0  }
0x6f: {  	[tilespmem:$0x1E970] =	vst v0  }
0x70: {  	[spmem:s3] =	stream.linear.scatter [tilespmem:s0], [sflag:$0x3], $0x200, $0x38;
	[tilespmem:$0x1E980] =	vst v63  }
0x71: {  	_ =	swait.ge [sflag:s31], $0x200  }
0x72: {  	[sflag:s31] =	ssyncset.done $0x0  }
0x73: {  	s7 =	rddreg [dreg:$0x9];
	[sflag:s31] =	ssyncadd.s32 $0xFFFFFE00  }
0x74: {  	[spmem:s7] =	stream.linear.scatter [tilespmem:s0], [sflag:$0x3], $0x200, $0x38;
	[tilespmem:$0x1E980] =	vst v63  }
0x75: {  	_ =	swait.ge [sflag:s31], $0x200  }
0x76: {  	[sflag:s31] =	ssyncset.done $0x0  }
0x77: {  	s9 =	rddreg [dreg:$0xa];
	[sflag:s31] =	ssyncadd.s32 $0xFFFFFE00  }
0x78: {  	[spmem:s9] =	stream.linear.scatter [tilespmem:s0], [sflag:$0x3], $0x200, $0x38;
	[tilespmem:$0x1E980] =	vst v63  }
0x79: {  	_ =	swait.ge [sflag:s31], $0x200  }
0x7a: {  	[sflag:s31] =	ssyncset.done $0x0  }
0x7b: {  	s10 =	rddreg [dreg:$0xb];
	[sflag:s31] =	ssyncadd.s32 $0xFFFFFE00  }
0x7c: {  	[spmem:s10] =	stream.linear.scatter [tilespmem:s0], [sflag:$0x3], $0x200, $0x38;
	[tilespmem:$0x1E980] =	vst v63  }
0x7d: {  	_ =	swait.ge [sflag:s31], $0x200  }
0x7e: {  	[sflag:s31] =	ssyncset.done $0x0  }
0x7f: {  	s9 =	rddreg [dreg:$0xc];
	[sflag:s31] =	ssyncadd.s32 $0xFFFFFE00  }
0x80: {  	[spmem:s9] =	stream.linear.scatter [tilespmem:s0], [sflag:$0x3], $0x200, $0x38;
	[tilespmem:$0x1E980] =	vst v63  }
0x81: {  	_ =	swait.ge [sflag:s31], $0x200  }
0x82: {  	[sflag:s31] =	ssyncset.done $0x0  }
0x83: {  	s10 =	rddreg [dreg:$0xd];
	[sflag:s31] =	ssyncadd.s32 $0xFFFFFE00  }
0x84: {  	[spmem:s10] =	stream.linear.scatter [tilespmem:s0], [sflag:$0x3], $0x200, $0x38;
	[tilespmem:$0x1E980] =	vst v63  }
0x85: {  	_ =	swait.ge [sflag:s31], $0x200  }
0x86: {  	[sflag:s31] =	ssyncset.done $0x0  }
0x87: {  	s9 =	rddreg [dreg:$0xe];
	[sflag:s31] =	ssyncadd.s32 $0xFFFFFE00  }
0x88: {  	[spmem:s9] =	stream.linear.scatter [tilespmem:s0], [sflag:$0x3], $0x200, $0x38;
	[tilespmem:$0x1E980] =	vst v63  }
0x89: {  	_ =	swait.ge [sflag:s31], $0x200  }
0x8a: {  	[sflag:s31] =	ssyncset.done $0x0  }
0x8b: {  	s10 =	rddreg [dreg:$0xf];
	[sflag:s31] =	ssyncadd.s32 $0xFFFFFE00  }
0x8c: {  	[spmem:s10] =	stream.linear.scatter [tilespmem:s0], [sflag:$0x3], $0x200, $0x38;
	[tilespmem:$0x1E980] =	vst v63  }
0x8d: {  	_ =	swait.ge [sflag:s31], $0x200  }
0x8e: {  	[sflag:s31] =	ssyncset.done $0x0  }
0x8f: {  	s9 =	rddreg [dreg:$0x10];
	[sflag:s31] =	ssyncadd.s32 $0xFFFFFE00  }
0x90: {  	[spmem:s9] =	stream.linear.scatter [tilespmem:s0], [sflag:$0x3], $0x200, $0x38;
	[tilespmem:$0x1E980] =	vst v63  }
0x91: {  	_ =	swait.ge [sflag:s31], $0x200  }
0x92: {  	[sflag:s31] =	ssyncset.done $0x0  }
0x93: {  	s10 =	rddreg [dreg:$0x11];
	[sflag:s31] =	ssyncadd.s32 $0xFFFFFE00  }
0x94: {  	[spmem:s10] =	stream.linear.scatter [tilespmem:s0], [sflag:$0x3], $0x200, $0x38;
	[tilespmem:$0x1E980] =	vst v63  }
0x95: {  	_ =	swait.ge [sflag:s31], $0x200  }
0x96: {  	[sflag:s31] =	ssyncset.done $0x0  }
0x97: {  	s9 =	rddreg [dreg:$0x12];
	[sflag:s31] =	ssyncadd.s32 $0xFFFFFE00  }
0x98: {  	[spmem:s9] =	stream.linear.scatter [tilespmem:s0], [sflag:$0x3], $0x200, $0x38;
	[tilespmem:$0x1E980] =	vst v63  }
0x99: {  	_ =	swait.ge [sflag:s31], $0x200  }
0x9a: {  	[sflag:s31] =	ssyncset.done $0x0  }
0x9b: {  	s10 =	rddreg [dreg:$0x13];
	[sflag:s31] =	ssyncadd.s32 $0xFFFFFE00  }
0x9c: {  	[spmem:s10] =	stream.linear.scatter [tilespmem:s0], [sflag:$0x3], $0x200, $0x38;
	[tilespmem:$0x1E980] =	vst v63  }
0x9d: {  	_ =	swait.ge [sflag:s31], $0x200  }
0x9e: {  	[sflag:s31] =	ssyncset.done $0x0  }
0x9f: {  	s9 =	rddreg [dreg:$0x14];
	[sflag:s31] =	ssyncadd.s32 $0xFFFFFE00  }
0xa0: {  	[spmem:s9] =	stream.linear.scatter [tilespmem:s0], [sflag:$0x3], $0x200, $0x38;
	[tilespmem:$0x1E980] =	vst v63  }
0xa1: {  	_ =	swait.ge [sflag:s31], $0x200  }
0xa2: {  	[sflag:s31] =	ssyncset.done $0x0  }
0xa3: {  	s10 =	rddreg [dreg:$0x15];
	[sflag:s31] =	ssyncadd.s32 $0xFFFFFE00  }
0xa4: {  	[spmem:s10] =	stream.linear.scatter [tilespmem:s0], [sflag:$0x3], $0x200, $0x38;
	[tilespmem:$0x1E980] =	vst v63  }
0xa5: {  	_ =	swait.ge [sflag:s31], $0x200  }
0xa6: {  	[sflag:s31] =	ssyncset.done $0x0  }
0xa7: {  	s9 =	rddreg [dreg:$0x16];
	[sflag:s31] =	ssyncadd.s32 $0xFFFFFE00  }
0xa8: {  	[spmem:s9] =	stream.linear.scatter [tilespmem:s0], [sflag:$0x3], $0x200, $0x38;
	[tilespmem:$0x1E980] =	vst v63  }
0xa9: {  	_ =	swait.ge [sflag:s31], $0x200  }
0xaa: {  	[sflag:s31] =	ssyncset.done $0x0  }
0xab: {  	s10 =	rddreg [dreg:$0x17];
	[sflag:s31] =	ssyncadd.s32 $0xFFFFFE00  }
0xac: {  	[spmem:s10] =	stream.linear.scatter [tilespmem:s0], [sflag:$0x3], $0x200, $0x38;
	[tilespmem:$0x1E980] =	vst v63  }
0xad: {  	_ =	swait.ge [sflag:s31], $0x200  }
0xae: {  	[sflag:s31] =	ssyncset.done $0x0  }
0xaf: {  	s9 =	rddreg [dreg:$0x18];
	[sflag:s31] =	ssyncadd.s32 $0xFFFFFE00  }
0xb0: {  	[spmem:s9] =	stream.linear.scatter [tilespmem:s0], [sflag:$0x3], $0x200, $0x38;
	[tilespmem:$0x1E980] =	vst v63  }
0xb1: {  	_ =	swait.ge [sflag:s31], $0x200  }
0xb2: {  	[sflag:s31] =	ssyncset.done $0x0  }
0xb3: {  	s10 =	rddreg [dreg:$0x19];
	[sflag:s31] =	ssyncadd.s32 $0xFFFFFE00  }
0xb4: {  	[spmem:s10] =	stream.linear.scatter [tilespmem:s0], [sflag:$0x3], $0x200, $0x38;
	[tilespmem:$0x1E980] =	vst v63  }
0xb5: {  	_ =	swait.ge [sflag:s31], $0x200  }
0xb6: {  	[sflag:s31] =	ssyncset.done $0x0  }
0xb7: {  	s9 =	rddreg [dreg:$0x1a];
	[sflag:s31] =	ssyncadd.s32 $0xFFFFFE00  }
0xb8: {  	[spmem:s9] =	stream.linear.scatter [tilespmem:s0], [sflag:$0x3], $0x200, $0x38;
	[tilespmem:$0x1E980] =	vst v63  }
0xb9: {  	_ =	swait.ge [sflag:s31], $0x200  }
0xba: {  	[sflag:s31] =	ssyncset.done $0x0  }
0xbb: {  	s10 =	rddreg [dreg:$0x1b];
	[sflag:s31] =	ssyncadd.s32 $0xFFFFFE00  }
0xbc: {  	[spmem:s10] =	stream.linear.scatter [tilespmem:s0], [sflag:$0x3], $0x200, $0x38;
	[tilespmem:$0x1E980] =	vst v63  }
0xbd: {  	_ =	swait.ge [sflag:s31], $0x200  }
0xbe: {  	[sflag:s31] =	ssyncset.done $0x0  }
0xbf: {  	[sflag:s31] =	ssyncadd.s32 $0xFFFFFE00  }
.LBB2_5:
0xc0: {  	[tilespmem:$0x1E700] =	vst v1  }
0xc1: {  	[tilespmem:$0x1E710] =	vst v1  }
0xc2: {  	[tilespmem:$0x1E720] =	vst v1  }
0xc3: {  	[tilespmem:$0x1E730] =	vst v1  }
0xc4: {  	[tilespmem:$0x1E740] =	vst v1  }
0xc5: {  	[tilespmem:$0x1E750] =	vst v1  }
0xc6: {  	[tilespmem:$0x1E760] =	vst v1  }
0xc7: {  	[tilespmem:$0x1E770] =	vst v1  }
0xc8: {  	s7 =	simm.s32 $0x0;
	[bflag:$0x0] =	sbarrier.arrive $0xFFFF  }
0xc9: {  	[tilespmem:s14], [sflag:$0x3] =	stream.linear.gather [hbm4b:s16+s7], $0x1400, $0x38;
	[tilespmem:$0x1E980] =	vst v63  }
0xca: {  	_ =	swait.ge [sflag:s31], $0x1400  }
0xcb: {  	[sflag:s31] =	ssyncset.done $0x0  }
0xcc: {  	[sflag:s31] =	ssyncadd.s32 $0xFFFFEC00  }
0xcd: {  	[tilespmem:s15], [sflag:$0x3] =	stream.linear.gather [hbm4b:s17+s7], $0x1400, $0x38;
	[tilespmem:$0x1E980] =	vst v63  }
0xce: {  	_ =	swait.ge [sflag:s31], $0x1400  }
0xcf: {  	[sflag:s31] =	ssyncset.done $0x0  }
0xd0: {  	[sflag:s31] =	ssyncadd.s32 $0xFFFFEC00  }
0xd1: {  	[tilespmem:s30], [sflag:$0x1] =	stream.indirect.gather [hbm4b:s1+s20], $0x80, s14, s20, $0xb8;
	[tilespmem:$0x1E980] =	vst v63  }
0xd2: {  	_ = 	snop  }
0xd3: {  	[tilespmem:s23], [sflag:$0x2] =	stream.indirect.gather [hbm4b:s1+s20], $0x80, s22, s20, $0xb8;
	[tilespmem:$0x1E980] =	vst v63  }
0xd4: {  	_ =	swait.ge [sflag:s26], $0x4000  }
0xd5: {  	[sflag:s26] =	ssyncset.done $0x0  }
0xd6: {  	s10 =	simm.s32 $0x15300;
	[sflag:s26] =	ssyncadd.s32 $0xFFFFC000  }
0xd7: {  	[spmem:s2] =	stream.indirect.scatter.add.f32 [tilespmem:s30], [sflag:$0x3], $0x80, s10, s20, $0xb8;
	[tilespmem:$0x1E980] =	vst v63  }
0xd8: {  	_ =	swait.ge [sflag:s31], $0x4000  }
0xd9: {  	[sflag:s31] =	ssyncset.done $0x0  }
0xda: {  	[sflag:s31] =	ssyncadd.s32 $0xFFFFC000  }
0xdb: {  	[spmem:s3] =	stream.indirect.scatter.add.f32 [tilespmem:s28], [sflag:$0x3], $0x1, s10, s20, $0xb8;
	[tilespmem:$0x1E980] =	vst v63  }
0xdc: {  	_ =	swait.ge [sflag:s31], $0x80  }
0xdd: {  	[sflag:s31] =	ssyncset.done $0x0  }
0xde: {  	s9 =	simm.s32 $0x14000;
	[sflag:s31] =	ssyncadd.s32 $0xFFFFFF80  }
0xdf: {  	[tilespmem:s30], [sflag:$0x1] =	stream.indirect.gather [hbm4b:s1+s20], $0x80, s9, s20, $0xb8;
	[tilespmem:$0x1E980] =	vst v63  }
0xe0: {  	_ =	swait.ge [sflag:s29], $0x4000  }
0xe1: {  	[sflag:s29] =	ssyncset.done $0x0  }
0xe2: {  	s10 =	simm.s32 $0x15380;
	[sflag:s29] =	ssyncadd.s32 $0xFFFFC000  }
0xe3: {  	[spmem:s2] =	stream.indirect.scatter.add.f32 [tilespmem:s23], [sflag:$0x3], $0x80, s10, s20, $0xb8;
	[tilespmem:$0x1E980] =	vst v63  }
0xe4: {  	_ =	swait.ge [sflag:s31], $0x4000  }
0xe5: {  	[sflag:s31] =	ssyncset.done $0x0  }
0xe6: {  	[sflag:s31] =	ssyncadd.s32 $0xFFFFC000  }
0xe7: {  	[spmem:s3] =	stream.indirect.scatter.add.f32 [tilespmem:s28], [sflag:$0x3], $0x1, s10, s20, $0xb8;
	[tilespmem:$0x1E980] =	vst v63  }
0xe8: {  	_ =	swait.ge [sflag:s31], $0x80  }
0xe9: {  	[sflag:s31] =	ssyncset.done $0x0  }
0xea: {  	s7 =	simm.s32 $0x400;
	s9 =	simm.s32 $0x14080;
	[sflag:s31] =	ssyncadd.s32 $0xFFFFFF80  }
.LBB2_6:
0xeb: {  	[tilespmem:s23], [sflag:$0x2] =	stream.indirect.gather [hbm4b:s1+s20], $0x80, s9, s20, $0xb8;
	[tilespmem:$0x1E980] =	vst v63  }
0xec: {  	s9 =	smov.u32 s7  }
0xed: {  	p3 =	sne.s32 s7, $0x4800;
	s7 =	sadd.s32 $0x400, s7;
	_ =	swait.ge [sflag:s26], $0x4000  }
0xee: {  	s9 =	sshra.s32 s9, $0x2;
	[sflag:s26] =	ssyncset.done $0x0  }
0xef: {  	s10 =	sadd.s32 $0x15300, s9;
	[sflag:s26] =	ssyncadd.s32 $0xFFFFC000  }
0xf0: {  	[spmem:s2] =	stream.indirect.scatter.add.f32 [tilespmem:s30], [sflag:$0x3], $0x80, s10, s20, $0xb8;
	[tilespmem:$0x1E980] =	vst v63  }
0xf1: {  	_ =	swait.ge [sflag:s31], $0x4000  }
0xf2: {  	[sflag:s31] =	ssyncset.done $0x0  }
0xf3: {  	[sflag:s31] =	ssyncadd.s32 $0xFFFFC000  }
0xf4: {  	[spmem:s3] =	stream.indirect.scatter.add.f32 [tilespmem:s28], [sflag:$0x3], $0x1, s10, s20, $0xb8;
	[tilespmem:$0x1E980] =	vst v63  }
0xf5: {  	_ =	swait.ge [sflag:s31], $0x80  }
0xf6: {  	[sflag:s31] =	ssyncset.done $0x0  }
0xf7: {  	s10 =	sadd.s32 $0x14000, s9;
	[sflag:s31] =	ssyncadd.s32 $0xFFFFFF80  }
0xf8: {  	[tilespmem:s30], [sflag:$0x1] =	stream.indirect.gather [hbm4b:s1+s20], $0x80, s10, s20, $0xb8;
	[tilespmem:$0x1E980] =	vst v63  }
0xf9: {  	_ =	swait.ge [sflag:s29], $0x4000  }
0xfa: {  	[sflag:s29] =	ssyncset.done $0x0  }
0xfb: {  	s10 =	sadd.s32 $0x15380, s9;
	[sflag:s29] =	ssyncadd.s32 $0xFFFFC000  }
0xfc: {  	[spmem:s2] =	stream.indirect.scatter.add.f32 [tilespmem:s23], [sflag:$0x3], $0x80, s10, s20, $0xb8;
	[tilespmem:$0x1E980] =	vst v63  }
0xfd: {  	_ =	swait.ge [sflag:s31], $0x4000  }
0xfe: {  	[sflag:s31] =	ssyncset.done $0x0  }
.Ltmp2:
0xff: {  	[sflag:s31] =	ssyncadd.s32 $0xFFFFC000;
	(pc) =	sbr.rel @p3 .LBB2_6-.Ltmp2, $4  }
0x100: {  	[spmem:s3] =	stream.indirect.scatter.add.f32 [tilespmem:s28], [sflag:$0x3], $0x1, s10, s20, $0xb8;
	[tilespmem:$0x1E980] =	vst v63  }
0x101: {  	_ =	swait.ge [sflag:s31], $0x80  }
0x102: {  	[sflag:s31] =	ssyncset.done $0x0  }
0x103: {  	s9 =	sadd.s32 $0x14080, s9;
	[sflag:s31] =	ssyncadd.s32 $0xFFFFFF80  }
0x104: {  	[tilespmem:s23], [sflag:$0x2] =	stream.indirect.gather [hbm4b:s1+s20], $0x80, s9, s20, $0xb8;
	[tilespmem:$0x1E980] =	vst v63  }
0x105: {  	_ =	swait.ge [sflag:s26], $0x4000  }
0x106: {  	[sflag:s26] =	ssyncset.done $0x0  }
0x107: {  	[sflag:s26] =	ssyncadd.s32 $0xFFFFC000  }
0x108: {  	[spmem:s2] =	stream.indirect.scatter.add.f32 [tilespmem:s30], [sflag:$0x3], $0x80, s5, s20, $0xb8;
	[tilespmem:$0x1E980] =	vst v63  }
0x109: {  	_ =	swait.ge [sflag:s31], $0x4000  }
0x10a: {  	[sflag:s31] =	ssyncset.done $0x0  }
0x10b: {  	[sflag:s31] =	ssyncadd.s32 $0xFFFFC000  }
0x10c: {  	[spmem:s3] =	stream.indirect.scatter.add.f32 [tilespmem:s28], [sflag:$0x3], $0x1, s5, s20, $0xb8;
	[tilespmem:$0x1E980] =	vst v63  }
0x10d: {  	_ =	swait.ge [sflag:s31], $0x80  }
0x10e: {  	[sflag:s31] =	ssyncset.done $0x0  }
0x10f: {  	[sflag:s31] =	ssyncadd.s32 $0xFFFFFF80  }
0x110: {  	_ =	swait.ge [sflag:s29], $0x4000  }
0x111: {  	[sflag:s29] =	ssyncset.done $0x0  }
0x112: {  	[sflag:s29] =	ssyncadd.s32 $0xFFFFC000  }
0x113: {  	[spmem:s2] =	stream.indirect.scatter.add.f32 [tilespmem:s23], [sflag:$0x3], $0x80, s6, s20, $0xb8;
	[tilespmem:$0x1E980] =	vst v63  }
0x114: {  	_ =	swait.ge [sflag:s31], $0x4000  }
0x115: {  	[sflag:s31] =	ssyncset.done $0x0  }
0x116: {  	[sflag:s31] =	ssyncadd.s32 $0xFFFFC000  }
0x117: {  	[spmem:s3] =	stream.indirect.scatter.add.f32 [tilespmem:s28], [sflag:$0x3], $0x1, s6, s20, $0xb8;
	[tilespmem:$0x1E980] =	vst v63  }
0x118: {  	_ =	swait.ge [sflag:s31], $0x80  }
0x119: {  	[sflag:s31] =	ssyncset.done $0x0  }
0x11a: {  	s7 =	simm.s32 $0x0;
	[sflag:s31] =	ssyncadd.s32 $0xFFFFFF80  }
0x11b: {  	[tilespmem:s14], [sflag:$0x3] =	stream.linear.gather [hbm4b:s18+s7], $0x1400, $0x38;
	[tilespmem:$0x1E980] =	vst v63  }
0x11c: {  	_ =	swait.ge [sflag:s31], $0x1400  }
0x11d: {  	[sflag:s31] =	ssyncset.done $0x0  }
0x11e: {  	[sflag:s31] =	ssyncadd.s32 $0xFFFFEC00  }
0x11f: {  	[tilespmem:s15], [sflag:$0x3] =	stream.linear.gather [hbm4b:s19+s7], $0x1400, $0x38;
	[tilespmem:$0x1E980] =	vst v63  }
0x120: {  	_ =	swait.ge [sflag:s31], $0x1400  }
0x121: {  	[sflag:s31] =	ssyncset.done $0x0  }
0x122: {  	[sflag:s31] =	ssyncadd.s32 $0xFFFFEC00  }
0x123: {  	[tilespmem:s30], [sflag:$0x1] =	stream.indirect.gather [hbm4b:s1+s20], $0x80, s14, s20, $0xb8;
	[tilespmem:$0x1E980] =	vst v63  }
0x124: {  	_ = 	snop  }
0x125: {  	[tilespmem:s23], [sflag:$0x2] =	stream.indirect.gather [hbm4b:s1+s20], $0x80, s22, s20, $0xb8;
	[tilespmem:$0x1E980] =	vst v63  }
0x126: {  	_ =	swait.ge [sflag:s26], $0x4000  }
0x127: {  	[sflag:s26] =	ssyncset.done $0x0  }
0x128: {  	s10 =	simm.s32 $0x15300;
	[sflag:s26] =	ssyncadd.s32 $0xFFFFC000  }
0x129: {  	[spmem:s2] =	stream.indirect.scatter.add.f32 [tilespmem:s30], [sflag:$0x3], $0x80, s10, s20, $0xb8;
	[tilespmem:$0x1E980] =	vst v63  }
0x12a: {  	_ =	swait.ge [sflag:s31], $0x4000  }
0x12b: {  	[sflag:s31] =	ssyncset.done $0x0  }
0x12c: {  	[sflag:s31] =	ssyncadd.s32 $0xFFFFC000  }
0x12d: {  	[spmem:s3] =	stream.indirect.scatter.add.f32 [tilespmem:s28], [sflag:$0x3], $0x1, s10, s20, $0xb8;
	[tilespmem:$0x1E980] =	vst v63  }
0x12e: {  	_ =	swait.ge [sflag:s31], $0x80  }
0x12f: {  	[sflag:s31] =	ssyncset.done $0x0  }
0x130: {  	s9 =	simm.s32 $0x14000;
	[sflag:s31] =	ssyncadd.s32 $0xFFFFFF80  }
0x131: {  	[tilespmem:s30], [sflag:$0x1] =	stream.indirect.gather [hbm4b:s1+s20], $0x80, s9, s20, $0xb8;
	[tilespmem:$0x1E980] =	vst v63  }
0x132: {  	_ =	swait.ge [sflag:s29], $0x4000  }
0x133: {  	[sflag:s29] =	ssyncset.done $0x0  }
0x134: {  	s10 =	simm.s32 $0x15380;
	[sflag:s29] =	ssyncadd.s32 $0xFFFFC000  }
0x135: {  	[spmem:s2] =	stream.indirect.scatter.add.f32 [tilespmem:s23], [sflag:$0x3], $0x80, s10, s20, $0xb8;
	[tilespmem:$0x1E980] =	vst v63  }
0x136: {  	_ =	swait.ge [sflag:s31], $0x4000  }
0x137: {  	[sflag:s31] =	ssyncset.done $0x0  }
0x138: {  	[sflag:s31] =	ssyncadd.s32 $0xFFFFC000  }
0x139: {  	[spmem:s3] =	stream.indirect.scatter.add.f32 [tilespmem:s28], [sflag:$0x3], $0x1, s10, s20, $0xb8;
	[tilespmem:$0x1E980] =	vst v63  }
0x13a: {  	_ =	swait.ge [sflag:s31], $0x80  }
0x13b: {  	[sflag:s31] =	ssyncset.done $0x0  }
0x13c: {  	s7 =	simm.s32 $0x400;
	s9 =	simm.s32 $0x14080;
	[sflag:s31] =	ssyncadd.s32 $0xFFFFFF80  }
.LBB2_8:
0x13d: {  	[tilespmem:s23], [sflag:$0x2] =	stream.indirect.gather [hbm4b:s1+s20], $0x80, s9, s20, $0xb8;
	[tilespmem:$0x1E980] =	vst v63  }
0x13e: {  	s9 =	smov.u32 s7  }
0x13f: {  	p3 =	sne.s32 s7, $0x4800;
	s7 =	sadd.s32 $0x400, s7;
	_ =	swait.ge [sflag:s26], $0x4000  }
0x140: {  	s9 =	sshra.s32 s9, $0x2;
	[sflag:s26] =	ssyncset.done $0x0  }
0x141: {  	s10 =	sadd.s32 $0x15300, s9;
	[sflag:s26] =	ssyncadd.s32 $0xFFFFC000  }
0x142: {  	[spmem:s2] =	stream.indirect.scatter.add.f32 [tilespmem:s30], [sflag:$0x3], $0x80, s10, s20, $0xb8;
	[tilespmem:$0x1E980] =	vst v63  }
0x143: {  	_ =	swait.ge [sflag:s31], $0x4000  }
0x144: {  	[sflag:s31] =	ssyncset.done $0x0  }
0x145: {  	[sflag:s31] =	ssyncadd.s32 $0xFFFFC000  }
0x146: {  	[spmem:s3] =	stream.indirect.scatter.add.f32 [tilespmem:s28], [sflag:$0x3], $0x1, s10, s20, $0xb8;
	[tilespmem:$0x1E980] =	vst v63  }
0x147: {  	_ =	swait.ge [sflag:s31], $0x80  }
0x148: {  	[sflag:s31] =	ssyncset.done $0x0  }
0x149: {  	s10 =	sadd.s32 $0x14000, s9;
	[sflag:s31] =	ssyncadd.s32 $0xFFFFFF80  }
0x14a: {  	[tilespmem:s30], [sflag:$0x1] =	stream.indirect.gather [hbm4b:s1+s20], $0x80, s10, s20, $0xb8;
	[tilespmem:$0x1E980] =	vst v63  }
0x14b: {  	_ =	swait.ge [sflag:s29], $0x4000  }
0x14c: {  	[sflag:s29] =	ssyncset.done $0x0  }
0x14d: {  	s10 =	sadd.s32 $0x15380, s9;
	[sflag:s29] =	ssyncadd.s32 $0xFFFFC000  }
0x14e: {  	[spmem:s2] =	stream.indirect.scatter.add.f32 [tilespmem:s23], [sflag:$0x3], $0x80, s10, s20, $0xb8;
	[tilespmem:$0x1E980] =	vst v63  }
0x14f: {  	_ =	swait.ge [sflag:s31], $0x4000  }
0x150: {  	[sflag:s31] =	ssyncset.done $0x0  }
.Ltmp3:
0x151: {  	[sflag:s31] =	ssyncadd.s32 $0xFFFFC000;
	(pc) =	sbr.rel @p3 .LBB2_8-.Ltmp3, $4  }
0x152: {  	[spmem:s3] =	stream.indirect.scatter.add.f32 [tilespmem:s28], [sflag:$0x3], $0x1, s10, s20, $0xb8;
	[tilespmem:$0x1E980] =	vst v63  }
0x153: {  	_ =	swait.ge [sflag:s31], $0x80  }
0x154: {  	[sflag:s31] =	ssyncset.done $0x0  }
0x155: {  	s9 =	sadd.s32 $0x14080, s9;
	[sflag:s31] =	ssyncadd.s32 $0xFFFFFF80  }
0x156: {  	[tilespmem:s23], [sflag:$0x2] =	stream.indirect.gather [hbm4b:s1+s20], $0x80, s9, s20, $0xb8;
	[tilespmem:$0x1E980] =	vst v63  }
0x157: {  	_ =	swait.ge [sflag:s26], $0x4000  }
0x158: {  	[sflag:s26] =	ssyncset.done $0x0  }
0x159: {  	[sflag:s26] =	ssyncadd.s32 $0xFFFFC000  }
0x15a: {  	[spmem:s2] =	stream.indirect.scatter.add.f32 [tilespmem:s30], [sflag:$0x3], $0x80, s5, s20, $0xb8;
	[tilespmem:$0x1E980] =	vst v63  }
0x15b: {  	_ =	swait.ge [sflag:s31], $0x4000  }
0x15c: {  	[sflag:s31] =	ssyncset.done $0x0  }
0x15d: {  	[sflag:s31] =	ssyncadd.s32 $0xFFFFC000  }
0x15e: {  	[spmem:s3] =	stream.indirect.scatter.add.f32 [tilespmem:s28], [sflag:$0x3], $0x1, s5, s20, $0xb8;
	[tilespmem:$0x1E980] =	vst v63  }
0x15f: {  	_ =	swait.ge [sflag:s31], $0x80  }
0x160: {  	[sflag:s31] =	ssyncset.done $0x0  }
0x161: {  	[sflag:s31] =	ssyncadd.s32 $0xFFFFFF80  }
0x162: {  	_ =	swait.ge [sflag:s29], $0x4000  }
0x163: {  	[sflag:s29] =	ssyncset.done $0x0  }
0x164: {  	[sflag:s29] =	ssyncadd.s32 $0xFFFFC000  }
0x165: {  	[spmem:s2] =	stream.indirect.scatter.add.f32 [tilespmem:s23], [sflag:$0x3], $0x80, s6, s20, $0xb8;
	[tilespmem:$0x1E980] =	vst v63  }
0x166: {  	_ =	swait.ge [sflag:s31], $0x4000  }
0x167: {  	[sflag:s31] =	ssyncset.done $0x0  }
0x168: {  	[sflag:s31] =	ssyncadd.s32 $0xFFFFC000  }
0x169: {  	[spmem:s3] =	stream.indirect.scatter.add.f32 [tilespmem:s28], [sflag:$0x3], $0x1, s6, s20, $0xb8;
	[tilespmem:$0x1E980] =	vst v63  }
0x16a: {  	_ =	swait.ge [sflag:s31], $0x80  }
0x16b: {  	s7 =	stileid.u32;
	[sflag:s31] =	ssyncset.done $0x0  }
0x16c: {  	s7 =	sshll.u32 s7, $0x6;
	[sflag:s31] =	ssyncadd.s32 $0xFFFFFF80  }
0x16d: {  	s10 =	sshrl.u32 s8, $0x3;
	s7 =	sor.u32 $0x1C03, s7;
	[bflag:$0x0] =	sbarrier.arrive $0xFFFF  }
0x16e: {  	[hbm:s21], [sflag:s7] =	dma.local [spmem:s10], $0x2700  }
0x16f: {  	_ =	swait.ge [sflag:s31], $0x2700  }
0x170: {  	[sflag:s31] =	ssyncset.done $0x0  }
0x171: {  	s9 =	sshrl.u32 @!p0 s13, $0x3;
	[sflag:s31] =	ssyncadd.s32 $0xFFFFD900  }
0x172: {  	[hbm:s24], [sflag:s7] =	dma.local @!p0 [spmem:s9], $0x100  }
0x173: {  	s9 =	simm.s32 @!p0 $0x3  }
0x174: {  	_ =	swait.ge @!p0 [sflag:s9], $0x100  }
0x175: {  	[sflag:s9] =	ssyncset.done @!p0 $0x0  }
0x176: {  	s10 =	rddreg [dreg:$0x5];
	[sflag:s9] =	ssyncadd.s32 @!p0 $0xFFFFFF00;
	s9 =	sshrl.u32 @!p1 s3, $0x3  }
0x177: {  	[hbm:s10], [sflag:s7] =	dma.local @!p1 [spmem:s9], $0x500  }
0x178: {  	s9 =	simm.s32 @!p1 $0x3  }
0x179: {  	s4 =	sadd.s32 $0x1, s4;
	_ =	swait.ge @!p1 [sflag:s9], $0x500  }
0x17a: {  	p3 =	sne.s32 s4, s25;
	[sflag:s9] =	ssyncset.done @!p1 $0x0  }
0x17b: {  	s10 =	rddreg [dreg:$0x6];
	[sflag:s9] =	ssyncadd.s32 @!p1 $0xFFFFFB00;
	s9 =	sshrl.u32 @p2 s3, $0x3  }
0x17c: {  	[hbm:s10], [sflag:s7] =	dma.local @p2 [spmem:s9], $0x500  }
.Ltmp4:
0x17d: {  	_ = 	snop;
	(pc) =	sbr.rel @p3 .LBB2_1-.Ltmp4, $4  }
0x17e: {  	s7 =	simm.s32 @p2 $0x3  }
0x17f: {  	_ =	swait.ge @p2 [sflag:s7], $0x500  }
0x180: {  	[sflag:s7] =	ssyncset.done @p2 $0x0  }
0x181: {  	[sflag:s7] =	ssyncadd.s32 @p2 $0xFFFFFB00  }
0x182: {  	_ =	sfence.sel $0x180000  }
0x183: {  	[bflag:$0x0] =	sbarrier.arrive $0xFFFF  }
0x184: {  	_ =	strace $0x90000047  }
0x185: {  	[bflag:$0x2] =	sbarrier.arrive $0xFFFF  }
0x186: {  	s0 =	rddreg [dreg:$0x4]  }
0x187: {  	s0 =	sadd.s32 @!p0 $0x100000, s0  }
0x188: {  	[sflag:s0] =	ssyncadd.tile.s32 @!p0 $0x1;
	_ =	shalt  }
.Lfunc_end2:
_tile_overlayer_lowered:
.L_overlay_start_2:
0x189: {  	(tag) =	ssettag $0x2  }
0x18a: {  	s0 =	rddreg [dreg:$0x0];
	s2 =	stileid.u32  }
0x18b: {  	s1 =	rddreg [dreg:$0x1];
	p0 =	sne.s32 s2, $0x0  }
0x18c: {  	s3 =	rddreg [dreg:$0x2];
	[bflag:$0x3] =	sbarrier.arrive $0xFFFF;
	s2 =	simm.s32 @!p0 $0x1C03  }
0x18d: {  	[timem:s3], [sflag:s2] =	dma.local @!p0 [hbm:s0], s1  }
0x18e: {  	s0 =	simm.s32 @!p0 $0x3  }
0x18f: {  	_ =	swait.ge @!p0 [sflag:s0], s1  }
0x190: {  	s1 =	ssub.s32 @!p0 $0x0, s1;
	[sflag:s0] =	ssyncset.done @!p0 $0x0  }
0x191: {  	[sflag:s0] =	ssyncadd.s32 @!p0 s1  }
0x192: {  	[bflag:$0x3] =	sbarrier.arrive $0xFFFF  }
0x193: {  	_ =	shalt  }

</sc_bundles>
